<compile_context>
chip_gen: v7x
topology: tpu7x:2x2x1
jax: 0.10.2.dev20260603
libtpu: 0.0.44.dev20260713+nightly
codegen_flags: <defaults>
</compile_context>

<pallas_src>
import functools

import jax
import jax.numpy as jnp
from jax import lax
from jax.experimental import pallas as pl
from jax.experimental.pallas import tpu as pltpu
from jax.experimental.pallas import tpu_sc as plsc

_NEG = -3.0e38
_K = 20
_BF = jnp.bfloat16


def _mm(a, b):
    return lax.dot_general(a.astype(_BF), b.astype(_BF),
                           (((1,), (1,)), ((), ())),
                           preferred_element_type=jnp.float32)


def _bn_lrelu(y, g, b, m, v):
    t = (y - m) / jnp.sqrt(v + 1e-5) * g + b
    return jnp.where(t >= 0.0, t, 0.2 * t)


def _knn_call(xt, blk=512):
    B, N, C = xt.shape

    def body(xblk_ref, xall_ref, idx_ref):
        b = pl.program_id(0)
        xb = xblk_ref[0]
        xa = xall_ref[0]
        dot = _mm(xb, xa)
        xxr = jnp.sum(xb * xb, axis=1)
        xxc = jnp.sum(xa * xa, axis=1)
        s = (2.0 * dot - xxr[:, None]) - xxc[None, :]
        iota = lax.broadcasted_iota(jnp.int32, (blk, N), 1)
        cols = []
        for _ in range(_K):
            m = jnp.max(s, axis=1, keepdims=True)
            eq = s == m
            cols.append(jnp.min(jnp.where(eq, iota, N), axis=1))
            s = jnp.where(eq, _NEG, s)
        idx_ref[0] = jnp.stack(cols, axis=1) + b * N

    return pl.pallas_call(
        body,
        grid=(B, N // blk),
        in_specs=[
            pl.BlockSpec((1, blk, C), lambda b, n: (b, n, 0)),
            pl.BlockSpec((1, N, C), lambda b, n: (b, 0, 0)),
        ],
        out_specs=pl.BlockSpec((1, blk, _K), lambda b, n: (b, n, 0)),
        out_shape=jax.ShapeDtypeStruct((B, N, _K), jnp.int32),
    )(xt, xt)


def _gather_rows_sc(xp, idx3):
    R, Cp = xp.shape
    NW = 32
    PW = R // NW
    PC = 16
    NCH = PW // PC
    NSUB = (PC * _K) // 80

    @functools.partial(
        pl.kernel,
        mesh=plsc.VectorSubcoreMesh(core_axis_name="c", subcore_axis_name="s"),
        out_type=jax.ShapeDtypeStruct((R * _K, Cp), jnp.float32),
        scratch_types=[
            pltpu.VMEM(((PW * _K) // 80, 80), jnp.int32),
            pltpu.VMEM((PC * _K, Cp), jnp.float32),
            pltpu.SemaphoreType.DMA,
        ],
    )
    def k(xp_hbm, idx_hbm, out_hbm, idx_v, rows_v, sem):
        wid = lax.axis_index("s") * 2 + lax.axis_index("c")
        pltpu.sync_copy(idx_hbm.at[wid], idx_v)

        def chunk(c, carry):
            base = wid * PW + c * PC
            cps = [
                pltpu.async_copy(xp_hbm.at[idx_v.at[c * NSUB + d]],
                                 rows_v.at[pl.ds(d * 80, 80)], sem)
                for d in range(NSUB)
            ]
            for cp in cps:
                cp.wait()
            pltpu.sync_copy(rows_v, out_hbm.at[pl.ds(base * _K, PC * _K)])
            return carry

        lax.fori_loop(0, NCH, chunk, 0)

    return k(xp, idx3)


def _edgeconv_call(xp, diff, W, g, b, m, v, C, cpn, blkp=128):
    R, Cp = xp.shape
    Cout = W.shape[0]
    Wa, Wb = W[:, :C], W[:, C:]

    def body(x_ref, d_ref, wa_ref, wb_ref, g_ref, b_ref, m_ref, v_ref,
             out_ref, pad_ref):
        xb = x_ref[...][:, :C]
        y1 = _mm(xb, wa_ref[...])
        rows = d_ref[...][:, :C]
        xrep = jnp.broadcast_to(xb[:, None, :], (blkp, _K, C)).reshape(
            blkp * _K, C)
        y2 = _mm(rows - xrep, wb_ref[...]).reshape(blkp, _K, Cout)
        M = jnp.max(y2, axis=1)
        t = _bn_lrelu(y1 + M, g_ref[...], b_ref[...], m_ref[...], v_ref[...])
        out_ref[...] = t
        pad_ref[...] = jnp.concatenate(
            [t, jnp.zeros((blkp, cpn - Cout), jnp.float32)], axis=1) \
            if cpn > Cout else t

    return pl.pallas_call(
        body,
        grid=(R // blkp,),
        in_specs=[
            pl.BlockSpec((blkp, Cp), lambda r: (r, 0)),
            pl.BlockSpec((blkp * _K, Cp), lambda r: (r, 0)),
            pl.BlockSpec((Cout, C), lambda r: (0, 0)),
            pl.BlockSpec((Cout, C), lambda r: (0, 0)),
            pl.BlockSpec((1, Cout), lambda r: (0, 0)),
            pl.BlockSpec((1, Cout), lambda r: (0, 0)),
            pl.BlockSpec((1, Cout), lambda r: (0, 0)),
            pl.BlockSpec((1, Cout), lambda r: (0, 0)),
        ],
        out_specs=[
            pl.BlockSpec((blkp, Cout), lambda r: (r, 0)),
            pl.BlockSpec((blkp, cpn), lambda r: (r, 0)),
        ],
        out_shape=[
            jax.ShapeDtypeStruct((R, Cout), jnp.float32),
            jax.ShapeDtypeStruct((R, cpn), jnp.float32),
        ],
    )(xp, diff, Wa, Wb, g.reshape(1, -1), b.reshape(1, -1),
      m.reshape(1, -1), v.reshape(1, -1))


def _head_global(x1, x2, x3, x4, W5, g5, b5, m5, v5, blk=512):
    B, N, _ = x1.shape
    Cg = W5.shape[0]

    def body(x1r, x2r, x3r, x4r, wr, gr, br, mr, vr, outr):
        n = pl.program_id(1)
        xc = jnp.concatenate([x1r[0], x2r[0], x3r[0], x4r[0]], axis=1)
        xg = _bn_lrelu(_mm(xc, wr[...]), gr[...], br[...], mr[...], vr[...])
        m = jnp.max(xg, axis=0, keepdims=True)[None]

        @pl.when(n == 0)
        def _():
            outr[...] = m

        @pl.when(n != 0)
        def _():
            outr[...] = jnp.maximum(outr[...], m)

    ins = [pl.BlockSpec((1, blk, a.shape[2]), lambda b, n: (b, n, 0))
           for a in (x1, x2, x3, x4)]
    return pl.pallas_call(
        body,
        grid=(B, N // blk),
        in_specs=ins + [pl.BlockSpec(W5.shape, lambda b, n: (0, 0))] +
        [pl.BlockSpec((1, Cg), lambda b, n: (0, 0))] * 4,
        out_specs=pl.BlockSpec((1, 1, Cg), lambda b, n: (b, 0, 0)),
        out_shape=jax.ShapeDtypeStruct((B, 1, Cg), jnp.float32),
    )(x1, x2, x3, x4, W5, g5.reshape(1, -1), b5.reshape(1, -1),
      m5.reshape(1, -1), v5.reshape(1, -1))


def _head_seg(x1, x2, x3, x4, xglob, Wh1a, Wh1b, gh1, bh1, mh1, vh1,
              Wh2, gh2, bh2, mh2, vh2, Wh3, blk=512):
    B, N, _ = x1.shape
    NC = Wh3.shape[0]

    def body(x1r, x2r, x3r, x4r, gr, w1ar, w1br, g1r, b1r, m1r, v1r,
             w2r, g2r, b2r, m2r, v2r, w3r, outr):
        xc = jnp.concatenate([x1r[0], x2r[0], x3r[0], x4r[0]], axis=1)
        h = _mm(xc, w1ar[...]) + _mm(gr[0], w1br[...])
        h = _bn_lrelu(h, g1r[...], b1r[...], m1r[...], v1r[...])
        h = _bn_lrelu(_mm(h, w2r[...]), g2r[...], b2r[...], m2r[...], v2r[...])
        outr[0] = _mm(h, w3r[...])

    ins = [pl.BlockSpec((1, blk, a.shape[2]), lambda b, n: (b, n, 0))
           for a in (x1, x2, x3, x4)]
    return pl.pallas_call(
        body,
        grid=(B, N // blk),
        in_specs=ins + [
            pl.BlockSpec((1, 1, xglob.shape[2]), lambda b, n: (b, 0, 0)),
            pl.BlockSpec(Wh1a.shape, lambda b, n: (0, 0)),
            pl.BlockSpec(Wh1b.shape, lambda b, n: (0, 0)),
            pl.BlockSpec((1, 512), lambda b, n: (0, 0)),
            pl.BlockSpec((1, 512), lambda b, n: (0, 0)),
            pl.BlockSpec((1, 512), lambda b, n: (0, 0)),
            pl.BlockSpec((1, 512), lambda b, n: (0, 0)),
            pl.BlockSpec(Wh2.shape, lambda b, n: (0, 0)),
            pl.BlockSpec((1, 256), lambda b, n: (0, 0)),
            pl.BlockSpec((1, 256), lambda b, n: (0, 0)),
            pl.BlockSpec((1, 256), lambda b, n: (0, 0)),
            pl.BlockSpec((1, 256), lambda b, n: (0, 0)),
            pl.BlockSpec(Wh3.shape, lambda b, n: (0, 0)),
        ],
        out_specs=pl.BlockSpec((1, blk, NC), lambda b, n: (b, n, 0)),
        out_shape=jax.ShapeDtypeStruct((B, N, NC), jnp.float32),
    )(x1, x2, x3, x4, xglob, Wh1a, Wh1b,
      gh1.reshape(1, -1), bh1.reshape(1, -1), mh1.reshape(1, -1),
      vh1.reshape(1, -1), Wh2, gh2.reshape(1, -1), bh2.reshape(1, -1),
      mh2.reshape(1, -1), vh2.reshape(1, -1), Wh3)


def _edge_layer(xp, W, g, b, m, v, C, cpn):
    R, Cp = xp.shape
    B, N = 4, 2048
    idx = _knn_call(xp.reshape(B, N, Cp))
    rows = _gather_rows_sc(xp, idx.reshape(32, (R * _K) // (32 * 80), 80))
    return _edgeconv_call(xp, rows, W, g, b, m, v, C, cpn)


def kernel(x, W1, g1, b1, m1, v1, W2, g2, b2, m2, v2, W3, g3, b3, m3, v3,
           W4, g4, b4, m4, v4, W5, g5, b5, m5, v5, Wh1, gh1, bh1, mh1, vh1,
           Wh2, gh2, bh2, mh2, vh2, Wh3):
    B, N, F = x.shape
    R = B * N
    xp0 = jnp.pad(x.reshape(R, F), ((0, 0), (0, 128 - F)))

    x1, x1p = _edge_layer(xp0, W1, g1, b1, m1, v1, F, 128)
    x2, x2p = _edge_layer(x1p, W2, g2, b2, m2, v2, 64, 128)
    x3, x3p = _edge_layer(x2p, W3, g3, b3, m3, v3, 64, 128)
    x4, _ = _edge_layer(x3p, W4, g4, b4, m4, v4, 128, 256)

    x1 = x1.reshape(B, N, 64)
    x2 = x2.reshape(B, N, 64)
    x3 = x3.reshape(B, N, 128)
    x4 = x4.reshape(B, N, 256)

    xglob = _head_global(x1, x2, x3, x4, W5, g5, b5, m5, v5)
    return _head_seg(x1, x2, x3, x4, xglob, Wh1[:, :512], Wh1[:, 512:],
                     gh1, bh1, mh1, vh1, Wh2, gh2, bh2, mh2, vh2, Wh3)

# --- scband reference (transcript-rebuilt; emitter-appended) ---
"""Pipeline reference for scband-dgcnnsem-seg-78365973283369 (READ-ONLY COPY).

The authoritative reference and input builder live on the scoring server;
editing this copy changes nothing except your own understanding.
"""

import jax, jax.numpy as jnp
import numpy as np

def _bn(x, g, b, m, v):
    shape = (1, -1) + (1,) * (x.ndim - 2)
    return (x - m.reshape(shape)) / jnp.sqrt(v.reshape(shape) + 1e-5) * g.reshape(shape) + b.reshape(shape)

def _lrelu(x):
    return jnp.where(x >= 0, x, 0.2 * x)

def _knn(x, k):
    inner = -2.0 * jnp.einsum('bcn,bcm->bnm', x, x)
    xx = jnp.sum(x * x, axis=1, keepdims=True)
    pd = -xx - inner - jnp.transpose(xx, (0, 2, 1))
    return jax.lax.top_k(pd, k)[1]

def _graph_feature(x, k):
    B, C, N = x.shape
    idx = _knn(x, k)
    idx_base = jnp.arange(B).reshape(-1, 1, 1) * N
    idx_flat = (idx + idx_base).reshape(-1)
    x_t = jnp.transpose(x, (0, 2, 1))
    flat = x_t.reshape(B * N, C)
    feature = flat[idx_flat].reshape(B, N, k, C)
    xc = jnp.broadcast_to(x_t[:, :, None, :], (B, N, k, C))
    feat = jnp.concatenate([xc, feature - xc], axis=3)
    return jnp.transpose(feat, (0, 3, 1, 2))

def setup_inputs(seed: int = 0):
    key = jax.random.key(seed)
    B, N, F_in, NC = 4, 2048, 9, 13
    keys = jax.random.split(key, 64)
    ki = iter(range(64))
    inp = {}
    inp['x'] = jax.random.normal(keys[next(ki)], (B, N, F_in), dtype=jnp.float32)
    def w(shape):
        return jax.random.normal(keys[next(ki)], shape, dtype=jnp.float32) * (1.0 / np.sqrt(shape[1]))
    def bnp(c, name):
        inp['g' + name] = jax.random.uniform(keys[next(ki)], (c,), minval=0.5, maxval=1.5, dtype=jnp.float32)
        inp['b' + name] = jax.random.normal(keys[next(ki)], (c,), dtype=jnp.float32) * 0.1
        inp['m' + name] = jax.random.normal(keys[next(ki)], (c,), dtype=jnp.float32) * 0.1
        inp['v' + name] = jax.random.uniform(keys[next(ki)], (c,), minval=0.5, maxval=1.5, dtype=jnp.float32)
    inp['W1'] = w((64, 18)); bnp(64, '1')
    inp['W2'] = w((64, 128)); bnp(64, '2')
    inp['W3'] = w((128, 128)); bnp(128, '3')
    inp['W4'] = w((256, 256)); bnp(256, '4')
    inp['W5'] = w((1024, 512)); bnp(1024, '5')
    inp['Wh1'] = w((512, 1536)); bnp(512, 'h1')
    inp['Wh2'] = w((256, 512)); bnp(256, 'h2')
    inp['Wh3'] = w((NC, 256))
    return inp

def reference(x, W1, g1, b1, m1, v1, W2, g2, b2, m2, v2, W3, g3, b3, m3, v3, W4, g4, b4, m4, v4, W5, g5, b5, m5, v5, Wh1, gh1, bh1, mh1, vh1, Wh2, gh2, bh2, mh2, vh2, Wh3):
    k = 20
    xt = jnp.transpose(x, (0, 2, 1))
    B, C, N = xt.shape
    f = _graph_feature(xt, k)
    x1 = jnp.max(_lrelu(_bn(jnp.einsum('oc,bcnk->bonk', W1, f), g1, b1, m1, v1)), axis=-1)
    f = _graph_feature(x1, k)
    x2 = jnp.max(_lrelu(_bn(jnp.einsum('oc,bcnk->bonk', W2, f), g2, b2, m2, v2)), axis=-1)
    f = _graph_feature(x2, k)
    x3 = jnp.max(_lrelu(_bn(jnp.einsum('oc,bcnk->bonk', W3, f), g3, b3, m3, v3)), axis=-1)
    f = _graph_feature(x3, k)
    x4 = jnp.max(_lrelu(_bn(jnp.einsum('oc,bcnk->bonk', W4, f), g4, b4, m4, v4)), axis=-1)
    xcat = jnp.concatenate([x1, x2, x3, x4], axis=1)
    xg = _lrelu(_bn(jnp.einsum('oc,bcn->bon', W5, xcat), g5, b5, m5, v5))
    xglob = jnp.max(xg, axis=-1, keepdims=True)
    xcomb = jnp.concatenate([xcat, jnp.broadcast_to(xglob, (xcat.shape[0], 1024, N))], axis=1)
    h = _lrelu(_bn(jnp.einsum('oc,bcn->bon', Wh1, xcomb), gh1, bh1, mh1, vh1))
    h = _lrelu(_bn(jnp.einsum('oc,bcn->bon', Wh2, h), gh2, bh2, mh2, vh2))
    seg = jnp.einsum('oc,bcn->bon', Wh3, h)
    return jnp.transpose(seg, (0, 2, 1))

if __name__ == "__main__":
    import jax
    _d = setup_inputs()
    print(jax.jit(kernel)(*tuple(_d.values())))

</pallas_src>

<mosaic_0001>
#map = affine_map<(d0, d1) -> (0, 0)>
#map1 = affine_map<(d0, d1) -> (0, 0, 0)>
module attributes {stable_mosaic.version = 14 : i64} {
  func.func @k(%arg0: i32, %arg1: i32, %arg2: memref<8192x128xf32, #tpu.memory_space<hbm>>, %arg3: memref<32x64x80xi32, #tpu.memory_space<hbm>>, %arg4: memref<163840x128xf32, #tpu.memory_space<hbm>>, %arg5: memref<64x80xi32, #tpu.memory_space<vmem>>, %arg6: memref<320x128xf32, #tpu.memory_space<vmem>>, %arg7: memref<!tpu.dma_semaphore, #tpu.memory_space<semaphore_mem>>) attributes {dimension_semantics = [#tpu.dimension_semantics<core_parallel>, #tpu.dimension_semantics<subcore_parallel>], iteration_bounds = array<i64: 2, 16>, scalar_prefetch = 0 : i64, scratch_operands = 3 : i64, tpu.core_type = #tpu.core_type<sc_vector_subcore>, window_params = [{transform_indices = #map}, {transform_indices = #map1}, {transform_indices = #map}]} {
    %mul3A = arith.constant 2 : i32
    %mul3A_0 = arith.muli %arg1, %mul3A : i32
    %add3A = arith.addi %mul3A_0, %arg0 : i32
    "tpu.region"() ({
      %run_scoped3A = tpu.sem_alloc : memref<!tpu.dma_semaphore, #tpu.memory_space<semaphore_mem>>
      %dma_start3A = arith.constant 0 : i32
      %dma_start3A_6 = arith.constant 0 : i32
      %dma_start3A_7 = tpu.memref_slice %arg3[%add3A, %dma_start3A, %dma_start3A_6] : memref<32x64x80xi32, #tpu.memory_space<hbm>> -> memref<1x64x80xi32, #tpu.memory_space<hbm>>
      %dma_start3A_8 = tpu.memref_squeeze %dma_start3A_7 : memref<1x64x80xi32, #tpu.memory_space<hbm>> -> memref<64x80xi32, #tpu.memory_space<hbm>>
      %dma_start3A_9 = arith.constant 0 : i32
      %dma_start3A_10 = arith.constant 0 : i32
      %dma_start3A_11 = tpu.memref_slice %arg3[%add3A, %dma_start3A_9, %dma_start3A_10] : memref<32x64x80xi32, #tpu.memory_space<hbm>> -> memref<1x64x80xi32, #tpu.memory_space<hbm>>
      %dma_start3A_12 = tpu.memref_squeeze %dma_start3A_11 : memref<1x64x80xi32, #tpu.memory_space<hbm>> -> memref<64x80xi32, #tpu.memory_space<hbm>>
      tpu.enqueue_dma source(%dma_start3A_12 : memref<64x80xi32, #tpu.memory_space<hbm>>) target(%arg5 : memref<64x80xi32, #tpu.memory_space<vmem>>) target_semaphore(%run_scoped3A : memref<!tpu.dma_semaphore, #tpu.memory_space<semaphore_mem>>)
      %dma_wait3A = arith.constant 0 : i32
      %dma_wait3A_13 = arith.constant 0 : i32
      %dma_wait3A_14 = tpu.memref_slice %arg3[%add3A, %dma_wait3A, %dma_wait3A_13] : memref<32x64x80xi32, #tpu.memory_space<hbm>> -> memref<1x64x80xi32, #tpu.memory_space<hbm>>
      %dma_wait3A_15 = tpu.memref_squeeze %dma_wait3A_14 : memref<1x64x80xi32, #tpu.memory_space<hbm>> -> memref<64x80xi32, #tpu.memory_space<hbm>>
      %dma_wait3A_16 = arith.constant 0 : i32
      %dma_wait3A_17 = arith.constant 0 : i32
      %dma_wait3A_18 = tpu.memref_slice %arg3[%add3A, %dma_wait3A_16, %dma_wait3A_17] : memref<32x64x80xi32, #tpu.memory_space<hbm>> -> memref<1x64x80xi32, #tpu.memory_space<hbm>>
      %dma_wait3A_19 = tpu.memref_squeeze %dma_wait3A_18 : memref<1x64x80xi32, #tpu.memory_space<hbm>> -> memref<64x80xi32, #tpu.memory_space<hbm>>
      tpu.wait_dma2 semaphore(%run_scoped3A : memref<!tpu.dma_semaphore, #tpu.memory_space<semaphore_mem>>) src(%dma_wait3A_19 : memref<64x80xi32, #tpu.memory_space<hbm>>) dst(%arg5 : memref<64x80xi32, #tpu.memory_space<vmem>>)
      tpu.yield
    }) : () -> ()
    %scan3A = arith.constant 0 : i32
    %scan3A_1 = arith.constant 0 : i32
    %scan3A_2 = arith.constant 16 : i32
    %scan3A_3 = arith.addi %scan3A_1, %scan3A_2 : i32
    %scan3A_4 = arith.constant 1 : i32
    scf.for %scan3A_6 = %scan3A_1 to %scan3A_3 step %scan3A_4  : i32 {
      %mul3A_7 = arith.constant 256 : i32
      %mul3A_8 = arith.muli %add3A, %mul3A_7 : i32
      %mul3A_9 = arith.constant 16 : i32
      %mul3A_10 = arith.muli %scan3A_6, %mul3A_9 : i32
      %add3A_11 = arith.addi %mul3A_8, %mul3A_10 : i32
      %mul3A_12 = arith.constant 4 : i32
      %mul3A_13 = arith.muli %scan3A_6, %mul3A_12 : i32
      %add3A_14 = arith.constant 0 : i32
      %add3A_15 = arith.addi %mul3A_13, %add3A_14 : i32
      %dma_start3A = arith.constant 0 : i32
      %dma_start3A_16 = arith.constant 0 : i32
      %dma_start3A_17 = tpu.memref_slice %arg6[%dma_start3A, %dma_start3A_16] : memref<320x128xf32, #tpu.memory_space<vmem>> -> memref<80x128xf32, #tpu.memory_space<vmem>>
      %dma_start3A_18 = arith.constant 0 : i32
      %dma_start3A_19 = tpu.memref_slice %arg5[%add3A_15, %dma_start3A_18] : memref<64x80xi32, #tpu.memory_space<vmem>> -> memref<1x80xi32, #tpu.memory_space<vmem>>
      %dma_start3A_20 = tpu.memref_squeeze %dma_start3A_19 : memref<1x80xi32, #tpu.memory_space<vmem>> -> memref<80xi32, #tpu.memory_space<vmem>>
      %dma_start3A_21 = arith.constant 0 : i32
      %dma_start3A_22 = arith.constant 0 : i32
      %dma_start3A_23 = tpu.memref_slice %arg2[%dma_start3A_21, %dma_start3A_22] : memref<8192x128xf32, #tpu.memory_space<hbm>> -> memref<8192x128xf32, #tpu.memory_space<hbm>>
      tpu.enqueue_indirect_dma source(%dma_start3A_23 : memref<8192x128xf32, #tpu.memory_space<hbm>>) target(%dma_start3A_17 : memref<80x128xf32, #tpu.memory_space<vmem>>) offsets(%dma_start3A_20 : memref<80xi32, #tpu.memory_space<vmem>>) semaphore(%arg7 : memref<!tpu.dma_semaphore, #tpu.memory_space<semaphore_mem>>)
      %mul3A_24 = arith.constant 4 : i32
      %mul3A_25 = arith.muli %scan3A_6, %mul3A_24 : i32
      %add3A_26 = arith.constant 1 : i32
      %add3A_27 = arith.addi %mul3A_25, %add3A_26 : i32
      %dma_start3A_28 = arith.constant 80 : i32
      %dma_start3A_29 = arith.constant 0 : i32
      %dma_start3A_30 = tpu.memref_slice %arg6[%dma_start3A_28, %dma_start3A_29] : memref<320x128xf32, #tpu.memory_space<vmem>> -> memref<80x128xf32, #tpu.memory_space<vmem>>
      %dma_start3A_31 = arith.constant 0 : i32
      %dma_start3A_32 = tpu.memref_slice %arg5[%add3A_27, %dma_start3A_31] : memref<64x80xi32, #tpu.memory_space<vmem>> -> memref<1x80xi32, #tpu.memory_space<vmem>>
      %dma_start3A_33 = tpu.memref_squeeze %dma_start3A_32 : memref<1x80xi32, #tpu.memory_space<vmem>> -> memref<80xi32, #tpu.memory_space<vmem>>
      %dma_start3A_34 = arith.constant 0 : i32
      %dma_start3A_35 = arith.constant 0 : i32
      %dma_start3A_36 = tpu.memref_slice %arg2[%dma_start3A_34, %dma_start3A_35] : memref<8192x128xf32, #tpu.memory_space<hbm>> -> memref<8192x128xf32, #tpu.memory_space<hbm>>
      tpu.enqueue_indirect_dma source(%dma_start3A_36 : memref<8192x128xf32, #tpu.memory_space<hbm>>) target(%dma_start3A_30 : memref<80x128xf32, #tpu.memory_space<vmem>>) offsets(%dma_start3A_33 : memref<80xi32, #tpu.memory_space<vmem>>) semaphore(%arg7 : memref<!tpu.dma_semaphore, #tpu.memory_space<semaphore_mem>>)
      %mul3A_37 = arith.constant 4 : i32
      %mul3A_38 = arith.muli %scan3A_6, %mul3A_37 : i32
      %add3A_39 = arith.constant 2 : i32
      %add3A_40 = arith.addi %mul3A_38, %add3A_39 : i32
      %dma_start3A_41 = arith.constant 160 : i32
      %dma_start3A_42 = arith.constant 0 : i32
      %dma_start3A_43 = tpu.memref_slice %arg6[%dma_start3A_41, %dma_start3A_42] : memref<320x128xf32, #tpu.memory_space<vmem>> -> memref<80x128xf32, #tpu.memory_space<vmem>>
      %dma_start3A_44 = arith.constant 0 : i32
      %dma_start3A_45 = tpu.memref_slice %arg5[%add3A_40, %dma_start3A_44] : memref<64x80xi32, #tpu.memory_space<vmem>> -> memref<1x80xi32, #tpu.memory_space<vmem>>
      %dma_start3A_46 = tpu.memref_squeeze %dma_start3A_45 : memref<1x80xi32, #tpu.memory_space<vmem>> -> memref<80xi32, #tpu.memory_space<vmem>>
      %dma_start3A_47 = arith.constant 0 : i32
      %dma_start3A_48 = arith.constant 0 : i32
      %dma_start3A_49 = tpu.memref_slice %arg2[%dma_start3A_47, %dma_start3A_48] : memref<8192x128xf32, #tpu.memory_space<hbm>> -> memref<8192x128xf32, #tpu.memory_space<hbm>>
      tpu.enqueue_indirect_dma source(%dma_start3A_49 : memref<8192x128xf32, #tpu.memory_space<hbm>>) target(%dma_start3A_43 : memref<80x128xf32, #tpu.memory_space<vmem>>) offsets(%dma_start3A_46 : memref<80xi32, #tpu.memory_space<vmem>>) semaphore(%arg7 : memref<!tpu.dma_semaphore, #tpu.memory_space<semaphore_mem>>)
      %mul3A_50 = arith.constant 4 : i32
      %mul3A_51 = arith.muli %scan3A_6, %mul3A_50 : i32
      %add3A_52 = arith.constant 3 : i32
      %add3A_53 = arith.addi %mul3A_51, %add3A_52 : i32
      %dma_start3A_54 = arith.constant 240 : i32
      %dma_start3A_55 = arith.constant 0 : i32
      %dma_start3A_56 = tpu.memref_slice %arg6[%dma_start3A_54, %dma_start3A_55] : memref<320x128xf32, #tpu.memory_space<vmem>> -> memref<80x128xf32, #tpu.memory_space<vmem>>
      %dma_start3A_57 = arith.constant 0 : i32
      %dma_start3A_58 = tpu.memref_slice %arg5[%add3A_53, %dma_start3A_57] : memref<64x80xi32, #tpu.memory_space<vmem>> -> memref<1x80xi32, #tpu.memory_space<vmem>>
      %dma_start3A_59 = tpu.memref_squeeze %dma_start3A_58 : memref<1x80xi32, #tpu.memory_space<vmem>> -> memref<80xi32, #tpu.memory_space<vmem>>
      %dma_start3A_60 = arith.constant 0 : i32
      %dma_start3A_61 = arith.constant 0 : i32
      %dma_start3A_62 = tpu.memref_slice %arg2[%dma_start3A_60, %dma_start3A_61] : memref<8192x128xf32, #tpu.memory_space<hbm>> -> memref<8192x128xf32, #tpu.memory_space<hbm>>
      tpu.enqueue_indirect_dma source(%dma_start3A_62 : memref<8192x128xf32, #tpu.memory_space<hbm>>) target(%dma_start3A_56 : memref<80x128xf32, #tpu.memory_space<vmem>>) offsets(%dma_start3A_59 : memref<80xi32, #tpu.memory_space<vmem>>) semaphore(%arg7 : memref<!tpu.dma_semaphore, #tpu.memory_space<semaphore_mem>>)
      %dma_wait3A = arith.constant 0 : i32
      %dma_wait3A_63 = arith.constant 0 : i32
      %dma_wait3A_64 = tpu.memref_slice %arg6[%dma_wait3A, %dma_wait3A_63] : memref<320x128xf32, #tpu.memory_space<vmem>> -> memref<80x128xf32, #tpu.memory_space<vmem>>
      %dma_wait3A_65 = arith.constant 0 : i32
      %dma_wait3A_66 = tpu.memref_slice %arg5[%add3A_15, %dma_wait3A_65] : memref<64x80xi32, #tpu.memory_space<vmem>> -> memref<1x80xi32, #tpu.memory_space<vmem>>
      %dma_wait3A_67 = tpu.memref_squeeze %dma_wait3A_66 : memref<1x80xi32, #tpu.memory_space<vmem>> -> memref<80xi32, #tpu.memory_space<vmem>>
      %dma_wait3A_68 = arith.constant 0 : i32
      %dma_wait3A_69 = arith.constant 0 : i32
      %dma_wait3A_70 = tpu.memref_slice %arg2[%dma_wait3A_68, %dma_wait3A_69] : memref<8192x128xf32, #tpu.memory_space<hbm>> -> memref<8192x128xf32, #tpu.memory_space<hbm>>
      tpu.wait_indirect_dma semaphore(%arg7 : memref<!tpu.dma_semaphore, #tpu.memory_space<semaphore_mem>>) src(%dma_wait3A_70 : memref<8192x128xf32, #tpu.memory_space<hbm>>) dst(%dma_wait3A_64 : memref<80x128xf32, #tpu.memory_space<vmem>>)
      %dma_wait3A_71 = arith.constant 80 : i32
      %dma_wait3A_72 = arith.constant 0 : i32
      %dma_wait3A_73 = tpu.memref_slice %arg6[%dma_wait3A_71, %dma_wait3A_72] : memref<320x128xf32, #tpu.memory_space<vmem>> -> memref<80x128xf32, #tpu.memory_space<vmem>>
      %dma_wait3A_74 = arith.constant 0 : i32
      %dma_wait3A_75 = tpu.memref_slice %arg5[%add3A_27, %dma_wait3A_74] : memref<64x80xi32, #tpu.memory_space<vmem>> -> memref<1x80xi32, #tpu.memory_space<vmem>>
      %dma_wait3A_76 = tpu.memref_squeeze %dma_wait3A_75 : memref<1x80xi32, #tpu.memory_space<vmem>> -> memref<80xi32, #tpu.memory_space<vmem>>
      %dma_wait3A_77 = arith.constant 0 : i32
      %dma_wait3A_78 = arith.constant 0 : i32
      %dma_wait3A_79 = tpu.memref_slice %arg2[%dma_wait3A_77, %dma_wait3A_78] : memref<8192x128xf32, #tpu.memory_space<hbm>> -> memref<8192x128xf32, #tpu.memory_space<hbm>>
      tpu.wait_indirect_dma semaphore(%arg7 : memref<!tpu.dma_semaphore, #tpu.memory_space<semaphore_mem>>) src(%dma_wait3A_79 : memref<8192x128xf32, #tpu.memory_space<hbm>>) dst(%dma_wait3A_73 : memref<80x128xf32, #tpu.memory_space<vmem>>)
      %dma_wait3A_80 = arith.constant 160 : i32
      %dma_wait3A_81 = arith.constant 0 : i32
      %dma_wait3A_82 = tpu.memref_slice %arg6[%dma_wait3A_80, %dma_wait3A_81] : memref<320x128xf32, #tpu.memory_space<vmem>> -> memref<80x128xf32, #tpu.memory_space<vmem>>
      %dma_wait3A_83 = arith.constant 0 : i32
      %dma_wait3A_84 = tpu.memref_slice %arg5[%add3A_40, %dma_wait3A_83] : memref<64x80xi32, #tpu.memory_space<vmem>> -> memref<1x80xi32, #tpu.memory_space<vmem>>
      %dma_wait3A_85 = tpu.memref_squeeze %dma_wait3A_84 : memref<1x80xi32, #tpu.memory_space<vmem>> -> memref<80xi32, #tpu.memory_space<vmem>>
      %dma_wait3A_86 = arith.constant 0 : i32
      %dma_wait3A_87 = arith.constant 0 : i32
      %dma_wait3A_88 = tpu.memref_slice %arg2[%dma_wait3A_86, %dma_wait3A_87] : memref<8192x128xf32, #tpu.memory_space<hbm>> -> memref<8192x128xf32, #tpu.memory_space<hbm>>
      tpu.wait_indirect_dma semaphore(%arg7 : memref<!tpu.dma_semaphore, #tpu.memory_space<semaphore_mem>>) src(%dma_wait3A_88 : memref<8192x128xf32, #tpu.memory_space<hbm>>) dst(%dma_wait3A_82 : memref<80x128xf32, #tpu.memory_space<vmem>>)
      %dma_wait3A_89 = arith.constant 240 : i32
      %dma_wait3A_90 = arith.constant 0 : i32
      %dma_wait3A_91 = tpu.memref_slice %arg6[%dma_wait3A_89, %dma_wait3A_90] : memref<320x128xf32, #tpu.memory_space<vmem>> -> memref<80x128xf32, #tpu.memory_space<vmem>>
      %dma_wait3A_92 = arith.constant 0 : i32
      %dma_wait3A_93 = tpu.memref_slice %arg5[%add3A_53, %dma_wait3A_92] : memref<64x80xi32, #tpu.memory_space<vmem>> -> memref<1x80xi32, #tpu.memory_space<vmem>>
      %dma_wait3A_94 = tpu.memref_squeeze %dma_wait3A_93 : memref<1x80xi32, #tpu.memory_space<vmem>> -> memref<80xi32, #tpu.memory_space<vmem>>
      %dma_wait3A_95 = arith.constant 0 : i32
      %dma_wait3A_96 = arith.constant 0 : i32
      %dma_wait3A_97 = tpu.memref_slice %arg2[%dma_wait3A_95, %dma_wait3A_96] : memref<8192x128xf32, #tpu.memory_space<hbm>> -> memref<8192x128xf32, #tpu.memory_space<hbm>>
      tpu.wait_indirect_dma semaphore(%arg7 : memref<!tpu.dma_semaphore, #tpu.memory_space<semaphore_mem>>) src(%dma_wait3A_97 : memref<8192x128xf32, #tpu.memory_space<hbm>>) dst(%dma_wait3A_91 : memref<80x128xf32, #tpu.memory_space<vmem>>)
      %mul3A_98 = arith.constant 20 : i32
      %mul3A_99 = arith.muli %add3A_11, %mul3A_98 : i32
      "tpu.region"() ({
        %run_scoped3A = tpu.sem_alloc : memref<!tpu.dma_semaphore, #tpu.memory_space<semaphore_mem>>
        %dma_start3A_100 = arith.constant 0 : i32
        %dma_start3A_101 = tpu.memref_slice %arg4[%mul3A_99, %dma_start3A_100] : memref<163840x128xf32, #tpu.memory_space<hbm>> -> memref<320x128xf32, #tpu.memory_space<hbm>>
        %dma_start3A_102 = arith.constant 0 : i32
        %dma_start3A_103 = tpu.memref_slice %arg4[%mul3A_99, %dma_start3A_102] : memref<163840x128xf32, #tpu.memory_space<hbm>> -> memref<320x128xf32, #tpu.memory_space<hbm>>
        tpu.enqueue_dma source(%arg6 : memref<320x128xf32, #tpu.memory_space<vmem>>) target(%dma_start3A_103 : memref<320x128xf32, #tpu.memory_space<hbm>>) target_semaphore(%run_scoped3A : memref<!tpu.dma_semaphore, #tpu.memory_space<semaphore_mem>>)
        %dma_wait3A_104 = arith.constant 0 : i32
        %dma_wait3A_105 = tpu.memref_slice %arg4[%mul3A_99, %dma_wait3A_104] : memref<163840x128xf32, #tpu.memory_space<hbm>> -> memref<320x128xf32, #tpu.memory_space<hbm>>
        %dma_wait3A_106 = arith.constant 0 : i32
        %dma_wait3A_107 = tpu.memref_slice %arg4[%mul3A_99, %dma_wait3A_106] : memref<163840x128xf32, #tpu.memory_space<hbm>> -> memref<320x128xf32, #tpu.memory_space<hbm>>
        tpu.wait_dma2 semaphore(%run_scoped3A : memref<!tpu.dma_semaphore, #tpu.memory_space<semaphore_mem>>) src(%arg6 : memref<320x128xf32, #tpu.memory_space<vmem>>) dst(%dma_wait3A_107 : memref<320x128xf32, #tpu.memory_space<hbm>>)
        tpu.yield
      }) : () -> ()
    }
    %scan3A_5 = arith.constant 16 : i32
    return
  }
}

#map = affine_map<(d0, d1) -> (0, 0)>
#map1 = affine_map<(d0, d1) -> (0, 0, 0)>
module attributes {stable_mosaic.version = 14 : i64} {
  func.func @k(%arg0: i32, %arg1: i32, %arg2: memref<8192x128xf32, #tpu.memory_space<hbm>>, %arg3: memref<32x64x80xi32, #tpu.memory_space<hbm>>, %arg4: memref<163840x128xf32, #tpu.memory_space<hbm>>, %arg5: memref<64x80xi32, #tpu.memory_space<vmem>>, %arg6: memref<320x128xf32, #tpu.memory_space<vmem>>, %arg7: memref<!tpu.dma_semaphore, #tpu.memory_space<semaphore_mem>>) attributes {dimension_semantics = [#tpu.dimension_semantics<core_parallel>, #tpu.dimension_semantics<subcore_parallel>], iteration_bounds = array<i64: 2, 16>, scalar_prefetch = 0 : i64, scratch_operands = 3 : i64, tpu.core_type = #tpu.core_type<sc_vector_subcore>, window_params = [{transform_indices = #map}, {transform_indices = #map1}, {transform_indices = #map}]} {
    %mul3A = arith.constant 2 : i32
    %mul3A_0 = arith.muli %arg1, %mul3A : i32
    %add3A = arith.addi %mul3A_0, %arg0 : i32
    "tpu.region"() ({
      %run_scoped3A = tpu.sem_alloc : memref<!tpu.dma_semaphore, #tpu.memory_space<semaphore_mem>>
      %dma_start3A = arith.constant 0 : i32
      %dma_start3A_6 = arith.constant 0 : i32
      %dma_start3A_7 = tpu.memref_slice %arg3[%add3A, %dma_start3A, %dma_start3A_6] : memref<32x64x80xi32, #tpu.memory_space<hbm>> -> memref<1x64x80xi32, #tpu.memory_space<hbm>>
      %dma_start3A_8 = tpu.memref_squeeze %dma_start3A_7 : memref<1x64x80xi32, #tpu.memory_space<hbm>> -> memref<64x80xi32, #tpu.memory_space<hbm>>
      %dma_start3A_9 = arith.constant 0 : i32
      %dma_start3A_10 = arith.constant 0 : i32
      %dma_start3A_11 = tpu.memref_slice %arg3[%add3A, %dma_start3A_9, %dma_start3A_10] : memref<32x64x80xi32, #tpu.memory_space<hbm>> -> memref<1x64x80xi32, #tpu.memory_space<hbm>>
      %dma_start3A_12 = tpu.memref_squeeze %dma_start3A_11 : memref<1x64x80xi32, #tpu.memory_space<hbm>> -> memref<64x80xi32, #tpu.memory_space<hbm>>
      tpu.enqueue_dma source(%dma_start3A_12 : memref<64x80xi32, #tpu.memory_space<hbm>>) target(%arg5 : memref<64x80xi32, #tpu.memory_space<vmem>>) target_semaphore(%run_scoped3A : memref<!tpu.dma_semaphore, #tpu.memory_space<semaphore_mem>>)
      %dma_wait3A = arith.constant 0 : i32
      %dma_wait3A_13 = arith.constant 0 : i32
      %dma_wait3A_14 = tpu.memref_slice %arg3[%add3A, %dma_wait3A, %dma_wait3A_13] : memref<32x64x80xi32, #tpu.memory_space<hbm>> -> memref<1x64x80xi32, #tpu.memory_space<hbm>>
      %dma_wait3A_15 = tpu.memref_squeeze %dma_wait3A_14 : memref<1x64x80xi32, #tpu.memory_space<hbm>> -> memref<64x80xi32, #tpu.memory_space<hbm>>
      %dma_wait3A_16 = arith.constant 0 : i32
      %dma_wait3A_17 = arith.constant 0 : i32
      %dma_wait3A_18 = tpu.memref_slice %arg3[%add3A, %dma_wait3A_16, %dma_wait3A_17] : memref<32x64x80xi32, #tpu.memory_space<hbm>> -> memref<1x64x80xi32, #tpu.memory_space<hbm>>
      %dma_wait3A_19 = tpu.memref_squeeze %dma_wait3A_18 : memref<1x64x80xi32, #tpu.memory_space<hbm>> -> memref<64x80xi32, #tpu.memory_space<hbm>>
      tpu.wait_dma2 semaphore(%run_scoped3A : memref<!tpu.dma_semaphore, #tpu.memory_space<semaphore_mem>>) src(%dma_wait3A_19 : memref<64x80xi32, #tpu.memory_space<hbm>>) dst(%arg5 : memref<64x80xi32, #tpu.memory_space<vmem>>)
      tpu.yield
    }) : () -> ()
    %scan3A = arith.constant 0 : i32
    %scan3A_1 = arith.constant 0 : i32
    %scan3A_2 = arith.constant 16 : i32
    %scan3A_3 = arith.addi %scan3A_1, %scan3A_2 : i32
    %scan3A_4 = arith.constant 1 : i32
    scf.for %scan3A_6 = %scan3A_1 to %scan3A_3 step %scan3A_4  : i32 {
      %mul3A_7 = arith.constant 256 : i32
      %mul3A_8 = arith.muli %add3A, %mul3A_7 : i32
      %mul3A_9 = arith.constant 16 : i32
      %mul3A_10 = arith.muli %scan3A_6, %mul3A_9 : i32
      %add3A_11 = arith.addi %mul3A_8, %mul3A_10 : i32
      %mul3A_12 = arith.constant 4 : i32
      %mul3A_13 = arith.muli %scan3A_6, %mul3A_12 : i32
      %add3A_14 = arith.constant 0 : i32
      %add3A_15 = arith.addi %mul3A_13, %add3A_14 : i32
      %dma_start3A = arith.constant 0 : i32
      %dma_start3A_16 = arith.constant 0 : i32
      %dma_start3A_17 = tpu.memref_slice %arg6[%dma_start3A, %dma_start3A_16] : memref<320x128xf32, #tpu.memory_space<vmem>> -> memref<80x128xf32, #tpu.memory_space<vmem>>
      %dma_start3A_18 = arith.constant 0 : i32
      %dma_start3A_19 = tpu.memref_slice %arg5[%add3A_15, %dma_start3A_18] : memref<64x80xi32, #tpu.memory_space<vmem>> -> memref<1x80xi32, #tpu.memory_space<vmem>>
      %dma_start3A_20 = tpu.memref_squeeze %dma_start3A_19 : memref<1x80xi32, #tpu.memory_space<vmem>> -> memref<80xi32, #tpu.memory_space<vmem>>
      %dma_start3A_21 = arith.constant 0 : i32
      %dma_start3A_22 = arith.constant 0 : i32
      %dma_start3A_23 = tpu.memref_slice %arg2[%dma_start3A_21, %dma_start3A_22] : memref<8192x128xf32, #tpu.memory_space<hbm>> -> memref<8192x128xf32, #tpu.memory_space<hbm>>
      tpu.enqueue_indirect_dma source(%dma_start3A_23 : memref<8192x128xf32, #tpu.memory_space<hbm>>) target(%dma_start3A_17 : memref<80x128xf32, #tpu.memory_space<vmem>>) offsets(%dma_start3A_20 : memref<80xi32, #tpu.memory_space<vmem>>) semaphore(%arg7 : memref<!tpu.dma_semaphore, #tpu.memory_space<semaphore_mem>>)
      %mul3A_24 = arith.constant 4 : i32
      %mul3A_25 = arith.muli %scan3A_6, %mul3A_24 : i32
      %add3A_26 = arith.constant 1 : i32
      %add3A_27 = arith.addi %mul3A_25, %add3A_26 : i32
      %dma_start3A_28 = arith.constant 80 : i32
      %dma_start3A_29 = arith.constant 0 : i32
      %dma_start3A_30 = tpu.memref_slice %arg6[%dma_start3A_28, %dma_start3A_29] : memref<320x128xf32, #tpu.memory_space<vmem>> -> memref<80x128xf32, #tpu.memory_space<vmem>>
      %dma_start3A_31 = arith.constant 0 : i32
      %dma_start3A_32 = tpu.memref_slice %arg5[%add3A_27, %dma_start3A_31] : memref<64x80xi32, #tpu.memory_space<vmem>> -> memref<1x80xi32, #tpu.memory_space<vmem>>
      %dma_start3A_33 = tpu.memref_squeeze %dma_start3A_32 : memref<1x80xi32, #tpu.memory_space<vmem>> -> memref<80xi32, #tpu.memory_space<vmem>>
      %dma_start3A_34 = arith.constant 0 : i32
      %dma_start3A_35 = arith.constant 0 : i32
      %dma_start3A_36 = tpu.memref_slice %arg2[%dma_start3A_34, %dma_start3A_35] : memref<8192x128xf32, #tpu.memory_space<hbm>> -> memref<8192x128xf32, #tpu.memory_space<hbm>>
      tpu.enqueue_indirect_dma source(%dma_start3A_36 : memref<8192x128xf32, #tpu.memory_space<hbm>>) target(%dma_start3A_30 : memref<80x128xf32, #tpu.memory_space<vmem>>) offsets(%dma_start3A_33 : memref<80xi32, #tpu.memory_space<vmem>>) semaphore(%arg7 : memref<!tpu.dma_semaphore, #tpu.memory_space<semaphore_mem>>)
      %mul3A_37 = arith.constant 4 : i32
      %mul3A_38 = arith.muli %scan3A_6, %mul3A_37 : i32
      %add3A_39 = arith.constant 2 : i32
      %add3A_40 = arith.addi %mul3A_38, %add3A_39 : i32
      %dma_start3A_41 = arith.constant 160 : i32
      %dma_start3A_42 = arith.constant 0 : i32
      %dma_start3A_43 = tpu.memref_slice %arg6[%dma_start3A_41, %dma_start3A_42] : memref<320x128xf32, #tpu.memory_space<vmem>> -> memref<80x128xf32, #tpu.memory_space<vmem>>
      %dma_start3A_44 = arith.constant 0 : i32
      %dma_start3A_45 = tpu.memref_slice %arg5[%add3A_40, %dma_start3A_44] : memref<64x80xi32, #tpu.memory_space<vmem>> -> memref<1x80xi32, #tpu.memory_space<vmem>>
      %dma_start3A_46 = tpu.memref_squeeze %dma_start3A_45 : memref<1x80xi32, #tpu.memory_space<vmem>> -> memref<80xi32, #tpu.memory_space<vmem>>
      %dma_start3A_47 = arith.constant 0 : i32
      %dma_start3A_48 = arith.constant 0 : i32
      %dma_start3A_49 = tpu.memref_slice %arg2[%dma_start3A_47, %dma_start3A_48] : memref<8192x128xf32, #tpu.memory_space<hbm>> -> memref<8192x128xf32, #tpu.memory_space<hbm>>
      tpu.enqueue_indirect_dma source(%dma_start3A_49 : memref<8192x128xf32, #tpu.memory_space<hbm>>) target(%dma_start3A_43 : memref<80x128xf32, #tpu.memory_space<vmem>>) offsets(%dma_start3A_46 : memref<80xi32, #tpu.memory_space<vmem>>) semaphore(%arg7 : memref<!tpu.dma_semaphore, #tpu.memory_space<semaphore_mem>>)
      %mul3A_50 = arith.constant 4 : i32
      %mul3A_51 = arith.muli %scan3A_6, %mul3A_50 : i32
      %add3A_52 = arith.constant 3 : i32
      %add3A_53 = arith.addi %mul3A_51, %add3A_52 : i32
      %dma_start3A_54 = arith.constant 240 : i32
      %dma_start3A_55 = arith.constant 0 : i32
      %dma_start3A_56 = tpu.memref_slice %arg6[%dma_start3A_54, %dma_start3A_55] : memref<320x128xf32, #tpu.memory_space<vmem>> -> memref<80x128xf32, #tpu.memory_space<vmem>>
      %dma_start3A_57 = arith.constant 0 : i32
      %dma_start3A_58 = tpu.memref_slice %arg5[%add3A_53, %dma_start3A_57] : memref<64x80xi32, #tpu.memory_space<vmem>> -> memref<1x80xi32, #tpu.memory_space<vmem>>
      %dma_start3A_59 = tpu.memref_squeeze %dma_start3A_58 : memref<1x80xi32, #tpu.memory_space<vmem>> -> memref<80xi32, #tpu.memory_space<vmem>>
      %dma_start3A_60 = arith.constant 0 : i32
      %dma_start3A_61 = arith.constant 0 : i32
      %dma_start3A_62 = tpu.memref_slice %arg2[%dma_start3A_60, %dma_start3A_61] : memref<8192x128xf32, #tpu.memory_space<hbm>> -> memref<8192x128xf32, #tpu.memory_space<hbm>>
      tpu.enqueue_indirect_dma source(%dma_start3A_62 : memref<8192x128xf32, #tpu.memory_space<hbm>>) target(%dma_start3A_56 : memref<80x128xf32, #tpu.memory_space<vmem>>) offsets(%dma_start3A_59 : memref<80xi32, #tpu.memory_space<vmem>>) semaphore(%arg7 : memref<!tpu.dma_semaphore, #tpu.memory_space<semaphore_mem>>)
      %dma_wait3A = arith.constant 0 : i32
      %dma_wait3A_63 = arith.constant 0 : i32
      %dma_wait3A_64 = tpu.memref_slice %arg6[%dma_wait3A, %dma_wait3A_63] : memref<320x128xf32, #tpu.memory_space<vmem>> -> memref<80x128xf32, #tpu.memory_space<vmem>>
      %dma_wait3A_65 = arith.constant 0 : i32
      %dma_wait3A_66 = tpu.memref_slice %arg5[%add3A_15, %dma_wait3A_65] : memref<64x80xi32, #tpu.memory_space<vmem>> -> memref<1x80xi32, #tpu.memory_space<vmem>>
      %dma_wait3A_67 = tpu.memref_squeeze %dma_wait3A_66 : memref<1x80xi32, #tpu.memory_space<vmem>> -> memref<80xi32, #tpu.memory_space<vmem>>
      %dma_wait3A_68 = arith.constant 0 : i32
      %dma_wait3A_69 = arith.constant 0 : i32
      %dma_wait3A_70 = tpu.memref_slice %arg2[%dma_wait3A_68, %dma_wait3A_69] : memref<8192x128xf32, #tpu.memory_space<hbm>> -> memref<8192x128xf32, #tpu.memory_space<hbm>>
      tpu.wait_indirect_dma semaphore(%arg7 : memref<!tpu.dma_semaphore, #tpu.memory_space<semaphore_mem>>) src(%dma_wait3A_70 : memref<8192x128xf32, #tpu.memory_space<hbm>>) dst(%dma_wait3A_64 : memref<80x128xf32, #tpu.memory_space<vmem>>)
      %dma_wait3A_71 = arith.constant 80 : i32
      %dma_wait3A_72 = arith.constant 0 : i32
      %dma_wait3A_73 = tpu.memref_slice %arg6[%dma_wait3A_71, %dma_wait3A_72] : memref<320x128xf32, #tpu.memory_space<vmem>> -> memref<80x128xf32, #tpu.memory_space<vmem>>
      %dma_wait3A_74 = arith.constant 0 : i32
      %dma_wait3A_75 = tpu.memref_slice %arg5[%add3A_27, %dma_wait3A_74] : memref<64x80xi32, #tpu.memory_space<vmem>> -> memref<1x80xi32, #tpu.memory_space<vmem>>
      %dma_wait3A_76 = tpu.memref_squeeze %dma_wait3A_75 : memref<1x80xi32, #tpu.memory_space<vmem>> -> memref<80xi32, #tpu.memory_space<vmem>>
      %dma_wait3A_77 = arith.constant 0 : i32
      %dma_wait3A_78 = arith.constant 0 : i32
      %dma_wait3A_79 = tpu.memref_slice %arg2[%dma_wait3A_77, %dma_wait3A_78] : memref<8192x128xf32, #tpu.memory_space<hbm>> -> memref<8192x128xf32, #tpu.memory_space<hbm>>
      tpu.wait_indirect_dma semaphore(%arg7 : memref<!tpu.dma_semaphore, #tpu.memory_space<semaphore_mem>>) src(%dma_wait3A_79 : memref<8192x128xf32, #tpu.memory_space<hbm>>) dst(%dma_wait3A_73 : memref<80x128xf32, #tpu.memory_space<vmem>>)
      %dma_wait3A_80 = arith.constant 160 : i32
      %dma_wait3A_81 = arith.constant 0 : i32
      %dma_wait3A_82 = tpu.memref_slice %arg6[%dma_wait3A_80, %dma_wait3A_81] : memref<320x128xf32, #tpu.memory_space<vmem>> -> memref<80x128xf32, #tpu.memory_space<vmem>>
      %dma_wait3A_83 = arith.constant 0 : i32
      %dma_wait3A_84 = tpu.memref_slice %arg5[%add3A_40, %dma_wait3A_83] : memref<64x80xi32, #tpu.memory_space<vmem>> -> memref<1x80xi32, #tpu.memory_space<vmem>>
      %dma_wait3A_85 = tpu.memref_squeeze %dma_wait3A_84 : memref<1x80xi32, #tpu.memory_space<vmem>> -> memref<80xi32, #tpu.memory_space<vmem>>
      %dma_wait3A_86 = arith.constant 0 : i32
      %dma_wait3A_87 = arith.constant 0 : i32
      %dma_wait3A_88 = tpu.memref_slice %arg2[%dma_wait3A_86, %dma_wait3A_87] : memref<8192x128xf32, #tpu.memory_space<hbm>> -> memref<8192x128xf32, #tpu.memory_space<hbm>>
      tpu.wait_indirect_dma semaphore(%arg7 : memref<!tpu.dma_semaphore, #tpu.memory_space<semaphore_mem>>) src(%dma_wait3A_88 : memref<8192x128xf32, #tpu.memory_space<hbm>>) dst(%dma_wait3A_82 : memref<80x128xf32, #tpu.memory_space<vmem>>)
      %dma_wait3A_89 = arith.constant 240 : i32
      %dma_wait3A_90 = arith.constant 0 : i32
      %dma_wait3A_91 = tpu.memref_slice %arg6[%dma_wait3A_89, %dma_wait3A_90] : memref<320x128xf32, #tpu.memory_space<vmem>> -> memref<80x128xf32, #tpu.memory_space<vmem>>
      %dma_wait3A_92 = arith.constant 0 : i32
      %dma_wait3A_93 = tpu.memref_slice %arg5[%add3A_53, %dma_wait3A_92] : memref<64x80xi32, #tpu.memory_space<vmem>> -> memref<1x80xi32, #tpu.memory_space<vmem>>
      %dma_wait3A_94 = tpu.memref_squeeze %dma_wait3A_93 : memref<1x80xi32, #tpu.memory_space<vmem>> -> memref<80xi32, #tpu.memory_space<vmem>>
      %dma_wait3A_95 = arith.constant 0 : i32
      %dma_wait3A_96 = arith.constant 0 : i32
      %dma_wait3A_97 = tpu.memref_slice %arg2[%dma_wait3A_95, %dma_wait3A_96] : memref<8192x128xf32, #tpu.memory_space<hbm>> -> memref<8192x128xf32, #tpu.memory_space<hbm>>
      tpu.wait_indirect_dma semaphore(%arg7 : memref<!tpu.dma_semaphore, #tpu.memory_space<semaphore_mem>>) src(%dma_wait3A_97 : memref<8192x128xf32, #tpu.memory_space<hbm>>) dst(%dma_wait3A_91 : memref<80x128xf32, #tpu.memory_space<vmem>>)
      %mul3A_98 = arith.constant 20 : i32
      %mul3A_99 = arith.muli %add3A_11, %mul3A_98 : i32
      "tpu.region"() ({
        %run_scoped3A = tpu.sem_alloc : memref<!tpu.dma_semaphore, #tpu.memory_space<semaphore_mem>>
        %dma_start3A_100 = arith.constant 0 : i32
        %dma_start3A_101 = tpu.memref_slice %arg4[%mul3A_99, %dma_start3A_100] : memref<163840x128xf32, #tpu.memory_space<hbm>> -> memref<320x128xf32, #tpu.memory_space<hbm>>
        %dma_start3A_102 = arith.constant 0 : i32
        %dma_start3A_103 = tpu.memref_slice %arg4[%mul3A_99, %dma_start3A_102] : memref<163840x128xf32, #tpu.memory_space<hbm>> -> memref<320x128xf32, #tpu.memory_space<hbm>>
        tpu.enqueue_dma source(%arg6 : memref<320x128xf32, #tpu.memory_space<vmem>>) target(%dma_start3A_103 : memref<320x128xf32, #tpu.memory_space<hbm>>) target_semaphore(%run_scoped3A : memref<!tpu.dma_semaphore, #tpu.memory_space<semaphore_mem>>)
        %dma_wait3A_104 = arith.constant 0 : i32
        %dma_wait3A_105 = tpu.memref_slice %arg4[%mul3A_99, %dma_wait3A_104] : memref<163840x128xf32, #tpu.memory_space<hbm>> -> memref<320x128xf32, #tpu.memory_space<hbm>>
        %dma_wait3A_106 = arith.constant 0 : i32
        %dma_wait3A_107 = tpu.memref_slice %arg4[%mul3A_99, %dma_wait3A_106] : memref<163840x128xf32, #tpu.memory_space<hbm>> -> memref<320x128xf32, #tpu.memory_space<hbm>>
        tpu.wait_dma2 semaphore(%run_scoped3A : memref<!tpu.dma_semaphore, #tpu.memory_space<semaphore_mem>>) src(%arg6 : memref<320x128xf32, #tpu.memory_space<vmem>>) dst(%dma_wait3A_107 : memref<320x128xf32, #tpu.memory_space<hbm>>)
        tpu.yield
      }) : () -> ()
    }
    %scan3A_5 = arith.constant 16 : i32
    return
  }
}

#map = affine_map<(d0, d1) -> (0, 0)>
#map1 = affine_map<(d0, d1) -> (0, 0, 0)>
module attributes {stable_mosaic.version = 14 : i64} {
  func.func @k(%arg0: i32, %arg1: i32, %arg2: memref<8192x128xf32, #tpu.memory_space<hbm>>, %arg3: memref<32x64x80xi32, #tpu.memory_space<hbm>>, %arg4: memref<163840x128xf32, #tpu.memory_space<hbm>>, %arg5: memref<64x80xi32, #tpu.memory_space<vmem>>, %arg6: memref<320x128xf32, #tpu.memory_space<vmem>>, %arg7: memref<!tpu.dma_semaphore, #tpu.memory_space<semaphore_mem>>) attributes {dimension_semantics = [#tpu.dimension_semantics<core_parallel>, #tpu.dimension_semantics<subcore_parallel>], iteration_bounds = array<i64: 2, 16>, scalar_prefetch = 0 : i64, scratch_operands = 3 : i64, tpu.core_type = #tpu.core_type<sc_vector_subcore>, window_params = [{transform_indices = #map}, {transform_indices = #map1}, {transform_indices = #map}]} {
    %mul3A = arith.constant 2 : i32
    %mul3A_0 = arith.muli %arg1, %mul3A : i32
    %add3A = arith.addi %mul3A_0, %arg0 : i32
    "tpu.region"() ({
      %run_scoped3A = tpu.sem_alloc : memref<!tpu.dma_semaphore, #tpu.memory_space<semaphore_mem>>
      %dma_start3A = arith.constant 0 : i32
      %dma_start3A_6 = arith.constant 0 : i32
      %dma_start3A_7 = tpu.memref_slice %arg3[%add3A, %dma_start3A, %dma_start3A_6] : memref<32x64x80xi32, #tpu.memory_space<hbm>> -> memref<1x64x80xi32, #tpu.memory_space<hbm>>
      %dma_start3A_8 = tpu.memref_squeeze %dma_start3A_7 : memref<1x64x80xi32, #tpu.memory_space<hbm>> -> memref<64x80xi32, #tpu.memory_space<hbm>>
      %dma_start3A_9 = arith.constant 0 : i32
      %dma_start3A_10 = arith.constant 0 : i32
      %dma_start3A_11 = tpu.memref_slice %arg3[%add3A, %dma_start3A_9, %dma_start3A_10] : memref<32x64x80xi32, #tpu.memory_space<hbm>> -> memref<1x64x80xi32, #tpu.memory_space<hbm>>
      %dma_start3A_12 = tpu.memref_squeeze %dma_start3A_11 : memref<1x64x80xi32, #tpu.memory_space<hbm>> -> memref<64x80xi32, #tpu.memory_space<hbm>>
      tpu.enqueue_dma source(%dma_start3A_12 : memref<64x80xi32, #tpu.memory_space<hbm>>) target(%arg5 : memref<64x80xi32, #tpu.memory_space<vmem>>) target_semaphore(%run_scoped3A : memref<!tpu.dma_semaphore, #tpu.memory_space<semaphore_mem>>)
      %dma_wait3A = arith.constant 0 : i32
      %dma_wait3A_13 = arith.constant 0 : i32
      %dma_wait3A_14 = tpu.memref_slice %arg3[%add3A, %dma_wait3A, %dma_wait3A_13] : memref<32x64x80xi32, #tpu.memory_space<hbm>> -> memref<1x64x80xi32, #tpu.memory_space<hbm>>
      %dma_wait3A_15 = tpu.memref_squeeze %dma_wait3A_14 : memref<1x64x80xi32, #tpu.memory_space<hbm>> -> memref<64x80xi32, #tpu.memory_space<hbm>>
      %dma_wait3A_16 = arith.constant 0 : i32
      %dma_wait3A_17 = arith.constant 0 : i32
      %dma_wait3A_18 = tpu.memref_slice %arg3[%add3A, %dma_wait3A_16, %dma_wait3A_17] : memref<32x64x80xi32, #tpu.memory_space<hbm>> -> memref<1x64x80xi32, #tpu.memory_space<hbm>>
      %dma_wait3A_19 = tpu.memref_squeeze %dma_wait3A_18 : memref<1x64x80xi32, #tpu.memory_space<hbm>> -> memref<64x80xi32, #tpu.memory_space<hbm>>
      tpu.wait_dma2 semaphore(%run_scoped3A : memref<!tpu.dma_semaphore, #tpu.memory_space<semaphore_mem>>) src(%dma_wait3A_19 : memref<64x80xi32, #tpu.memory_space<hbm>>) dst(%arg5 : memref<64x80xi32, #tpu.memory_space<vmem>>)
      tpu.yield
    }) : () -> ()
    %scan3A = arith.constant 0 : i32
    %scan3A_1 = arith.constant 0 : i32
    %scan3A_2 = arith.constant 16 : i32
    %scan3A_3 = arith.addi %scan3A_1, %scan3A_2 : i32
    %scan3A_4 = arith.constant 1 : i32
    scf.for %scan3A_6 = %scan3A_1 to %scan3A_3 step %scan3A_4  : i32 {
      %mul3A_7 = arith.constant 256 : i32
      %mul3A_8 = arith.muli %add3A, %mul3A_7 : i32
      %mul3A_9 = arith.constant 16 : i32
      %mul3A_10 = arith.muli %scan3A_6, %mul3A_9 : i32
      %add3A_11 = arith.addi %mul3A_8, %mul3A_10 : i32
      %mul3A_12 = arith.constant 4 : i32
      %mul3A_13 = arith.muli %scan3A_6, %mul3A_12 : i32
      %add3A_14 = arith.constant 0 : i32
      %add3A_15 = arith.addi %mul3A_13, %add3A_14 : i32
      %dma_start3A = arith.constant 0 : i32
      %dma_start3A_16 = arith.constant 0 : i32
      %dma_start3A_17 = tpu.memref_slice %arg6[%dma_start3A, %dma_start3A_16] : memref<320x128xf32, #tpu.memory_space<vmem>> -> memref<80x128xf32, #tpu.memory_space<vmem>>
      %dma_start3A_18 = arith.constant 0 : i32
      %dma_start3A_19 = tpu.memref_slice %arg5[%add3A_15, %dma_start3A_18] : memref<64x80xi32, #tpu.memory_space<vmem>> -> memref<1x80xi32, #tpu.memory_space<vmem>>
      %dma_start3A_20 = tpu.memref_squeeze %dma_start3A_19 : memref<1x80xi32, #tpu.memory_space<vmem>> -> memref<80xi32, #tpu.memory_space<vmem>>
      %dma_start3A_21 = arith.constant 0 : i32
      %dma_start3A_22 = arith.constant 0 : i32
      %dma_start3A_23 = tpu.memref_slice %arg2[%dma_start3A_21, %dma_start3A_22] : memref<8192x128xf32, #tpu.memory_space<hbm>> -> memref<8192x128xf32, #tpu.memory_space<hbm>>
      tpu.enqueue_indirect_dma source(%dma_start3A_23 : memref<8192x128xf32, #tpu.memory_space<hbm>>) target(%dma_start3A_17 : memref<80x128xf32, #tpu.memory_space<vmem>>) offsets(%dma_start3A_20 : memref<80xi32, #tpu.memory_space<vmem>>) semaphore(%arg7 : memref<!tpu.dma_semaphore, #tpu.memory_space<semaphore_mem>>)
      %mul3A_24 = arith.constant 4 : i32
      %mul3A_25 = arith.muli %scan3A_6, %mul3A_24 : i32
      %add3A_26 = arith.constant 1 : i32
      %add3A_27 = arith.addi %mul3A_25, %add3A_26 : i32
      %dma_start3A_28 = arith.constant 80 : i32
      %dma_start3A_29 = arith.constant 0 : i32
      %dma_start3A_30 = tpu.memref_slice %arg6[%dma_start3A_28, %dma_start3A_29] : memref<320x128xf32, #tpu.memory_space<vmem>> -> memref<80x128xf32, #tpu.memory_space<vmem>>
      %dma_start3A_31 = arith.constant 0 : i32
      %dma_start3A_32 = tpu.memref_slice %arg5[%add3A_27, %dma_start3A_31] : memref<64x80xi32, #tpu.memory_space<vmem>> -> memref<1x80xi32, #tpu.memory_space<vmem>>
      %dma_start3A_33 = tpu.memref_squeeze %dma_start3A_32 : memref<1x80xi32, #tpu.memory_space<vmem>> -> memref<80xi32, #tpu.memory_space<vmem>>
      %dma_start3A_34 = arith.constant 0 : i32
      %dma_start3A_35 = arith.constant 0 : i32
      %dma_start3A_36 = tpu.memref_slice %arg2[%dma_start3A_34, %dma_start3A_35] : memref<8192x128xf32, #tpu.memory_space<hbm>> -> memref<8192x128xf32, #tpu.memory_space<hbm>>
      tpu.enqueue_indirect_dma source(%dma_start3A_36 : memref<8192x128xf32, #tpu.memory_space<hbm>>) target(%dma_start3A_30 : memref<80x128xf32, #tpu.memory_space<vmem>>) offsets(%dma_start3A_33 : memref<80xi32, #tpu.memory_space<vmem>>) semaphore(%arg7 : memref<!tpu.dma_semaphore, #tpu.memory_space<semaphore_mem>>)
      %mul3A_37 = arith.constant 4 : i32
      %mul3A_38 = arith.muli %scan3A_6, %mul3A_37 : i32
      %add3A_39 = arith.constant 2 : i32
      %add3A_40 = arith.addi %mul3A_38, %add3A_39 : i32
      %dma_start3A_41 = arith.constant 160 : i32
      %dma_start3A_42 = arith.constant 0 : i32
      %dma_start3A_43 = tpu.memref_slice %arg6[%dma_start3A_41, %dma_start3A_42] : memref<320x128xf32, #tpu.memory_space<vmem>> -> memref<80x128xf32, #tpu.memory_space<vmem>>
      %dma_start3A_44 = arith.constant 0 : i32
      %dma_start3A_45 = tpu.memref_slice %arg5[%add3A_40, %dma_start3A_44] : memref<64x80xi32, #tpu.memory_space<vmem>> -> memref<1x80xi32, #tpu.memory_space<vmem>>
      %dma_start3A_46 = tpu.memref_squeeze %dma_start3A_45 : memref<1x80xi32, #tpu.memory_space<vmem>> -> memref<80xi32, #tpu.memory_space<vmem>>
      %dma_start3A_47 = arith.constant 0 : i32
      %dma_start3A_48 = arith.constant 0 : i32
      %dma_start3A_49 = tpu.memref_slice %arg2[%dma_start3A_47, %dma_start3A_48] : memref<8192x128xf32, #tpu.memory_space<hbm>> -> memref<8192x128xf32, #tpu.memory_space<hbm>>
      tpu.enqueue_indirect_dma source(%dma_start3A_49 : memref<8192x128xf32, #tpu.memory_space<hbm>>) target(%dma_start3A_43 : memref<80x128xf32, #tpu.memory_space<vmem>>) offsets(%dma_start3A_46 : memref<80xi32, #tpu.memory_space<vmem>>) semaphore(%arg7 : memref<!tpu.dma_semaphore, #tpu.memory_space<semaphore_mem>>)
      %mul3A_50 = arith.constant 4 : i32
      %mul3A_51 = arith.muli %scan3A_6, %mul3A_50 : i32
      %add3A_52 = arith.constant 3 : i32
      %add3A_53 = arith.addi %mul3A_51, %add3A_52 : i32
      %dma_start3A_54 = arith.constant 240 : i32
      %dma_start3A_55 = arith.constant 0 : i32
      %dma_start3A_56 = tpu.memref_slice %arg6[%dma_start3A_54, %dma_start3A_55] : memref<320x128xf32, #tpu.memory_space<vmem>> -> memref<80x128xf32, #tpu.memory_space<vmem>>
      %dma_start3A_57 = arith.constant 0 : i32
      %dma_start3A_58 = tpu.memref_slice %arg5[%add3A_53, %dma_start3A_57] : memref<64x80xi32, #tpu.memory_space<vmem>> -> memref<1x80xi32, #tpu.memory_space<vmem>>
      %dma_start3A_59 = tpu.memref_squeeze %dma_start3A_58 : memref<1x80xi32, #tpu.memory_space<vmem>> -> memref<80xi32, #tpu.memory_space<vmem>>
      %dma_start3A_60 = arith.constant 0 : i32
      %dma_start3A_61 = arith.constant 0 : i32
      %dma_start3A_62 = tpu.memref_slice %arg2[%dma_start3A_60, %dma_start3A_61] : memref<8192x128xf32, #tpu.memory_space<hbm>> -> memref<8192x128xf32, #tpu.memory_space<hbm>>
      tpu.enqueue_indirect_dma source(%dma_start3A_62 : memref<8192x128xf32, #tpu.memory_space<hbm>>) target(%dma_start3A_56 : memref<80x128xf32, #tpu.memory_space<vmem>>) offsets(%dma_start3A_59 : memref<80xi32, #tpu.memory_space<vmem>>) semaphore(%arg7 : memref<!tpu.dma_semaphore, #tpu.memory_space<semaphore_mem>>)
      %dma_wait3A = arith.constant 0 : i32
      %dma_wait3A_63 = arith.constant 0 : i32
      %dma_wait3A_64 = tpu.memref_slice %arg6[%dma_wait3A, %dma_wait3A_63] : memref<320x128xf32, #tpu.memory_space<vmem>> -> memref<80x128xf32, #tpu.memory_space<vmem>>
      %dma_wait3A_65 = arith.constant 0 : i32
      %dma_wait3A_66 = tpu.memref_slice %arg5[%add3A_15, %dma_wait3A_65] : memref<64x80xi32, #tpu.memory_space<vmem>> -> memref<1x80xi32, #tpu.memory_space<vmem>>
      %dma_wait3A_67 = tpu.memref_squeeze %dma_wait3A_66 : memref<1x80xi32, #tpu.memory_space<vmem>> -> memref<80xi32, #tpu.memory_space<vmem>>
      %dma_wait3A_68 = arith.constant 0 : i32
      %dma_wait3A_69 = arith.constant 0 : i32
      %dma_wait3A_70 = tpu.memref_slice %arg2[%dma_wait3A_68, %dma_wait3A_69] : memref<8192x128xf32, #tpu.memory_space<hbm>> -> memref<8192x128xf32, #tpu.memory_space<hbm>>
      tpu.wait_indirect_dma semaphore(%arg7 : memref<!tpu.dma_semaphore, #tpu.memory_space<semaphore_mem>>) src(%dma_wait3A_70 : memref<8192x128xf32, #tpu.memory_space<hbm>>) dst(%dma_wait3A_64 : memref<80x128xf32, #tpu.memory_space<vmem>>)
      %dma_wait3A_71 = arith.constant 80 : i32
      %dma_wait3A_72 = arith.constant 0 : i32
      %dma_wait3A_73 = tpu.memref_slice %arg6[%dma_wait3A_71, %dma_wait3A_72] : memref<320x128xf32, #tpu.memory_space<vmem>> -> memref<80x128xf32, #tpu.memory_space<vmem>>
      %dma_wait3A_74 = arith.constant 0 : i32
      %dma_wait3A_75 = tpu.memref_slice %arg5[%add3A_27, %dma_wait3A_74] : memref<64x80xi32, #tpu.memory_space<vmem>> -> memref<1x80xi32, #tpu.memory_space<vmem>>
      %dma_wait3A_76 = tpu.memref_squeeze %dma_wait3A_75 : memref<1x80xi32, #tpu.memory_space<vmem>> -> memref<80xi32, #tpu.memory_space<vmem>>
      %dma_wait3A_77 = arith.constant 0 : i32
      %dma_wait3A_78 = arith.constant 0 : i32
      %dma_wait3A_79 = tpu.memref_slice %arg2[%dma_wait3A_77, %dma_wait3A_78] : memref<8192x128xf32, #tpu.memory_space<hbm>> -> memref<8192x128xf32, #tpu.memory_space<hbm>>
      tpu.wait_indirect_dma semaphore(%arg7 : memref<!tpu.dma_semaphore, #tpu.memory_space<semaphore_mem>>) src(%dma_wait3A_79 : memref<8192x128xf32, #tpu.memory_space<hbm>>) dst(%dma_wait3A_73 : memref<80x128xf32, #tpu.memory_space<vmem>>)
      %dma_wait3A_80 = arith.constant 160 : i32
      %dma_wait3A_81 = arith.constant 0 : i32
      %dma_wait3A_82 = tpu.memref_slice %arg6[%dma_wait3A_80, %dma_wait3A_81] : memref<320x128xf32, #tpu.memory_space<vmem>> -> memref<80x128xf32, #tpu.memory_space<vmem>>
      %dma_wait3A_83 = arith.constant 0 : i32
      %dma_wait3A_84 = tpu.memref_slice %arg5[%add3A_40, %dma_wait3A_83] : memref<64x80xi32, #tpu.memory_space<vmem>> -> memref<1x80xi32, #tpu.memory_space<vmem>>
      %dma_wait3A_85 = tpu.memref_squeeze %dma_wait3A_84 : memref<1x80xi32, #tpu.memory_space<vmem>> -> memref<80xi32, #tpu.memory_space<vmem>>
      %dma_wait3A_86 = arith.constant 0 : i32
      %dma_wait3A_87 = arith.constant 0 : i32
      %dma_wait3A_88 = tpu.memref_slice %arg2[%dma_wait3A_86, %dma_wait3A_87] : memref<8192x128xf32, #tpu.memory_space<hbm>> -> memref<8192x128xf32, #tpu.memory_space<hbm>>
      tpu.wait_indirect_dma semaphore(%arg7 : memref<!tpu.dma_semaphore, #tpu.memory_space<semaphore_mem>>) src(%dma_wait3A_88 : memref<8192x128xf32, #tpu.memory_space<hbm>>) dst(%dma_wait3A_82 : memref<80x128xf32, #tpu.memory_space<vmem>>)
      %dma_wait3A_89 = arith.constant 240 : i32
      %dma_wait3A_90 = arith.constant 0 : i32
      %dma_wait3A_91 = tpu.memref_slice %arg6[%dma_wait3A_89, %dma_wait3A_90] : memref<320x128xf32, #tpu.memory_space<vmem>> -> memref<80x128xf32, #tpu.memory_space<vmem>>
      %dma_wait3A_92 = arith.constant 0 : i32
      %dma_wait3A_93 = tpu.memref_slice %arg5[%add3A_53, %dma_wait3A_92] : memref<64x80xi32, #tpu.memory_space<vmem>> -> memref<1x80xi32, #tpu.memory_space<vmem>>
      %dma_wait3A_94 = tpu.memref_squeeze %dma_wait3A_93 : memref<1x80xi32, #tpu.memory_space<vmem>> -> memref<80xi32, #tpu.memory_space<vmem>>
      %dma_wait3A_95 = arith.constant 0 : i32
      %dma_wait3A_96 = arith.constant 0 : i32
      %dma_wait3A_97 = tpu.memref_slice %arg2[%dma_wait3A_95, %dma_wait3A_96] : memref<8192x128xf32, #tpu.memory_space<hbm>> -> memref<8192x128xf32, #tpu.memory_space<hbm>>
      tpu.wait_indirect_dma semaphore(%arg7 : memref<!tpu.dma_semaphore, #tpu.memory_space<semaphore_mem>>) src(%dma_wait3A_97 : memref<8192x128xf32, #tpu.memory_space<hbm>>) dst(%dma_wait3A_91 : memref<80x128xf32, #tpu.memory_space<vmem>>)
      %mul3A_98 = arith.constant 20 : i32
      %mul3A_99 = arith.muli %add3A_11, %mul3A_98 : i32
      "tpu.region"() ({
        %run_scoped3A = tpu.sem_alloc : memref<!tpu.dma_semaphore, #tpu.memory_space<semaphore_mem>>
        %dma_start3A_100 = arith.constant 0 : i32
        %dma_start3A_101 = tpu.memref_slice %arg4[%mul3A_99, %dma_start3A_100] : memref<163840x128xf32, #tpu.memory_space<hbm>> -> memref<320x128xf32, #tpu.memory_space<hbm>>
        %dma_start3A_102 = arith.constant 0 : i32
        %dma_start3A_103 = tpu.memref_slice %arg4[%mul3A_99, %dma_start3A_102] : memref<163840x128xf32, #tpu.memory_space<hbm>> -> memref<320x128xf32, #tpu.memory_space<hbm>>
        tpu.enqueue_dma source(%arg6 : memref<320x128xf32, #tpu.memory_space<vmem>>) target(%dma_start3A_103 : memref<320x128xf32, #tpu.memory_space<hbm>>) target_semaphore(%run_scoped3A : memref<!tpu.dma_semaphore, #tpu.memory_space<semaphore_mem>>)
        %dma_wait3A_104 = arith.constant 0 : i32
        %dma_wait3A_105 = tpu.memref_slice %arg4[%mul3A_99, %dma_wait3A_104] : memref<163840x128xf32, #tpu.memory_space<hbm>> -> memref<320x128xf32, #tpu.memory_space<hbm>>
        %dma_wait3A_106 = arith.constant 0 : i32
        %dma_wait3A_107 = tpu.memref_slice %arg4[%mul3A_99, %dma_wait3A_106] : memref<163840x128xf32, #tpu.memory_space<hbm>> -> memref<320x128xf32, #tpu.memory_space<hbm>>
        tpu.wait_dma2 semaphore(%run_scoped3A : memref<!tpu.dma_semaphore, #tpu.memory_space<semaphore_mem>>) src(%arg6 : memref<320x128xf32, #tpu.memory_space<vmem>>) dst(%dma_wait3A_107 : memref<320x128xf32, #tpu.memory_space<hbm>>)
        tpu.yield
      }) : () -> ()
    }
    %scan3A_5 = arith.constant 16 : i32
    return
  }
}

#map = affine_map<(d0, d1) -> (0, 0)>
#map1 = affine_map<(d0, d1) -> (0, 0, 0)>
module attributes {stable_mosaic.version = 14 : i64} {
  func.func @k(%arg0: i32, %arg1: i32, %arg2: memref<8192x128xf32, #tpu.memory_space<hbm>>, %arg3: memref<32x64x80xi32, #tpu.memory_space<hbm>>, %arg4: memref<163840x128xf32, #tpu.memory_space<hbm>>, %arg5: memref<64x80xi32, #tpu.memory_space<vmem>>, %arg6: memref<320x128xf32, #tpu.memory_space<vmem>>, %arg7: memref<!tpu.dma_semaphore, #tpu.memory_space<semaphore_mem>>) attributes {dimension_semantics = [#tpu.dimension_semantics<core_parallel>, #tpu.dimension_semantics<subcore_parallel>], iteration_bounds = array<i64: 2, 16>, scalar_prefetch = 0 : i64, scratch_operands = 3 : i64, tpu.core_type = #tpu.core_type<sc_vector_subcore>, window_params = [{transform_indices = #map}, {transform_indices = #map1}, {transform_indices = #map}]} {
    %mul3A = arith.constant 2 : i32
    %mul3A_0 = arith.muli %arg1, %mul3A : i32
    %add3A = arith.addi %mul3A_0, %arg0 : i32
    "tpu.region"() ({
      %run_scoped3A = tpu.sem_alloc : memref<!tpu.dma_semaphore, #tpu.memory_space<semaphore_mem>>
      %dma_start3A = arith.constant 0 : i32
      %dma_start3A_6 = arith.constant 0 : i32
      %dma_start3A_7 = tpu.memref_slice %arg3[%add3A, %dma_start3A, %dma_start3A_6] : memref<32x64x80xi32, #tpu.memory_space<hbm>> -> memref<1x64x80xi32, #tpu.memory_space<hbm>>
      %dma_start3A_8 = tpu.memref_squeeze %dma_start3A_7 : memref<1x64x80xi32, #tpu.memory_space<hbm>> -> memref<64x80xi32, #tpu.memory_space<hbm>>
      %dma_start3A_9 = arith.constant 0 : i32
      %dma_start3A_10 = arith.constant 0 : i32
      %dma_start3A_11 = tpu.memref_slice %arg3[%add3A, %dma_start3A_9, %dma_start3A_10] : memref<32x64x80xi32, #tpu.memory_space<hbm>> -> memref<1x64x80xi32, #tpu.memory_space<hbm>>
      %dma_start3A_12 = tpu.memref_squeeze %dma_start3A_11 : memref<1x64x80xi32, #tpu.memory_space<hbm>> -> memref<64x80xi32, #tpu.memory_space<hbm>>
      tpu.enqueue_dma source(%dma_start3A_12 : memref<64x80xi32, #tpu.memory_space<hbm>>) target(%arg5 : memref<64x80xi32, #tpu.memory_space<vmem>>) target_semaphore(%run_scoped3A : memref<!tpu.dma_semaphore, #tpu.memory_space<semaphore_mem>>)
      %dma_wait3A = arith.constant 0 : i32
      %dma_wait3A_13 = arith.constant 0 : i32
      %dma_wait3A_14 = tpu.memref_slice %arg3[%add3A, %dma_wait3A, %dma_wait3A_13] : memref<32x64x80xi32, #tpu.memory_space<hbm>> -> memref<1x64x80xi32, #tpu.memory_space<hbm>>
      %dma_wait3A_15 = tpu.memref_squeeze %dma_wait3A_14 : memref<1x64x80xi32, #tpu.memory_space<hbm>> -> memref<64x80xi32, #tpu.memory_space<hbm>>
      %dma_wait3A_16 = arith.constant 0 : i32
      %dma_wait3A_17 = arith.constant 0 : i32
      %dma_wait3A_18 = tpu.memref_slice %arg3[%add3A, %dma_wait3A_16, %dma_wait3A_17] : memref<32x64x80xi32, #tpu.memory_space<hbm>> -> memref<1x64x80xi32, #tpu.memory_space<hbm>>
      %dma_wait3A_19 = tpu.memref_squeeze %dma_wait3A_18 : memref<1x64x80xi32, #tpu.memory_space<hbm>> -> memref<64x80xi32, #tpu.memory_space<hbm>>
      tpu.wait_dma2 semaphore(%run_scoped3A : memref<!tpu.dma_semaphore, #tpu.memory_space<semaphore_mem>>) src(%dma_wait3A_19 : memref<64x80xi32, #tpu.memory_space<hbm>>) dst(%arg5 : memref<64x80xi32, #tpu.memory_space<vmem>>)
      tpu.yield
    }) : () -> ()
    %scan3A = arith.constant 0 : i32
    %scan3A_1 = arith.constant 0 : i32
    %scan3A_2 = arith.constant 16 : i32
    %scan3A_3 = arith.addi %scan3A_1, %scan3A_2 : i32
    %scan3A_4 = arith.constant 1 : i32
    scf.for %scan3A_6 = %scan3A_1 to %scan3A_3 step %scan3A_4  : i32 {
      %mul3A_7 = arith.constant 256 : i32
      %mul3A_8 = arith.muli %add3A, %mul3A_7 : i32
      %mul3A_9 = arith.constant 16 : i32
      %mul3A_10 = arith.muli %scan3A_6, %mul3A_9 : i32
      %add3A_11 = arith.addi %mul3A_8, %mul3A_10 : i32
      %mul3A_12 = arith.constant 4 : i32
      %mul3A_13 = arith.muli %scan3A_6, %mul3A_12 : i32
      %add3A_14 = arith.constant 0 : i32
      %add3A_15 = arith.addi %mul3A_13, %add3A_14 : i32
      %dma_start3A = arith.constant 0 : i32
      %dma_start3A_16 = arith.constant 0 : i32
      %dma_start3A_17 = tpu.memref_slice %arg6[%dma_start3A, %dma_start3A_16] : memref<320x128xf32, #tpu.memory_space<vmem>> -> memref<80x128xf32, #tpu.memory_space<vmem>>
      %dma_start3A_18 = arith.constant 0 : i32
      %dma_start3A_19 = tpu.memref_slice %arg5[%add3A_15, %dma_start3A_18] : memref<64x80xi32, #tpu.memory_space<vmem>> -> memref<1x80xi32, #tpu.memory_space<vmem>>
      %dma_start3A_20 = tpu.memref_squeeze %dma_start3A_19 : memref<1x80xi32, #tpu.memory_space<vmem>> -> memref<80xi32, #tpu.memory_space<vmem>>
      %dma_start3A_21 = arith.constant 0 : i32
      %dma_start3A_22 = arith.constant 0 : i32
      %dma_start3A_23 = tpu.memref_slice %arg2[%dma_start3A_21, %dma_start3A_22] : memref<8192x128xf32, #tpu.memory_space<hbm>> -> memref<8192x128xf32, #tpu.memory_space<hbm>>
      tpu.enqueue_indirect_dma source(%dma_start3A_23 : memref<8192x128xf32, #tpu.memory_space<hbm>>) target(%dma_start3A_17 : memref<80x128xf32, #tpu.memory_space<vmem>>) offsets(%dma_start3A_20 : memref<80xi32, #tpu.memory_space<vmem>>) semaphore(%arg7 : memref<!tpu.dma_semaphore, #tpu.memory_space<semaphore_mem>>)
      %mul3A_24 = arith.constant 4 : i32
      %mul3A_25 = arith.muli %scan3A_6, %mul3A_24 : i32
      %add3A_26 = arith.constant 1 : i32
      %add3A_27 = arith.addi %mul3A_25, %add3A_26 : i32
      %dma_start3A_28 = arith.constant 80 : i32
      %dma_start3A_29 = arith.constant 0 : i32
      %dma_start3A_30 = tpu.memref_slice %arg6[%dma_start3A_28, %dma_start3A_29] : memref<320x128xf32, #tpu.memory_space<vmem>> -> memref<80x128xf32, #tpu.memory_space<vmem>>
      %dma_start3A_31 = arith.constant 0 : i32
      %dma_start3A_32 = tpu.memref_slice %arg5[%add3A_27, %dma_start3A_31] : memref<64x80xi32, #tpu.memory_space<vmem>> -> memref<1x80xi32, #tpu.memory_space<vmem>>
      %dma_start3A_33 = tpu.memref_squeeze %dma_start3A_32 : memref<1x80xi32, #tpu.memory_space<vmem>> -> memref<80xi32, #tpu.memory_space<vmem>>
      %dma_start3A_34 = arith.constant 0 : i32
      %dma_start3A_35 = arith.constant 0 : i32
      %dma_start3A_36 = tpu.memref_slice %arg2[%dma_start3A_34, %dma_start3A_35] : memref<8192x128xf32, #tpu.memory_space<hbm>> -> memref<8192x128xf32, #tpu.memory_space<hbm>>
      tpu.enqueue_indirect_dma source(%dma_start3A_36 : memref<8192x128xf32, #tpu.memory_space<hbm>>) target(%dma_start3A_30 : memref<80x128xf32, #tpu.memory_space<vmem>>) offsets(%dma_start3A_33 : memref<80xi32, #tpu.memory_space<vmem>>) semaphore(%arg7 : memref<!tpu.dma_semaphore, #tpu.memory_space<semaphore_mem>>)
      %mul3A_37 = arith.constant 4 : i32
      %mul3A_38 = arith.muli %scan3A_6, %mul3A_37 : i32
      %add3A_39 = arith.constant 2 : i32
      %add3A_40 = arith.addi %mul3A_38, %add3A_39 : i32
      %dma_start3A_41 = arith.constant 160 : i32
      %dma_start3A_42 = arith.constant 0 : i32
      %dma_start3A_43 = tpu.memref_slice %arg6[%dma_start3A_41, %dma_start3A_42] : memref<320x128xf32, #tpu.memory_space<vmem>> -> memref<80x128xf32, #tpu.memory_space<vmem>>
      %dma_start3A_44 = arith.constant 0 : i32
      %dma_start3A_45 = tpu.memref_slice %arg5[%add3A_40, %dma_start3A_44] : memref<64x80xi32, #tpu.memory_space<vmem>> -> memref<1x80xi32, #tpu.memory_space<vmem>>
      %dma_start3A_46 = tpu.memref_squeeze %dma_start3A_45 : memref<1x80xi32, #tpu.memory_space<vmem>> -> memref<80xi32, #tpu.memory_space<vmem>>
      %dma_start3A_47 = arith.constant 0 : i32
      %dma_start3A_48 = arith.constant 0 : i32
      %dma_start3A_49 = tpu.memref_slice %arg2[%dma_start3A_47, %dma_start3A_48] : memref<8192x128xf32, #tpu.memory_space<hbm>> -> memref<8192x128xf32, #tpu.memory_space<hbm>>
      tpu.enqueue_indirect_dma source(%dma_start3A_49 : memref<8192x128xf32, #tpu.memory_space<hbm>>) target(%dma_start3A_43 : memref<80x128xf32, #tpu.memory_space<vmem>>) offsets(%dma_start3A_46 : memref<80xi32, #tpu.memory_space<vmem>>) semaphore(%arg7 : memref<!tpu.dma_semaphore, #tpu.memory_space<semaphore_mem>>)
      %mul3A_50 = arith.constant 4 : i32
      %mul3A_51 = arith.muli %scan3A_6, %mul3A_50 : i32
      %add3A_52 = arith.constant 3 : i32
      %add3A_53 = arith.addi %mul3A_51, %add3A_52 : i32
      %dma_start3A_54 = arith.constant 240 : i32
      %dma_start3A_55 = arith.constant 0 : i32
      %dma_start3A_56 = tpu.memref_slice %arg6[%dma_start3A_54, %dma_start3A_55] : memref<320x128xf32, #tpu.memory_space<vmem>> -> memref<80x128xf32, #tpu.memory_space<vmem>>
      %dma_start3A_57 = arith.constant 0 : i32
      %dma_start3A_58 = tpu.memref_slice %arg5[%add3A_53, %dma_start3A_57] : memref<64x80xi32, #tpu.memory_space<vmem>> -> memref<1x80xi32, #tpu.memory_space<vmem>>
      %dma_start3A_59 = tpu.memref_squeeze %dma_start3A_58 : memref<1x80xi32, #tpu.memory_space<vmem>> -> memref<80xi32, #tpu.memory_space<vmem>>
      %dma_start3A_60 = arith.constant 0 : i32
      %dma_start3A_61 = arith.constant 0 : i32
      %dma_start3A_62 = tpu.memref_slice %arg2[%dma_start3A_60, %dma_start3A_61] : memref<8192x128xf32, #tpu.memory_space<hbm>> -> memref<8192x128xf32, #tpu.memory_space<hbm>>
      tpu.enqueue_indirect_dma source(%dma_start3A_62 : memref<8192x128xf32, #tpu.memory_space<hbm>>) target(%dma_start3A_56 : memref<80x128xf32, #tpu.memory_space<vmem>>) offsets(%dma_start3A_59 : memref<80xi32, #tpu.memory_space<vmem>>) semaphore(%arg7 : memref<!tpu.dma_semaphore, #tpu.memory_space<semaphore_mem>>)
      %dma_wait3A = arith.constant 0 : i32
      %dma_wait3A_63 = arith.constant 0 : i32
      %dma_wait3A_64 = tpu.memref_slice %arg6[%dma_wait3A, %dma_wait3A_63] : memref<320x128xf32, #tpu.memory_space<vmem>> -> memref<80x128xf32, #tpu.memory_space<vmem>>
      %dma_wait3A_65 = arith.constant 0 : i32
      %dma_wait3A_66 = tpu.memref_slice %arg5[%add3A_15, %dma_wait3A_65] : memref<64x80xi32, #tpu.memory_space<vmem>> -> memref<1x80xi32, #tpu.memory_space<vmem>>
      %dma_wait3A_67 = tpu.memref_squeeze %dma_wait3A_66 : memref<1x80xi32, #tpu.memory_space<vmem>> -> memref<80xi32, #tpu.memory_space<vmem>>
      %dma_wait3A_68 = arith.constant 0 : i32
      %dma_wait3A_69 = arith.constant 0 : i32
      %dma_wait3A_70 = tpu.memref_slice %arg2[%dma_wait3A_68, %dma_wait3A_69] : memref<8192x128xf32, #tpu.memory_space<hbm>> -> memref<8192x128xf32, #tpu.memory_space<hbm>>
      tpu.wait_indirect_dma semaphore(%arg7 : memref<!tpu.dma_semaphore, #tpu.memory_space<semaphore_mem>>) src(%dma_wait3A_70 : memref<8192x128xf32, #tpu.memory_space<hbm>>) dst(%dma_wait3A_64 : memref<80x128xf32, #tpu.memory_space<vmem>>)
      %dma_wait3A_71 = arith.constant 80 : i32
      %dma_wait3A_72 = arith.constant 0 : i32
      %dma_wait3A_73 = tpu.memref_slice %arg6[%dma_wait3A_71, %dma_wait3A_72] : memref<320x128xf32, #tpu.memory_space<vmem>> -> memref<80x128xf32, #tpu.memory_space<vmem>>
      %dma_wait3A_74 = arith.constant 0 : i32
      %dma_wait3A_75 = tpu.memref_slice %arg5[%add3A_27, %dma_wait3A_74] : memref<64x80xi32, #tpu.memory_space<vmem>> -> memref<1x80xi32, #tpu.memory_space<vmem>>
      %dma_wait3A_76 = tpu.memref_squeeze %dma_wait3A_75 : memref<1x80xi32, #tpu.memory_space<vmem>> -> memref<80xi32, #tpu.memory_space<vmem>>
      %dma_wait3A_77 = arith.constant 0 : i32
      %dma_wait3A_78 = arith.constant 0 : i32
      %dma_wait3A_79 = tpu.memref_slice %arg2[%dma_wait3A_77, %dma_wait3A_78] : memref<8192x128xf32, #tpu.memory_space<hbm>> -> memref<8192x128xf32, #tpu.memory_space<hbm>>
      tpu.wait_indirect_dma semaphore(%arg7 : memref<!tpu.dma_semaphore, #tpu.memory_space<semaphore_mem>>) src(%dma_wait3A_79 : memref<8192x128xf32, #tpu.memory_space<hbm>>) dst(%dma_wait3A_73 : memref<80x128xf32, #tpu.memory_space<vmem>>)
      %dma_wait3A_80 = arith.constant 160 : i32
      %dma_wait3A_81 = arith.constant 0 : i32
      %dma_wait3A_82 = tpu.memref_slice %arg6[%dma_wait3A_80, %dma_wait3A_81] : memref<320x128xf32, #tpu.memory_space<vmem>> -> memref<80x128xf32, #tpu.memory_space<vmem>>
      %dma_wait3A_83 = arith.constant 0 : i32
      %dma_wait3A_84 = tpu.memref_slice %arg5[%add3A_40, %dma_wait3A_83] : memref<64x80xi32, #tpu.memory_space<vmem>> -> memref<1x80xi32, #tpu.memory_space<vmem>>
      %dma_wait3A_85 = tpu.memref_squeeze %dma_wait3A_84 : memref<1x80xi32, #tpu.memory_space<vmem>> -> memref<80xi32, #tpu.memory_space<vmem>>
      %dma_wait3A_86 = arith.constant 0 : i32
      %dma_wait3A_87 = arith.constant 0 : i32
      %dma_wait3A_88 = tpu.memref_slice %arg2[%dma_wait3A_86, %dma_wait3A_87] : memref<8192x128xf32, #tpu.memory_space<hbm>> -> memref<8192x128xf32, #tpu.memory_space<hbm>>
      tpu.wait_indirect_dma semaphore(%arg7 : memref<!tpu.dma_semaphore, #tpu.memory_space<semaphore_mem>>) src(%dma_wait3A_88 : memref<8192x128xf32, #tpu.memory_space<hbm>>) dst(%dma_wait3A_82 : memref<80x128xf32, #tpu.memory_space<vmem>>)
      %dma_wait3A_89 = arith.constant 240 : i32
      %dma_wait3A_90 = arith.constant 0 : i32
      %dma_wait3A_91 = tpu.memref_slice %arg6[%dma_wait3A_89, %dma_wait3A_90] : memref<320x128xf32, #tpu.memory_space<vmem>> -> memref<80x128xf32, #tpu.memory_space<vmem>>
      %dma_wait3A_92 = arith.constant 0 : i32
      %dma_wait3A_93 = tpu.memref_slice %arg5[%add3A_53, %dma_wait3A_92] : memref<64x80xi32, #tpu.memory_space<vmem>> -> memref<1x80xi32, #tpu.memory_space<vmem>>
      %dma_wait3A_94 = tpu.memref_squeeze %dma_wait3A_93 : memref<1x80xi32, #tpu.memory_space<vmem>> -> memref<80xi32, #tpu.memory_space<vmem>>
      %dma_wait3A_95 = arith.constant 0 : i32
      %dma_wait3A_96 = arith.constant 0 : i32
      %dma_wait3A_97 = tpu.memref_slice %arg2[%dma_wait3A_95, %dma_wait3A_96] : memref<8192x128xf32, #tpu.memory_space<hbm>> -> memref<8192x128xf32, #tpu.memory_space<hbm>>
      tpu.wait_indirect_dma semaphore(%arg7 : memref<!tpu.dma_semaphore, #tpu.memory_space<semaphore_mem>>) src(%dma_wait3A_97 : memref<8192x128xf32, #tpu.memory_space<hbm>>) dst(%dma_wait3A_91 : memref<80x128xf32, #tpu.memory_space<vmem>>)
      %mul3A_98 = arith.constant 20 : i32
      %mul3A_99 = arith.muli %add3A_11, %mul3A_98 : i32
      "tpu.region"() ({
        %run_scoped3A = tpu.sem_alloc : memref<!tpu.dma_semaphore, #tpu.memory_space<semaphore_mem>>
        %dma_start3A_100 = arith.constant 0 : i32
        %dma_start3A_101 = tpu.memref_slice %arg4[%mul3A_99, %dma_start3A_100] : memref<163840x128xf32, #tpu.memory_space<hbm>> -> memref<320x128xf32, #tpu.memory_space<hbm>>
        %dma_start3A_102 = arith.constant 0 : i32
        %dma_start3A_103 = tpu.memref_slice %arg4[%mul3A_99, %dma_start3A_102] : memref<163840x128xf32, #tpu.memory_space<hbm>> -> memref<320x128xf32, #tpu.memory_space<hbm>>
        tpu.enqueue_dma source(%arg6 : memref<320x128xf32, #tpu.memory_space<vmem>>) target(%dma_start3A_103 : memref<320x128xf32, #tpu.memory_space<hbm>>) target_semaphore(%run_scoped3A : memref<!tpu.dma_semaphore, #tpu.memory_space<semaphore_mem>>)
        %dma_wait3A_104 = arith.constant 0 : i32
        %dma_wait3A_105 = tpu.memref_slice %arg4[%mul3A_99, %dma_wait3A_104] : memref<163840x128xf32, #tpu.memory_space<hbm>> -> memref<320x128xf32, #tpu.memory_space<hbm>>
        %dma_wait3A_106 = arith.constant 0 : i32
        %dma_wait3A_107 = tpu.memref_slice %arg4[%mul3A_99, %dma_wait3A_106] : memref<163840x128xf32, #tpu.memory_space<hbm>> -> memref<320x128xf32, #tpu.memory_space<hbm>>
        tpu.wait_dma2 semaphore(%run_scoped3A : memref<!tpu.dma_semaphore, #tpu.memory_space<semaphore_mem>>) src(%arg6 : memref<320x128xf32, #tpu.memory_space<vmem>>) dst(%dma_wait3A_107 : memref<320x128xf32, #tpu.memory_space<hbm>>)
        tpu.yield
      }) : () -> ()
    }
    %scan3A_5 = arith.constant 16 : i32
    return
  }
}

module attributes {stable_mosaic.version = 14 : i64} {
  func.func @body(%arg0: i32, %arg1: i32, %arg2: memref<1x512x128xf32, #tpu.memory_space<vmem>>, %arg3: memref<1x2048x128xf32, #tpu.memory_space<vmem>>, %arg4: memref<1x512x20xi32, #tpu.memory_space<vmem>>) attributes {dimension_semantics = [#tpu.dimension_semantics<arbitrary>, #tpu.dimension_semantics<arbitrary>], iteration_bounds = array<i64: 4, 4>, scalar_prefetch = 0 : i64, scratch_operands = 0 : i64, tpu.core_type = #tpu.core_type<tc>, window_params = [{transform_indices = @transform_0, window_bounds = array<i64: 1, 512, 128>}, {transform_indices = @transform_1, window_bounds = array<i64: 1, 2048, 128>}, {transform_indices = @transform_2, window_bounds = array<i64: 1, 512, 20>}]} {
    %get3A = arith.constant 0 : index
    %get3A_0 = arith.constant 0 : index
    %get3A_1 = arith.constant 0 : index
    %get3A_2 = vector.load %arg2[%get3A, %get3A_0, %get3A_1] : memref<1x512x128xf32, #tpu.memory_space<vmem>>, vector<1x512x128xf32>
    %get3A_3 = vector.shape_cast %get3A_2 : vector<1x512x128xf32> to vector<512x128xf32>
    %get3A_4 = arith.constant 0 : index
    %get3A_5 = arith.constant 0 : index
    %get3A_6 = arith.constant 0 : index
    %get3A_7 = vector.load %arg3[%get3A_4, %get3A_5, %get3A_6] : memref<1x2048x128xf32, #tpu.memory_space<vmem>>, vector<1x2048x128xf32>
    %get3A_8 = vector.shape_cast %get3A_7 : vector<1x2048x128xf32> to vector<2048x128xf32>
    %convert_element_type3A = arith.truncf %get3A_3 : vector<512x128xf32> to vector<512x128xbf16>
    %convert_element_type3A_9 = arith.truncf %get3A_8 : vector<2048x128xf32> to vector<2048x128xbf16>
    %dot_general3A = arith.constant dense<0.000000e+00> : vector<512x2048xf32>
    %dot_general3A_10 = tpu.matmul %convert_element_type3A, %convert_element_type3A_9, %dot_general3A {dimension_numbers = #tpu.dot_dimension_numbers<[1], [1], [0], [0], [0, 0, 1, 0], [], []>, transpose_lhs_hint = false} : vector<512x128xbf16>, vector<2048x128xbf16>, vector<512x2048xf32> -> vector<512x2048xf32>
    %mul3A = arith.mulf %get3A_3, %get3A_3 : vector<512x128xf32>
    %reduce_sum3A = arith.constant dense<0.000000e+00> : vector<512xf32>
    %reduce_sum3A_11 = vector.multi_reduction <add>, %mul3A, %reduce_sum3A [1] : vector<512x128xf32> to vector<512xf32>
    %mul3A_12 = arith.mulf %get3A_8, %get3A_8 : vector<2048x128xf32>
    %reduce_sum3A_13 = arith.constant dense<0.000000e+00> : vector<2048xf32>
    %reduce_sum3A_14 = vector.multi_reduction <add>, %mul3A_12, %reduce_sum3A_13 [1] : vector<2048x128xf32> to vector<2048xf32>
    %mul3A_15 = arith.constant 2.000000e+00 : f32
    %mul3A_16 = vector.broadcast %mul3A_15 : f32 to vector<512x2048xf32>
    %mul3A_17 = arith.mulf %mul3A_16, %dot_general3A_10 : vector<512x2048xf32>
    %broadcast_in_dim3A = vector.shape_cast %reduce_sum3A_11 : vector<512xf32> to vector<512x1xf32>
    %sub3A = vector.broadcast %broadcast_in_dim3A : vector<512x1xf32> to vector<512x2048xf32>
    %sub3A_18 = arith.subf %mul3A_17, %sub3A : vector<512x2048xf32>
    %broadcast_in_dim3A_19 = vector.shape_cast %reduce_sum3A_14 : vector<2048xf32> to vector<1x2048xf32>
    %sub3A_20 = vector.broadcast %broadcast_in_dim3A_19 : vector<1x2048xf32> to vector<512x2048xf32>
    %sub3A_21 = arith.subf %sub3A_18, %sub3A_20 : vector<512x2048xf32>
    %iota3A = tpu.iota {dimensions = array<i32: 1>} : vector<512x2048xi32>
    %reduce_max3A = arith.constant dense<0xFF800000> : vector<512xf32>
    %reduce_max3A_22 = vector.multi_reduction <maximumf>, %sub3A_21, %reduce_max3A [1] : vector<512x2048xf32> to vector<512xf32>
    %broadcast_in_dim3A_23 = vector.shape_cast %reduce_max3A_22 : vector<512xf32> to vector<512x1xf32>
    %eq3A = vector.broadcast %broadcast_in_dim3A_23 : vector<512x1xf32> to vector<512x2048xf32>
    %eq3A_24 = arith.cmpf oeq, %sub3A_21, %eq3A : vector<512x2048xf32>
    %jit3A = arith.constant 2048 : i32
    %broadcast_in_dim3A_25 = vector.broadcast %jit3A : i32 to vector<512x2048xi32>
    %select_n3A = arith.select %eq3A_24, %iota3A, %broadcast_in_dim3A_25 : vector<512x2048xi1>, vector<512x2048xi32>
    %reduce_min3A = arith.constant dense<2147483647> : vector<512xi32>
    %reduce_min3A_26 = vector.multi_reduction <minsi>, %select_n3A, %reduce_min3A [1] : vector<512x2048xi32> to vector<512xi32>
    %jit3A_27 = arith.constant -3.000000e+38 : f32
    %broadcast_in_dim3A_28 = vector.broadcast %jit3A_27 : f32 to vector<512x2048xf32>
    %select_n3A_29 = arith.select %eq3A_24, %broadcast_in_dim3A_28, %sub3A_21 : vector<512x2048xi1>, vector<512x2048xf32>
    %reduce_max3A_30 = arith.constant dense<0xFF800000> : vector<512xf32>
    %reduce_max3A_31 = vector.multi_reduction <maximumf>, %select_n3A_29, %reduce_max3A_30 [1] : vector<512x2048xf32> to vector<512xf32>
    %broadcast_in_dim3A_32 = vector.shape_cast %reduce_max3A_31 : vector<512xf32> to vector<512x1xf32>
    %eq3A_33 = vector.broadcast %broadcast_in_dim3A_32 : vector<512x1xf32> to vector<512x2048xf32>
    %eq3A_34 = arith.cmpf oeq, %select_n3A_29, %eq3A_33 : vector<512x2048xf32>
    %jit3A_35 = arith.constant 2048 : i32
    %broadcast_in_dim3A_36 = vector.broadcast %jit3A_35 : i32 to vector<512x2048xi32>
    %select_n3A_37 = arith.select %eq3A_34, %iota3A, %broadcast_in_dim3A_36 : vector<512x2048xi1>, vector<512x2048xi32>
    %reduce_min3A_38 = arith.constant dense<2147483647> : vector<512xi32>
    %reduce_min3A_39 = vector.multi_reduction <minsi>, %select_n3A_37, %reduce_min3A_38 [1] : vector<512x2048xi32> to vector<512xi32>
    %jit3A_40 = arith.constant -3.000000e+38 : f32
    %broadcast_in_dim3A_41 = vector.broadcast %jit3A_40 : f32 to vector<512x2048xf32>
    %select_n3A_42 = arith.select %eq3A_34, %broadcast_in_dim3A_41, %select_n3A_29 : vector<512x2048xi1>, vector<512x2048xf32>
    %reduce_max3A_43 = arith.constant dense<0xFF800000> : vector<512xf32>
    %reduce_max3A_44 = vector.multi_reduction <maximumf>, %select_n3A_42, %reduce_max3A_43 [1] : vector<512x2048xf32> to vector<512xf32>
    %broadcast_in_dim3A_45 = vector.shape_cast %reduce_max3A_44 : vector<512xf32> to vector<512x1xf32>
    %eq3A_46 = vector.broadcast %broadcast_in_dim3A_45 : vector<512x1xf32> to vector<512x2048xf32>
    %eq3A_47 = arith.cmpf oeq, %select_n3A_42, %eq3A_46 : vector<512x2048xf32>
    %jit3A_48 = arith.constant 2048 : i32
    %broadcast_in_dim3A_49 = vector.broadcast %jit3A_48 : i32 to vector<512x2048xi32>
    %select_n3A_50 = arith.select %eq3A_47, %iota3A, %broadcast_in_dim3A_49 : vector<512x2048xi1>, vector<512x2048xi32>
    %reduce_min3A_51 = arith.constant dense<2147483647> : vector<512xi32>
    %reduce_min3A_52 = vector.multi_reduction <minsi>, %select_n3A_50, %reduce_min3A_51 [1] : vector<512x2048xi32> to vector<512xi32>
    %jit3A_53 = arith.constant -3.000000e+38 : f32
    %broadcast_in_dim3A_54 = vector.broadcast %jit3A_53 : f32 to vector<512x2048xf32>
    %select_n3A_55 = arith.select %eq3A_47, %broadcast_in_dim3A_54, %select_n3A_42 : vector<512x2048xi1>, vector<512x2048xf32>
    %reduce_max3A_56 = arith.constant dense<0xFF800000> : vector<512xf32>
    %reduce_max3A_57 = vector.multi_reduction <maximumf>, %select_n3A_55, %reduce_max3A_56 [1] : vector<512x2048xf32> to vector<512xf32>
    %broadcast_in_dim3A_58 = vector.shape_cast %reduce_max3A_57 : vector<512xf32> to vector<512x1xf32>
    %eq3A_59 = vector.broadcast %broadcast_in_dim3A_58 : vector<512x1xf32> to vector<512x2048xf32>
    %eq3A_60 = arith.cmpf oeq, %select_n3A_55, %eq3A_59 : vector<512x2048xf32>
    %jit3A_61 = arith.constant 2048 : i32
    %broadcast_in_dim3A_62 = vector.broadcast %jit3A_61 : i32 to vector<512x2048xi32>
    %select_n3A_63 = arith.select %eq3A_60, %iota3A, %broadcast_in_dim3A_62 : vector<512x2048xi1>, vector<512x2048xi32>
    %reduce_min3A_64 = arith.constant dense<2147483647> : vector<512xi32>
    %reduce_min3A_65 = vector.multi_reduction <minsi>, %select_n3A_63, %reduce_min3A_64 [1] : vector<512x2048xi32> to vector<512xi32>
    %jit3A_66 = arith.constant -3.000000e+38 : f32
    %broadcast_in_dim3A_67 = vector.broadcast %jit3A_66 : f32 to vector<512x2048xf32>
    %select_n3A_68 = arith.select %eq3A_60, %broadcast_in_dim3A_67, %select_n3A_55 : vector<512x2048xi1>, vector<512x2048xf32>
    %reduce_max3A_69 = arith.constant dense<0xFF800000> : vector<512xf32>
    %reduce_max3A_70 = vector.multi_reduction <maximumf>, %select_n3A_68, %reduce_max3A_69 [1] : vector<512x2048xf32> to vector<512xf32>
    %broadcast_in_dim3A_71 = vector.shape_cast %reduce_max3A_70 : vector<512xf32> to vector<512x1xf32>
    %eq3A_72 = vector.broadcast %broadcast_in_dim3A_71 : vector<512x1xf32> to vector<512x2048xf32>
    %eq3A_73 = arith.cmpf oeq, %select_n3A_68, %eq3A_72 : vector<512x2048xf32>
    %jit3A_74 = arith.constant 2048 : i32
    %broadcast_in_dim3A_75 = vector.broadcast %jit3A_74 : i32 to vector<512x2048xi32>
    %select_n3A_76 = arith.select %eq3A_73, %iota3A, %broadcast_in_dim3A_75 : vector<512x2048xi1>, vector<512x2048xi32>
    %reduce_min3A_77 = arith.constant dense<2147483647> : vector<512xi32>
    %reduce_min3A_78 = vector.multi_reduction <minsi>, %select_n3A_76, %reduce_min3A_77 [1] : vector<512x2048xi32> to vector<512xi32>
    %jit3A_79 = arith.constant -3.000000e+38 : f32
    %broadcast_in_dim3A_80 = vector.broadcast %jit3A_79 : f32 to vector<512x2048xf32>
    %select_n3A_81 = arith.select %eq3A_73, %broadcast_in_dim3A_80, %select_n3A_68 : vector<512x2048xi1>, vector<512x2048xf32>
    %reduce_max3A_82 = arith.constant dense<0xFF800000> : vector<512xf32>
    %reduce_max3A_83 = vector.multi_reduction <maximumf>, %select_n3A_81, %reduce_max3A_82 [1] : vector<512x2048xf32> to vector<512xf32>
    %broadcast_in_dim3A_84 = vector.shape_cast %reduce_max3A_83 : vector<512xf32> to vector<512x1xf32>
    %eq3A_85 = vector.broadcast %broadcast_in_dim3A_84 : vector<512x1xf32> to vector<512x2048xf32>
    %eq3A_86 = arith.cmpf oeq, %select_n3A_81, %eq3A_85 : vector<512x2048xf32>
    %jit3A_87 = arith.constant 2048 : i32
    %broadcast_in_dim3A_88 = vector.broadcast %jit3A_87 : i32 to vector<512x2048xi32>
    %select_n3A_89 = arith.select %eq3A_86, %iota3A, %broadcast_in_dim3A_88 : vector<512x2048xi1>, vector<512x2048xi32>
    %reduce_min3A_90 = arith.constant dense<2147483647> : vector<512xi32>
    %reduce_min3A_91 = vector.multi_reduction <minsi>, %select_n3A_89, %reduce_min3A_90 [1] : vector<512x2048xi32> to vector<512xi32>
    %jit3A_92 = arith.constant -3.000000e+38 : f32
    %broadcast_in_dim3A_93 = vector.broadcast %jit3A_92 : f32 to vector<512x2048xf32>
    %select_n3A_94 = arith.select %eq3A_86, %broadcast_in_dim3A_93, %select_n3A_81 : vector<512x2048xi1>, vector<512x2048xf32>
    %reduce_max3A_95 = arith.constant dense<0xFF800000> : vector<512xf32>
    %reduce_max3A_96 = vector.multi_reduction <maximumf>, %select_n3A_94, %reduce_max3A_95 [1] : vector<512x2048xf32> to vector<512xf32>
    %broadcast_in_dim3A_97 = vector.shape_cast %reduce_max3A_96 : vector<512xf32> to vector<512x1xf32>
    %eq3A_98 = vector.broadcast %broadcast_in_dim3A_97 : vector<512x1xf32> to vector<512x2048xf32>
    %eq3A_99 = arith.cmpf oeq, %select_n3A_94, %eq3A_98 : vector<512x2048xf32>
    %jit3A_100 = arith.constant 2048 : i32
    %broadcast_in_dim3A_101 = vector.broadcast %jit3A_100 : i32 to vector<512x2048xi32>
    %select_n3A_102 = arith.select %eq3A_99, %iota3A, %broadcast_in_dim3A_101 : vector<512x2048xi1>, vector<512x2048xi32>
    %reduce_min3A_103 = arith.constant dense<2147483647> : vector<512xi32>
    %reduce_min3A_104 = vector.multi_reduction <minsi>, %select_n3A_102, %reduce_min3A_103 [1] : vector<512x2048xi32> to vector<512xi32>
    %jit3A_105 = arith.constant -3.000000e+38 : f32
    %broadcast_in_dim3A_106 = vector.broadcast %jit3A_105 : f32 to vector<512x2048xf32>
    %select_n3A_107 = arith.select %eq3A_99, %broadcast_in_dim3A_106, %select_n3A_94 : vector<512x2048xi1>, vector<512x2048xf32>
    %reduce_max3A_108 = arith.constant dense<0xFF800000> : vector<512xf32>
    %reduce_max3A_109 = vector.multi_reduction <maximumf>, %select_n3A_107, %reduce_max3A_108 [1] : vector<512x2048xf32> to vector<512xf32>
    %broadcast_in_dim3A_110 = vector.shape_cast %reduce_max3A_109 : vector<512xf32> to vector<512x1xf32>
    %eq3A_111 = vector.broadcast %broadcast_in_dim3A_110 : vector<512x1xf32> to vector<512x2048xf32>
    %eq3A_112 = arith.cmpf oeq, %select_n3A_107, %eq3A_111 : vector<512x2048xf32>
    %jit3A_113 = arith.constant 2048 : i32
    %broadcast_in_dim3A_114 = vector.broadcast %jit3A_113 : i32 to vector<512x2048xi32>
    %select_n3A_115 = arith.select %eq3A_112, %iota3A, %broadcast_in_dim3A_114 : vector<512x2048xi1>, vector<512x2048xi32>
    %reduce_min3A_116 = arith.constant dense<2147483647> : vector<512xi32>
    %reduce_min3A_117 = vector.multi_reduction <minsi>, %select_n3A_115, %reduce_min3A_116 [1] : vector<512x2048xi32> to vector<512xi32>
    %jit3A_118 = arith.constant -3.000000e+38 : f32
    %broadcast_in_dim3A_119 = vector.broadcast %jit3A_118 : f32 to vector<512x2048xf32>
    %select_n3A_120 = arith.select %eq3A_112, %broadcast_in_dim3A_119, %select_n3A_107 : vector<512x2048xi1>, vector<512x2048xf32>
    %reduce_max3A_121 = arith.constant dense<0xFF800000> : vector<512xf32>
    %reduce_max3A_122 = vector.multi_reduction <maximumf>, %select_n3A_120, %reduce_max3A_121 [1] : vector<512x2048xf32> to vector<512xf32>
    %broadcast_in_dim3A_123 = vector.shape_cast %reduce_max3A_122 : vector<512xf32> to vector<512x1xf32>
    %eq3A_124 = vector.broadcast %broadcast_in_dim3A_123 : vector<512x1xf32> to vector<512x2048xf32>
    %eq3A_125 = arith.cmpf oeq, %select_n3A_120, %eq3A_124 : vector<512x2048xf32>
    %jit3A_126 = arith.constant 2048 : i32
    %broadcast_in_dim3A_127 = vector.broadcast %jit3A_126 : i32 to vector<512x2048xi32>
    %select_n3A_128 = arith.select %eq3A_125, %iota3A, %broadcast_in_dim3A_127 : vector<512x2048xi1>, vector<512x2048xi32>
    %reduce_min3A_129 = arith.constant dense<2147483647> : vector<512xi32>
    %reduce_min3A_130 = vector.multi_reduction <minsi>, %select_n3A_128, %reduce_min3A_129 [1] : vector<512x2048xi32> to vector<512xi32>
    %jit3A_131 = arith.constant -3.000000e+38 : f32
    %broadcast_in_dim3A_132 = vector.broadcast %jit3A_131 : f32 to vector<512x2048xf32>
    %select_n3A_133 = arith.select %eq3A_125, %broadcast_in_dim3A_132, %select_n3A_120 : vector<512x2048xi1>, vector<512x2048xf32>
    %reduce_max3A_134 = arith.constant dense<0xFF800000> : vector<512xf32>
    %reduce_max3A_135 = vector.multi_reduction <maximumf>, %select_n3A_133, %reduce_max3A_134 [1] : vector<512x2048xf32> to vector<512xf32>
    %broadcast_in_dim3A_136 = vector.shape_cast %reduce_max3A_135 : vector<512xf32> to vector<512x1xf32>
    %eq3A_137 = vector.broadcast %broadcast_in_dim3A_136 : vector<512x1xf32> to vector<512x2048xf32>
    %eq3A_138 = arith.cmpf oeq, %select_n3A_133, %eq3A_137 : vector<512x2048xf32>
    %jit3A_139 = arith.constant 2048 : i32
    %broadcast_in_dim3A_140 = vector.broadcast %jit3A_139 : i32 to vector<512x2048xi32>
    %select_n3A_141 = arith.select %eq3A_138, %iota3A, %broadcast_in_dim3A_140 : vector<512x2048xi1>, vector<512x2048xi32>
    %reduce_min3A_142 = arith.constant dense<2147483647> : vector<512xi32>
    %reduce_min3A_143 = vector.multi_reduction <minsi>, %select_n3A_141, %reduce_min3A_142 [1] : vector<512x2048xi32> to vector<512xi32>
    %jit3A_144 = arith.constant -3.000000e+38 : f32
    %broadcast_in_dim3A_145 = vector.broadcast %jit3A_144 : f32 to vector<512x2048xf32>
    %select_n3A_146 = arith.select %eq3A_138, %broadcast_in_dim3A_145, %select_n3A_133 : vector<512x2048xi1>, vector<512x2048xf32>
    %reduce_max3A_147 = arith.constant dense<0xFF800000> : vector<512xf32>
    %reduce_max3A_148 = vector.multi_reduction <maximumf>, %select_n3A_146, %reduce_max3A_147 [1] : vector<512x2048xf32> to vector<512xf32>
    %broadcast_in_dim3A_149 = vector.shape_cast %reduce_max3A_148 : vector<512xf32> to vector<512x1xf32>
    %eq3A_150 = vector.broadcast %broadcast_in_dim3A_149 : vector<512x1xf32> to vector<512x2048xf32>
    %eq3A_151 = arith.cmpf oeq, %select_n3A_146, %eq3A_150 : vector<512x2048xf32>
    %jit3A_152 = arith.constant 2048 : i32
    %broadcast_in_dim3A_153 = vector.broadcast %jit3A_152 : i32 to vector<512x2048xi32>
    %select_n3A_154 = arith.select %eq3A_151, %iota3A, %broadcast_in_dim3A_153 : vector<512x2048xi1>, vector<512x2048xi32>
    %reduce_min3A_155 = arith.constant dense<2147483647> : vector<512xi32>
    %reduce_min3A_156 = vector.multi_reduction <minsi>, %select_n3A_154, %reduce_min3A_155 [1] : vector<512x2048xi32> to vector<512xi32>
    %jit3A_157 = arith.constant -3.000000e+38 : f32
    %broadcast_in_dim3A_158 = vector.broadcast %jit3A_157 : f32 to vector<512x2048xf32>
    %select_n3A_159 = arith.select %eq3A_151, %broadcast_in_dim3A_158, %select_n3A_146 : vector<512x2048xi1>, vector<512x2048xf32>
    %reduce_max3A_160 = arith.constant dense<0xFF800000> : vector<512xf32>
    %reduce_max3A_161 = vector.multi_reduction <maximumf>, %select_n3A_159, %reduce_max3A_160 [1] : vector<512x2048xf32> to vector<512xf32>
    %broadcast_in_dim3A_162 = vector.shape_cast %reduce_max3A_161 : vector<512xf32> to vector<512x1xf32>
    %eq3A_163 = vector.broadcast %broadcast_in_dim3A_162 : vector<512x1xf32> to vector<512x2048xf32>
    %eq3A_164 = arith.cmpf oeq, %select_n3A_159, %eq3A_163 : vector<512x2048xf32>
    %jit3A_165 = arith.constant 2048 : i32
    %broadcast_in_dim3A_166 = vector.broadcast %jit3A_165 : i32 to vector<512x2048xi32>
    %select_n3A_167 = arith.select %eq3A_164, %iota3A, %broadcast_in_dim3A_166 : vector<512x2048xi1>, vector<512x2048xi32>
    %reduce_min3A_168 = arith.constant dense<2147483647> : vector<512xi32>
    %reduce_min3A_169 = vector.multi_reduction <minsi>, %select_n3A_167, %reduce_min3A_168 [1] : vector<512x2048xi32> to vector<512xi32>
    %jit3A_170 = arith.constant -3.000000e+38 : f32
    %broadcast_in_dim3A_171 = vector.broadcast %jit3A_170 : f32 to vector<512x2048xf32>
    %select_n3A_172 = arith.select %eq3A_164, %broadcast_in_dim3A_171, %select_n3A_159 : vector<512x2048xi1>, vector<512x2048xf32>
    %reduce_max3A_173 = arith.constant dense<0xFF800000> : vector<512xf32>
    %reduce_max3A_174 = vector.multi_reduction <maximumf>, %select_n3A_172, %reduce_max3A_173 [1] : vector<512x2048xf32> to vector<512xf32>
    %broadcast_in_dim3A_175 = vector.shape_cast %reduce_max3A_174 : vector<512xf32> to vector<512x1xf32>
    %eq3A_176 = vector.broadcast %broadcast_in_dim3A_175 : vector<512x1xf32> to vector<512x2048xf32>
    %eq3A_177 = arith.cmpf oeq, %select_n3A_172, %eq3A_176 : vector<512x2048xf32>
    %jit3A_178 = arith.constant 2048 : i32
    %broadcast_in_dim3A_179 = vector.broadcast %jit3A_178 : i32 to vector<512x2048xi32>
    %select_n3A_180 = arith.select %eq3A_177, %iota3A, %broadcast_in_dim3A_179 : vector<512x2048xi1>, vector<512x2048xi32>
    %reduce_min3A_181 = arith.constant dense<2147483647> : vector<512xi32>
    %reduce_min3A_182 = vector.multi_reduction <minsi>, %select_n3A_180, %reduce_min3A_181 [1] : vector<512x2048xi32> to vector<512xi32>
    %jit3A_183 = arith.constant -3.000000e+38 : f32
    %broadcast_in_dim3A_184 = vector.broadcast %jit3A_183 : f32 to vector<512x2048xf32>
    %select_n3A_185 = arith.select %eq3A_177, %broadcast_in_dim3A_184, %select_n3A_172 : vector<512x2048xi1>, vector<512x2048xf32>
    %reduce_max3A_186 = arith.constant dense<0xFF800000> : vector<512xf32>
    %reduce_max3A_187 = vector.multi_reduction <maximumf>, %select_n3A_185, %reduce_max3A_186 [1] : vector<512x2048xf32> to vector<512xf32>
    %broadcast_in_dim3A_188 = vector.shape_cast %reduce_max3A_187 : vector<512xf32> to vector<512x1xf32>
    %eq3A_189 = vector.broadcast %broadcast_in_dim3A_188 : vector<512x1xf32> to vector<512x2048xf32>
    %eq3A_190 = arith.cmpf oeq, %select_n3A_185, %eq3A_189 : vector<512x2048xf32>
    %jit3A_191 = arith.constant 2048 : i32
    %broadcast_in_dim3A_192 = vector.broadcast %jit3A_191 : i32 to vector<512x2048xi32>
    %select_n3A_193 = arith.select %eq3A_190, %iota3A, %broadcast_in_dim3A_192 : vector<512x2048xi1>, vector<512x2048xi32>
    %reduce_min3A_194 = arith.constant dense<2147483647> : vector<512xi32>
    %reduce_min3A_195 = vector.multi_reduction <minsi>, %select_n3A_193, %reduce_min3A_194 [1] : vector<512x2048xi32> to vector<512xi32>
    %jit3A_196 = arith.constant -3.000000e+38 : f32
    %broadcast_in_dim3A_197 = vector.broadcast %jit3A_196 : f32 to vector<512x2048xf32>
    %select_n3A_198 = arith.select %eq3A_190, %broadcast_in_dim3A_197, %select_n3A_185 : vector<512x2048xi1>, vector<512x2048xf32>
    %reduce_max3A_199 = arith.constant dense<0xFF800000> : vector<512xf32>
    %reduce_max3A_200 = vector.multi_reduction <maximumf>, %select_n3A_198, %reduce_max3A_199 [1] : vector<512x2048xf32> to vector<512xf32>
    %broadcast_in_dim3A_201 = vector.shape_cast %reduce_max3A_200 : vector<512xf32> to vector<512x1xf32>
    %eq3A_202 = vector.broadcast %broadcast_in_dim3A_201 : vector<512x1xf32> to vector<512x2048xf32>
    %eq3A_203 = arith.cmpf oeq, %select_n3A_198, %eq3A_202 : vector<512x2048xf32>
    %jit3A_204 = arith.constant 2048 : i32
    %broadcast_in_dim3A_205 = vector.broadcast %jit3A_204 : i32 to vector<512x2048xi32>
    %select_n3A_206 = arith.select %eq3A_203, %iota3A, %broadcast_in_dim3A_205 : vector<512x2048xi1>, vector<512x2048xi32>
    %reduce_min3A_207 = arith.constant dense<2147483647> : vector<512xi32>
    %reduce_min3A_208 = vector.multi_reduction <minsi>, %select_n3A_206, %reduce_min3A_207 [1] : vector<512x2048xi32> to vector<512xi32>
    %jit3A_209 = arith.constant -3.000000e+38 : f32
    %broadcast_in_dim3A_210 = vector.broadcast %jit3A_209 : f32 to vector<512x2048xf32>
    %select_n3A_211 = arith.select %eq3A_203, %broadcast_in_dim3A_210, %select_n3A_198 : vector<512x2048xi1>, vector<512x2048xf32>
    %reduce_max3A_212 = arith.constant dense<0xFF800000> : vector<512xf32>
    %reduce_max3A_213 = vector.multi_reduction <maximumf>, %select_n3A_211, %reduce_max3A_212 [1] : vector<512x2048xf32> to vector<512xf32>
    %broadcast_in_dim3A_214 = vector.shape_cast %reduce_max3A_213 : vector<512xf32> to vector<512x1xf32>
    %eq3A_215 = vector.broadcast %broadcast_in_dim3A_214 : vector<512x1xf32> to vector<512x2048xf32>
    %eq3A_216 = arith.cmpf oeq, %select_n3A_211, %eq3A_215 : vector<512x2048xf32>
    %jit3A_217 = arith.constant 2048 : i32
    %broadcast_in_dim3A_218 = vector.broadcast %jit3A_217 : i32 to vector<512x2048xi32>
    %select_n3A_219 = arith.select %eq3A_216, %iota3A, %broadcast_in_dim3A_218 : vector<512x2048xi1>, vector<512x2048xi32>
    %reduce_min3A_220 = arith.constant dense<2147483647> : vector<512xi32>
    %reduce_min3A_221 = vector.multi_reduction <minsi>, %select_n3A_219, %reduce_min3A_220 [1] : vector<512x2048xi32> to vector<512xi32>
    %jit3A_222 = arith.constant -3.000000e+38 : f32
    %broadcast_in_dim3A_223 = vector.broadcast %jit3A_222 : f32 to vector<512x2048xf32>
    %select_n3A_224 = arith.select %eq3A_216, %broadcast_in_dim3A_223, %select_n3A_211 : vector<512x2048xi1>, vector<512x2048xf32>
    %reduce_max3A_225 = arith.constant dense<0xFF800000> : vector<512xf32>
    %reduce_max3A_226 = vector.multi_reduction <maximumf>, %select_n3A_224, %reduce_max3A_225 [1] : vector<512x2048xf32> to vector<512xf32>
    %broadcast_in_dim3A_227 = vector.shape_cast %reduce_max3A_226 : vector<512xf32> to vector<512x1xf32>
    %eq3A_228 = vector.broadcast %broadcast_in_dim3A_227 : vector<512x1xf32> to vector<512x2048xf32>
    %eq3A_229 = arith.cmpf oeq, %select_n3A_224, %eq3A_228 : vector<512x2048xf32>
    %jit3A_230 = arith.constant 2048 : i32
    %broadcast_in_dim3A_231 = vector.broadcast %jit3A_230 : i32 to vector<512x2048xi32>
    %select_n3A_232 = arith.select %eq3A_229, %iota3A, %broadcast_in_dim3A_231 : vector<512x2048xi1>, vector<512x2048xi32>
    %reduce_min3A_233 = arith.constant dense<2147483647> : vector<512xi32>
    %reduce_min3A_234 = vector.multi_reduction <minsi>, %select_n3A_232, %reduce_min3A_233 [1] : vector<512x2048xi32> to vector<512xi32>
    %jit3A_235 = arith.constant -3.000000e+38 : f32
    %broadcast_in_dim3A_236 = vector.broadcast %jit3A_235 : f32 to vector<512x2048xf32>
    %select_n3A_237 = arith.select %eq3A_229, %broadcast_in_dim3A_236, %select_n3A_224 : vector<512x2048xi1>, vector<512x2048xf32>
    %reduce_max3A_238 = arith.constant dense<0xFF800000> : vector<512xf32>
    %reduce_max3A_239 = vector.multi_reduction <maximumf>, %select_n3A_237, %reduce_max3A_238 [1] : vector<512x2048xf32> to vector<512xf32>
    %broadcast_in_dim3A_240 = vector.shape_cast %reduce_max3A_239 : vector<512xf32> to vector<512x1xf32>
    %eq3A_241 = vector.broadcast %broadcast_in_dim3A_240 : vector<512x1xf32> to vector<512x2048xf32>
    %eq3A_242 = arith.cmpf oeq, %select_n3A_237, %eq3A_241 : vector<512x2048xf32>
    %jit3A_243 = arith.constant 2048 : i32
    %broadcast_in_dim3A_244 = vector.broadcast %jit3A_243 : i32 to vector<512x2048xi32>
    %select_n3A_245 = arith.select %eq3A_242, %iota3A, %broadcast_in_dim3A_244 : vector<512x2048xi1>, vector<512x2048xi32>
    %reduce_min3A_246 = arith.constant dense<2147483647> : vector<512xi32>
    %reduce_min3A_247 = vector.multi_reduction <minsi>, %select_n3A_245, %reduce_min3A_246 [1] : vector<512x2048xi32> to vector<512xi32>
    %jit3A_248 = arith.constant -3.000000e+38 : f32
    %broadcast_in_dim3A_249 = vector.broadcast %jit3A_248 : f32 to vector<512x2048xf32>
    %select_n3A_250 = arith.select %eq3A_242, %broadcast_in_dim3A_249, %select_n3A_237 : vector<512x2048xi1>, vector<512x2048xf32>
    %reduce_max3A_251 = arith.constant dense<0xFF800000> : vector<512xf32>
    %reduce_max3A_252 = vector.multi_reduction <maximumf>, %select_n3A_250, %reduce_max3A_251 [1] : vector<512x2048xf32> to vector<512xf32>
    %broadcast_in_dim3A_253 = vector.shape_cast %reduce_max3A_252 : vector<512xf32> to vector<512x1xf32>
    %eq3A_254 = vector.broadcast %broadcast_in_dim3A_253 : vector<512x1xf32> to vector<512x2048xf32>
    %eq3A_255 = arith.cmpf oeq, %select_n3A_250, %eq3A_254 : vector<512x2048xf32>
    %jit3A_256 = arith.constant 2048 : i32
    %broadcast_in_dim3A_257 = vector.broadcast %jit3A_256 : i32 to vector<512x2048xi32>
    %select_n3A_258 = arith.select %eq3A_255, %iota3A, %broadcast_in_dim3A_257 : vector<512x2048xi1>, vector<512x2048xi32>
    %reduce_min3A_259 = arith.constant dense<2147483647> : vector<512xi32>
    %reduce_min3A_260 = vector.multi_reduction <minsi>, %select_n3A_258, %reduce_min3A_259 [1] : vector<512x2048xi32> to vector<512xi32>
    %jit3A_261 = arith.constant -3.000000e+38 : f32
    %broadcast_in_dim3A_262 = vector.broadcast %jit3A_261 : f32 to vector<512x2048xf32>
    %select_n3A_263 = arith.select %eq3A_255, %broadcast_in_dim3A_262, %select_n3A_250 : vector<512x2048xi1>, vector<512x2048xf32>
    %reduce_max3A_264 = arith.constant dense<0xFF800000> : vector<512xf32>
    %reduce_max3A_265 = vector.multi_reduction <maximumf>, %select_n3A_263, %reduce_max3A_264 [1] : vector<512x2048xf32> to vector<512xf32>
    %broadcast_in_dim3A_266 = vector.shape_cast %reduce_max3A_265 : vector<512xf32> to vector<512x1xf32>
    %eq3A_267 = vector.broadcast %broadcast_in_dim3A_266 : vector<512x1xf32> to vector<512x2048xf32>
    %eq3A_268 = arith.cmpf oeq, %select_n3A_263, %eq3A_267 : vector<512x2048xf32>
    %jit3A_269 = arith.constant 2048 : i32
    %broadcast_in_dim3A_270 = vector.broadcast %jit3A_269 : i32 to vector<512x2048xi32>
    %select_n3A_271 = arith.select %eq3A_268, %iota3A, %broadcast_in_dim3A_270 : vector<512x2048xi1>, vector<512x2048xi32>
    %reduce_min3A_272 = arith.constant dense<2147483647> : vector<512xi32>
    %reduce_min3A_273 = vector.multi_reduction <minsi>, %select_n3A_271, %reduce_min3A_272 [1] : vector<512x2048xi32> to vector<512xi32>
    %stack3A = vector.shape_cast %reduce_min3A_26 : vector<512xi32> to vector<512x1xi32>
    %stack3A_274 = vector.shape_cast %reduce_min3A_39 : vector<512xi32> to vector<512x1xi32>
    %stack3A_275 = vector.shape_cast %reduce_min3A_52 : vector<512xi32> to vector<512x1xi32>
    %stack3A_276 = vector.shape_cast %reduce_min3A_65 : vector<512xi32> to vector<512x1xi32>
    %stack3A_277 = vector.shape_cast %reduce_min3A_78 : vector<512xi32> to vector<512x1xi32>
    %stack3A_278 = vector.shape_cast %reduce_min3A_91 : vector<512xi32> to vector<512x1xi32>
    %stack3A_279 = vector.shape_cast %reduce_min3A_104 : vector<512xi32> to vector<512x1xi32>
    %stack3A_280 = vector.shape_cast %reduce_min3A_117 : vector<512xi32> to vector<512x1xi32>
    %stack3A_281 = vector.shape_cast %reduce_min3A_130 : vector<512xi32> to vector<512x1xi32>
    %stack3A_282 = vector.shape_cast %reduce_min3A_143 : vector<512xi32> to vector<512x1xi32>
    %stack3A_283 = vector.shape_cast %reduce_min3A_156 : vector<512xi32> to vector<512x1xi32>
    %stack3A_284 = vector.shape_cast %reduce_min3A_169 : vector<512xi32> to vector<512x1xi32>
    %stack3A_285 = vector.shape_cast %reduce_min3A_182 : vector<512xi32> to vector<512x1xi32>
    %stack3A_286 = vector.shape_cast %reduce_min3A_195 : vector<512xi32> to vector<512x1xi32>
    %stack3A_287 = vector.shape_cast %reduce_min3A_208 : vector<512xi32> to vector<512x1xi32>
    %stack3A_288 = vector.shape_cast %reduce_min3A_221 : vector<512xi32> to vector<512x1xi32>
    %stack3A_289 = vector.shape_cast %reduce_min3A_234 : vector<512xi32> to vector<512x1xi32>
    %stack3A_290 = vector.shape_cast %reduce_min3A_247 : vector<512xi32> to vector<512x1xi32>
    %stack3A_291 = vector.shape_cast %reduce_min3A_260 : vector<512xi32> to vector<512x1xi32>
    %stack3A_292 = vector.shape_cast %reduce_min3A_273 : vector<512xi32> to vector<512x1xi32>
    %stack3A_293 = tpu.concatenate %stack3A, %stack3A_274, %stack3A_275, %stack3A_276, %stack3A_277, %stack3A_278, %stack3A_279, %stack3A_280, %stack3A_281, %stack3A_282, %stack3A_283, %stack3A_284, %stack3A_285, %stack3A_286, %stack3A_287, %stack3A_288, %stack3A_289, %stack3A_290, %stack3A_291, %stack3A_292 in 1 : vector<512x1xi32>, vector<512x1xi32>, vector<512x1xi32>, vector<512x1xi32>, vector<512x1xi32>, vector<512x1xi32>, vector<512x1xi32>, vector<512x1xi32>, vector<512x1xi32>, vector<512x1xi32>, vector<512x1xi32>, vector<512x1xi32>, vector<512x1xi32>, vector<512x1xi32>, vector<512x1xi32>, vector<512x1xi32>, vector<512x1xi32>, vector<512x1xi32>, vector<512x1xi32>, vector<512x1xi32> -> vector<512x20xi32>
    %mul3A_294 = arith.constant 2048 : i32
    %mul3A_295 = arith.muli %arg0, %mul3A_294 : i32
    %add3A = vector.broadcast %mul3A_295 : i32 to vector<512x20xi32>
    %add3A_296 = arith.addi %stack3A_293, %add3A : vector<512x20xi32>
    %swap3A = arith.constant 0 : index
    %swap3A_297 = arith.constant 0 : index
    %swap3A_298 = arith.constant 0 : index
    %swap3A_299 = vector.load %arg4[%swap3A, %swap3A_297, %swap3A_298] : memref<1x512x20xi32, #tpu.memory_space<vmem>>, vector<1x512x20xi32>
    %swap3A_300 = vector.shape_cast %swap3A_299 : vector<1x512x20xi32> to vector<512x20xi32>
    %swap3A_301 = vector.shape_cast %add3A_296 : vector<512x20xi32> to vector<1x512x20xi32>
    tpu.vector_store %arg4[%swap3A, %swap3A_297, %swap3A_298], %swap3A_301 {strides = array<i32>} : memref<1x512x20xi32, #tpu.memory_space<vmem>>, vector<1x512x20xi32>,
    return
  }
  func.func @transform_0(%arg0: i32, %arg1: i32) -> (i32, i32, i32) {
    %c0_i32 = arith.constant 0 : i32
    %c0_i32_0 = arith.constant 0 : i32
    return %arg0, %arg1, %c0_i32 : i32, i32, i32
  }
  func.func @transform_1(%arg0: i32, %arg1: i32) -> (i32, i32, i32) {
    %c0_i32 = arith.constant 0 : i32
    %c0_i32_0 = arith.constant 0 : i32
    %c0_i32_1 = arith.constant 0 : i32
    return %arg0, %c0_i32, %c0_i32_0 : i32, i32, i32
  }
  func.func @transform_2(%arg0: i32, %arg1: i32) -> (i32, i32, i32) {
    %c0_i32 = arith.constant 0 : i32
    %c0_i32_0 = arith.constant 0 : i32
    return %arg0, %arg1, %c0_i32 : i32, i32, i32
  }
}

module attributes {stable_mosaic.version = 14 : i64} {
  func.func @body(%arg0: i32, %arg1: memref<128x128xf32, #tpu.memory_space<vmem>>, %arg2: memref<2560x128xf32, #tpu.memory_space<vmem>>, %arg3: memref<64x9xf32, #tpu.memory_space<vmem>>, %arg4: memref<64x9xf32, #tpu.memory_space<vmem>>, %arg5: memref<1x64xf32, #tpu.memory_space<vmem>>, %arg6: memref<1x64xf32, #tpu.memory_space<vmem>>, %arg7: memref<1x64xf32, #tpu.memory_space<vmem>>, %arg8: memref<1x64xf32, #tpu.memory_space<vmem>>, %arg9: memref<128x64xf32, #tpu.memory_space<vmem>>, %arg10: memref<128x128xf32, #tpu.memory_space<vmem>>) attributes {dimension_semantics = [#tpu.dimension_semantics<arbitrary>], iteration_bounds = array<i64: 64>, scalar_prefetch = 0 : i64, scratch_operands = 0 : i64, tpu.core_type = #tpu.core_type<tc>, window_params = [{transform_indices = @transform_0, window_bounds = array<i64: 128, 128>}, {transform_indices = @transform_1, window_bounds = array<i64: 2560, 128>}, {pipeline_mode = #tpu.pipeline_mode<synchronous>, transform_indices = @transform_2, window_bounds = array<i64: 64, 9>}, {pipeline_mode = #tpu.pipeline_mode<synchronous>, transform_indices = @transform_3, window_bounds = array<i64: 64, 9>}, {pipeline_mode = #tpu.pipeline_mode<synchronous>, transform_indices = @transform_4, window_bounds = array<i64: 1, 64>}, {pipeline_mode = #tpu.pipeline_mode<synchronous>, transform_indices = @transform_5, window_bounds = array<i64: 1, 64>}, {pipeline_mode = #tpu.pipeline_mode<synchronous>, transform_indices = @transform_6, window_bounds = array<i64: 1, 64>}, {pipeline_mode = #tpu.pipeline_mode<synchronous>, transform_indices = @transform_7, window_bounds = array<i64: 1, 64>}, {transform_indices = @transform_8, window_bounds = array<i64: 128, 64>}, {transform_indices = @transform_9, window_bounds = array<i64: 128, 128>}]} {
    %get3A = arith.constant 0 : index
    %get3A_0 = arith.constant 0 : index
    %get3A_1 = vector.load %arg1[%get3A, %get3A_0] : memref<128x128xf32, #tpu.memory_space<vmem>>, vector<128x128xf32>
    %slice3A = vector.extract_strided_slice %get3A_1 {offsets = [0, 0], sizes = [128, 9], strides = [1, 1]} : vector<128x128xf32> to vector<128x9xf32>
    %get3A_2 = arith.constant 0 : index
    %get3A_3 = arith.constant 0 : index
    %get3A_4 = vector.load %arg3[%get3A_2, %get3A_3] : memref<64x9xf32, #tpu.memory_space<vmem>>, vector<64x9xf32>
    %convert_element_type3A = arith.truncf %slice3A : vector<128x9xf32> to vector<128x9xbf16>
    %convert_element_type3A_5 = arith.truncf %get3A_4 : vector<64x9xf32> to vector<64x9xbf16>
    %dot_general3A = arith.constant dense<0.000000e+00> : vector<128x64xf32>
    %dot_general3A_6 = tpu.matmul %convert_element_type3A, %convert_element_type3A_5, %dot_general3A {dimension_numbers = #tpu.dot_dimension_numbers<[1], [1], [0], [0], [0, 0, 1, 0], [], []>, transpose_lhs_hint = false} : vector<128x9xbf16>, vector<64x9xbf16>, vector<128x64xf32> -> vector<128x64xf32>
    %get3A_7 = arith.constant 0 : index
    %get3A_8 = arith.constant 0 : index
    %get3A_9 = vector.load %arg2[%get3A_7, %get3A_8] : memref<2560x128xf32, #tpu.memory_space<vmem>>, vector<2560x128xf32>
    %slice3A_10 = vector.extract_strided_slice %get3A_9 {offsets = [0, 0], sizes = [2560, 9], strides = [1, 1]} : vector<2560x128xf32> to vector<2560x9xf32>
    %broadcast_in_dim3A = vector.shape_cast %slice3A : vector<128x9xf32> to vector<128x1x9xf32>
    %broadcast_in_dim3A_11 = vector.shape_cast %broadcast_in_dim3A : vector<128x1x9xf32> to vector<128x1x9xf32>
    %broadcast_in_dim3A_12 = vector.broadcast %broadcast_in_dim3A_11 : vector<128x1x9xf32> to vector<128x20x9xf32>
    %reshape3A = vector.shape_cast %broadcast_in_dim3A_12 : vector<128x20x9xf32> to vector<2560x9xf32>
    %sub3A = arith.subf %slice3A_10, %reshape3A : vector<2560x9xf32>
    %get3A_13 = arith.constant 0 : index
    %get3A_14 = arith.constant 0 : index
    %get3A_15 = vector.load %arg4[%get3A_13, %get3A_14] : memref<64x9xf32, #tpu.memory_space<vmem>>, vector<64x9xf32>
    %convert_element_type3A_16 = arith.truncf %sub3A : vector<2560x9xf32> to vector<2560x9xbf16>
    %convert_element_type3A_17 = arith.truncf %get3A_15 : vector<64x9xf32> to vector<64x9xbf16>
    %dot_general3A_18 = arith.constant dense<0.000000e+00> : vector<2560x64xf32>
    %dot_general3A_19 = tpu.matmul %convert_element_type3A_16, %convert_element_type3A_17, %dot_general3A_18 {dimension_numbers = #tpu.dot_dimension_numbers<[1], [1], [0], [0], [0, 0, 1, 0], [], []>, transpose_lhs_hint = false} : vector<2560x9xbf16>, vector<64x9xbf16>, vector<2560x64xf32> -> vector<2560x64xf32>
    %reshape3A_20 = vector.shape_cast %dot_general3A_19 : vector<2560x64xf32> to vector<128x20x64xf32>
    %reduce_max3A = arith.constant dense<0xFF800000> : vector<128x64xf32>
    %reduce_max3A_21 = vector.multi_reduction <maximumf>, %reshape3A_20, %reduce_max3A [1] : vector<128x20x64xf32> to vector<128x64xf32>
    %add3A = arith.addf %dot_general3A_6, %reduce_max3A_21 : vector<128x64xf32>
    %get3A_22 = arith.constant 0 : index
    %get3A_23 = arith.constant 0 : index
    %get3A_24 = vector.load %arg5[%get3A_22, %get3A_23] : memref<1x64xf32, #tpu.memory_space<vmem>>, vector<1x64xf32>
    %get3A_25 = arith.constant 0 : index
    %get3A_26 = arith.constant 0 : index
    %get3A_27 = vector.load %arg6[%get3A_25, %get3A_26] : memref<1x64xf32, #tpu.memory_space<vmem>>, vector<1x64xf32>
    %get3A_28 = arith.constant 0 : index
    %get3A_29 = arith.constant 0 : index
    %get3A_30 = vector.load %arg7[%get3A_28, %get3A_29] : memref<1x64xf32, #tpu.memory_space<vmem>>, vector<1x64xf32>
    %get3A_31 = arith.constant 0 : index
    %get3A_32 = arith.constant 0 : index
    %get3A_33 = vector.load %arg8[%get3A_31, %get3A_32] : memref<1x64xf32, #tpu.memory_space<vmem>>, vector<1x64xf32>
    %sub3A_34 = vector.broadcast %get3A_30 : vector<1x64xf32> to vector<128x64xf32>
    %sub3A_35 = arith.subf %add3A, %sub3A_34 : vector<128x64xf32>
    %add3A_36 = arith.constant 9.99999974E-6 : f32
    %add3A_37 = vector.broadcast %add3A_36 : f32 to vector<1x64xf32>
    %add3A_38 = arith.addf %get3A_33, %add3A_37 : vector<1x64xf32>
    %sqrt3A = math.sqrt %add3A_38 : vector<1x64xf32>
    %div3A = vector.broadcast %sqrt3A : vector<1x64xf32> to vector<128x64xf32>
    %div3A_39 = arith.divf %sub3A_35, %div3A : vector<128x64xf32>
    %mul3A = vector.broadcast %get3A_24 : vector<1x64xf32> to vector<128x64xf32>
    %mul3A_40 = arith.mulf %div3A_39, %mul3A : vector<128x64xf32>
    %add3A_41 = vector.broadcast %get3A_27 : vector<1x64xf32> to vector<128x64xf32>
    %add3A_42 = arith.addf %mul3A_40, %add3A_41 : vector<128x64xf32>
    %ge3A = arith.constant 0.000000e+00 : f32
    %ge3A_43 = vector.broadcast %ge3A : f32 to vector<128x64xf32>
    %ge3A_44 = arith.cmpf oge, %add3A_42, %ge3A_43 : vector<128x64xf32>
    %mul3A_45 = arith.constant 2.000000e-01 : f32
    %mul3A_46 = vector.broadcast %mul3A_45 : f32 to vector<128x64xf32>
    %mul3A_47 = arith.mulf %mul3A_46, %add3A_42 : vector<128x64xf32>
    %select_n3A = arith.select %ge3A_44, %add3A_42, %mul3A_47 : vector<128x64xi1>, vector<128x64xf32>
    %swap3A = arith.constant 0 : index
    %swap3A_48 = arith.constant 0 : index
    %swap3A_49 = vector.load %arg9[%swap3A, %swap3A_48] : memref<128x64xf32, #tpu.memory_space<vmem>>, vector<128x64xf32>
    tpu.vector_store %arg9[%swap3A, %swap3A_48], %select_n3A {strides = array<i32>} : memref<128x64xf32, #tpu.memory_space<vmem>>, vector<128x64xf32>,
    %broadcast_in_dim3A_50 = arith.constant 0.000000e+00 : f32
    %broadcast_in_dim3A_51 = vector.broadcast %broadcast_in_dim3A_50 : f32 to vector<128x64xf32>
    %concatenate3A = tpu.concatenate %select_n3A, %broadcast_in_dim3A_51 in 1 : vector<128x64xf32>, vector<128x64xf32> -> vector<128x128xf32>
    %swap3A_52 = arith.constant 0 : index
    %swap3A_53 = arith.constant 0 : index
    %swap3A_54 = vector.load %arg10[%swap3A_52, %swap3A_53] : memref<128x128xf32, #tpu.memory_space<vmem>>, vector<128x128xf32>
    tpu.vector_store %arg10[%swap3A_52, %swap3A_53], %concatenate3A {strides = array<i32>} : memref<128x128xf32, #tpu.memory_space<vmem>>, vector<128x128xf32>,
    return
  }
  func.func @transform_0(%arg0: i32) -> (i32, i32) {
    %c0_i32 = arith.constant 0 : i32
    %c0_i32_0 = arith.constant 0 : i32
    return %arg0, %c0_i32 : i32, i32
  }
  func.func @transform_1(%arg0: i32) -> (i32, i32) {
    %c0_i32 = arith.constant 0 : i32
    %c0_i32_0 = arith.constant 0 : i32
    return %arg0, %c0_i32 : i32, i32
  }
  func.func @transform_2(%arg0: i32) -> (i32, i32) {
    %c0_i32 = arith.constant 0 : i32
    %c0_i32_0 = arith.constant 0 : i32
    %c0_i32_1 = arith.constant 0 : i32
    return %c0_i32, %c0_i32_0 : i32, i32
  }
  func.func @transform_3(%arg0: i32) -> (i32, i32) {
    %c0_i32 = arith.constant 0 : i32
    %c0_i32_0 = arith.constant 0 : i32
    %c0_i32_1 = arith.constant 0 : i32
    return %c0_i32, %c0_i32_0 : i32, i32
  }
  func.func @transform_4(%arg0: i32) -> (i32, i32) {
    %c0_i32 = arith.constant 0 : i32
    %c0_i32_0 = arith.constant 0 : i32
    %c0_i32_1 = arith.constant 0 : i32
    return %c0_i32, %c0_i32_0 : i32, i32
  }
  func.func @transform_5(%arg0: i32) -> (i32, i32) {
    %c0_i32 = arith.constant 0 : i32
    %c0_i32_0 = arith.constant 0 : i32
    %c0_i32_1 = arith.constant 0 : i32
    return %c0_i32, %c0_i32_0 : i32, i32
  }
  func.func @transform_6(%arg0: i32) -> (i32, i32) {
    %c0_i32 = arith.constant 0 : i32
    %c0_i32_0 = arith.constant 0 : i32
    %c0_i32_1 = arith.constant 0 : i32
    return %c0_i32, %c0_i32_0 : i32, i32
  }
  func.func @transform_7(%arg0: i32) -> (i32, i32) {
    %c0_i32 = arith.constant 0 : i32
    %c0_i32_0 = arith.constant 0 : i32
    %c0_i32_1 = arith.constant 0 : i32
    return %c0_i32, %c0_i32_0 : i32, i32
  }
  func.func @transform_8(%arg0: i32) -> (i32, i32) {
    %c0_i32 = arith.constant 0 : i32
    %c0_i32_0 = arith.constant 0 : i32
    return %arg0, %c0_i32 : i32, i32
  }
  func.func @transform_9(%arg0: i32) -> (i32, i32) {
    %c0_i32 = arith.constant 0 : i32
    %c0_i32_0 = arith.constant 0 : i32
    return %arg0, %c0_i32 : i32, i32
  }
}

module attributes {stable_mosaic.version = 14 : i64} {
  func.func @body(%arg0: i32, %arg1: memref<128x128xf32, #tpu.memory_space<vmem>>, %arg2: memref<2560x128xf32, #tpu.memory_space<vmem>>, %arg3: memref<64x64xf32, #tpu.memory_space<vmem>>, %arg4: memref<64x64xf32, #tpu.memory_space<vmem>>, %arg5: memref<1x64xf32, #tpu.memory_space<vmem>>, %arg6: memref<1x64xf32, #tpu.memory_space<vmem>>, %arg7: memref<1x64xf32, #tpu.memory_space<vmem>>, %arg8: memref<1x64xf32, #tpu.memory_space<vmem>>, %arg9: memref<128x64xf32, #tpu.memory_space<vmem>>, %arg10: memref<128x128xf32, #tpu.memory_space<vmem>>) attributes {dimension_semantics = [#tpu.dimension_semantics<arbitrary>], iteration_bounds = array<i64: 64>, scalar_prefetch = 0 : i64, scratch_operands = 0 : i64, tpu.core_type = #tpu.core_type<tc>, window_params = [{transform_indices = @transform_0, window_bounds = array<i64: 128, 128>}, {transform_indices = @transform_1, window_bounds = array<i64: 2560, 128>}, {pipeline_mode = #tpu.pipeline_mode<synchronous>, transform_indices = @transform_2, window_bounds = array<i64: 64, 64>}, {pipeline_mode = #tpu.pipeline_mode<synchronous>, transform_indices = @transform_3, window_bounds = array<i64: 64, 64>}, {pipeline_mode = #tpu.pipeline_mode<synchronous>, transform_indices = @transform_4, window_bounds = array<i64: 1, 64>}, {pipeline_mode = #tpu.pipeline_mode<synchronous>, transform_indices = @transform_5, window_bounds = array<i64: 1, 64>}, {pipeline_mode = #tpu.pipeline_mode<synchronous>, transform_indices = @transform_6, window_bounds = array<i64: 1, 64>}, {pipeline_mode = #tpu.pipeline_mode<synchronous>, transform_indices = @transform_7, window_bounds = array<i64: 1, 64>}, {transform_indices = @transform_8, window_bounds = array<i64: 128, 64>}, {transform_indices = @transform_9, window_bounds = array<i64: 128, 128>}]} {
    %get3A = arith.constant 0 : index
    %get3A_0 = arith.constant 0 : index
    %get3A_1 = vector.load %arg1[%get3A, %get3A_0] : memref<128x128xf32, #tpu.memory_space<vmem>>, vector<128x128xf32>
    %slice3A = vector.extract_strided_slice %get3A_1 {offsets = [0, 0], sizes = [128, 64], strides = [1, 1]} : vector<128x128xf32> to vector<128x64xf32>
    %get3A_2 = arith.constant 0 : index
    %get3A_3 = arith.constant 0 : index
    %get3A_4 = vector.load %arg3[%get3A_2, %get3A_3] : memref<64x64xf32, #tpu.memory_space<vmem>>, vector<64x64xf32>
    %convert_element_type3A = arith.truncf %slice3A : vector<128x64xf32> to vector<128x64xbf16>
    %convert_element_type3A_5 = arith.truncf %get3A_4 : vector<64x64xf32> to vector<64x64xbf16>
    %dot_general3A = arith.constant dense<0.000000e+00> : vector<128x64xf32>
    %dot_general3A_6 = tpu.matmul %convert_element_type3A, %convert_element_type3A_5, %dot_general3A {dimension_numbers = #tpu.dot_dimension_numbers<[1], [1], [0], [0], [0, 0, 1, 0], [], []>, transpose_lhs_hint = false} : vector<128x64xbf16>, vector<64x64xbf16>, vector<128x64xf32> -> vector<128x64xf32>
    %get3A_7 = arith.constant 0 : index
    %get3A_8 = arith.constant 0 : index
    %get3A_9 = vector.load %arg2[%get3A_7, %get3A_8] : memref<2560x128xf32, #tpu.memory_space<vmem>>, vector<2560x128xf32>
    %slice3A_10 = vector.extract_strided_slice %get3A_9 {offsets = [0, 0], sizes = [2560, 64], strides = [1, 1]} : vector<2560x128xf32> to vector<2560x64xf32>
    %broadcast_in_dim3A = vector.shape_cast %slice3A : vector<128x64xf32> to vector<128x1x64xf32>
    %broadcast_in_dim3A_11 = vector.shape_cast %broadcast_in_dim3A : vector<128x1x64xf32> to vector<128x1x64xf32>
    %broadcast_in_dim3A_12 = vector.broadcast %broadcast_in_dim3A_11 : vector<128x1x64xf32> to vector<128x20x64xf32>
    %reshape3A = vector.shape_cast %broadcast_in_dim3A_12 : vector<128x20x64xf32> to vector<2560x64xf32>
    %sub3A = arith.subf %slice3A_10, %reshape3A : vector<2560x64xf32>
    %get3A_13 = arith.constant 0 : index
    %get3A_14 = arith.constant 0 : index
    %get3A_15 = vector.load %arg4[%get3A_13, %get3A_14] : memref<64x64xf32, #tpu.memory_space<vmem>>, vector<64x64xf32>
    %convert_element_type3A_16 = arith.truncf %sub3A : vector<2560x64xf32> to vector<2560x64xbf16>
    %convert_element_type3A_17 = arith.truncf %get3A_15 : vector<64x64xf32> to vector<64x64xbf16>
    %dot_general3A_18 = arith.constant dense<0.000000e+00> : vector<2560x64xf32>
    %dot_general3A_19 = tpu.matmul %convert_element_type3A_16, %convert_element_type3A_17, %dot_general3A_18 {dimension_numbers = #tpu.dot_dimension_numbers<[1], [1], [0], [0], [0, 0, 1, 0], [], []>, transpose_lhs_hint = false} : vector<2560x64xbf16>, vector<64x64xbf16>, vector<2560x64xf32> -> vector<2560x64xf32>
    %reshape3A_20 = vector.shape_cast %dot_general3A_19 : vector<2560x64xf32> to vector<128x20x64xf32>
    %reduce_max3A = arith.constant dense<0xFF800000> : vector<128x64xf32>
    %reduce_max3A_21 = vector.multi_reduction <maximumf>, %reshape3A_20, %reduce_max3A [1] : vector<128x20x64xf32> to vector<128x64xf32>
    %add3A = arith.addf %dot_general3A_6, %reduce_max3A_21 : vector<128x64xf32>
    %get3A_22 = arith.constant 0 : index
    %get3A_23 = arith.constant 0 : index
    %get3A_24 = vector.load %arg5[%get3A_22, %get3A_23] : memref<1x64xf32, #tpu.memory_space<vmem>>, vector<1x64xf32>
    %get3A_25 = arith.constant 0 : index
    %get3A_26 = arith.constant 0 : index
    %get3A_27 = vector.load %arg6[%get3A_25, %get3A_26] : memref<1x64xf32, #tpu.memory_space<vmem>>, vector<1x64xf32>
    %get3A_28 = arith.constant 0 : index
    %get3A_29 = arith.constant 0 : index
    %get3A_30 = vector.load %arg7[%get3A_28, %get3A_29] : memref<1x64xf32, #tpu.memory_space<vmem>>, vector<1x64xf32>
    %get3A_31 = arith.constant 0 : index
    %get3A_32 = arith.constant 0 : index
    %get3A_33 = vector.load %arg8[%get3A_31, %get3A_32] : memref<1x64xf32, #tpu.memory_space<vmem>>, vector<1x64xf32>
    %sub3A_34 = vector.broadcast %get3A_30 : vector<1x64xf32> to vector<128x64xf32>
    %sub3A_35 = arith.subf %add3A, %sub3A_34 : vector<128x64xf32>
    %add3A_36 = arith.constant 9.99999974E-6 : f32
    %add3A_37 = vector.broadcast %add3A_36 : f32 to vector<1x64xf32>
    %add3A_38 = arith.addf %get3A_33, %add3A_37 : vector<1x64xf32>
    %sqrt3A = math.sqrt %add3A_38 : vector<1x64xf32>
    %div3A = vector.broadcast %sqrt3A : vector<1x64xf32> to vector<128x64xf32>
    %div3A_39 = arith.divf %sub3A_35, %div3A : vector<128x64xf32>
    %mul3A = vector.broadcast %get3A_24 : vector<1x64xf32> to vector<128x64xf32>
    %mul3A_40 = arith.mulf %div3A_39, %mul3A : vector<128x64xf32>
    %add3A_41 = vector.broadcast %get3A_27 : vector<1x64xf32> to vector<128x64xf32>
    %add3A_42 = arith.addf %mul3A_40, %add3A_41 : vector<128x64xf32>
    %ge3A = arith.constant 0.000000e+00 : f32
    %ge3A_43 = vector.broadcast %ge3A : f32 to vector<128x64xf32>
    %ge3A_44 = arith.cmpf oge, %add3A_42, %ge3A_43 : vector<128x64xf32>
    %mul3A_45 = arith.constant 2.000000e-01 : f32
    %mul3A_46 = vector.broadcast %mul3A_45 : f32 to vector<128x64xf32>
    %mul3A_47 = arith.mulf %mul3A_46, %add3A_42 : vector<128x64xf32>
    %select_n3A = arith.select %ge3A_44, %add3A_42, %mul3A_47 : vector<128x64xi1>, vector<128x64xf32>
    %swap3A = arith.constant 0 : index
    %swap3A_48 = arith.constant 0 : index
    %swap3A_49 = vector.load %arg9[%swap3A, %swap3A_48] : memref<128x64xf32, #tpu.memory_space<vmem>>, vector<128x64xf32>
    tpu.vector_store %arg9[%swap3A, %swap3A_48], %select_n3A {strides = array<i32>} : memref<128x64xf32, #tpu.memory_space<vmem>>, vector<128x64xf32>,
    %broadcast_in_dim3A_50 = arith.constant 0.000000e+00 : f32
    %broadcast_in_dim3A_51 = vector.broadcast %broadcast_in_dim3A_50 : f32 to vector<128x64xf32>
    %concatenate3A = tpu.concatenate %select_n3A, %broadcast_in_dim3A_51 in 1 : vector<128x64xf32>, vector<128x64xf32> -> vector<128x128xf32>
    %swap3A_52 = arith.constant 0 : index
    %swap3A_53 = arith.constant 0 : index
    %swap3A_54 = vector.load %arg10[%swap3A_52, %swap3A_53] : memref<128x128xf32, #tpu.memory_space<vmem>>, vector<128x128xf32>
    tpu.vector_store %arg10[%swap3A_52, %swap3A_53], %concatenate3A {strides = array<i32>} : memref<128x128xf32, #tpu.memory_space<vmem>>, vector<128x128xf32>,
    return
  }
  func.func @transform_0(%arg0: i32) -> (i32, i32) {
    %c0_i32 = arith.constant 0 : i32
    %c0_i32_0 = arith.constant 0 : i32
    return %arg0, %c0_i32 : i32, i32
  }
  func.func @transform_1(%arg0: i32) -> (i32, i32) {
    %c0_i32 = arith.constant 0 : i32
    %c0_i32_0 = arith.constant 0 : i32
    return %arg0, %c0_i32 : i32, i32
  }
  func.func @transform_2(%arg0: i32) -> (i32, i32) {
    %c0_i32 = arith.constant 0 : i32
    %c0_i32_0 = arith.constant 0 : i32
    %c0_i32_1 = arith.constant 0 : i32
    return %c0_i32, %c0_i32_0 : i32, i32
  }
  func.func @transform_3(%arg0: i32) -> (i32, i32) {
    %c0_i32 = arith.constant 0 : i32
    %c0_i32_0 = arith.constant 0 : i32
    %c0_i32_1 = arith.constant 0 : i32
    return %c0_i32, %c0_i32_0 : i32, i32
  }
  func.func @transform_4(%arg0: i32) -> (i32, i32) {
    %c0_i32 = arith.constant 0 : i32
    %c0_i32_0 = arith.constant 0 : i32
    %c0_i32_1 = arith.constant 0 : i32
    return %c0_i32, %c0_i32_0 : i32, i32
  }
  func.func @transform_5(%arg0: i32) -> (i32, i32) {
    %c0_i32 = arith.constant 0 : i32
    %c0_i32_0 = arith.constant 0 : i32
    %c0_i32_1 = arith.constant 0 : i32
    return %c0_i32, %c0_i32_0 : i32, i32
  }
  func.func @transform_6(%arg0: i32) -> (i32, i32) {
    %c0_i32 = arith.constant 0 : i32
    %c0_i32_0 = arith.constant 0 : i32
    %c0_i32_1 = arith.constant 0 : i32
    return %c0_i32, %c0_i32_0 : i32, i32
  }
  func.func @transform_7(%arg0: i32) -> (i32, i32) {
    %c0_i32 = arith.constant 0 : i32
    %c0_i32_0 = arith.constant 0 : i32
    %c0_i32_1 = arith.constant 0 : i32
    return %c0_i32, %c0_i32_0 : i32, i32
  }
  func.func @transform_8(%arg0: i32) -> (i32, i32) {
    %c0_i32 = arith.constant 0 : i32
    %c0_i32_0 = arith.constant 0 : i32
    return %arg0, %c0_i32 : i32, i32
  }
  func.func @transform_9(%arg0: i32) -> (i32, i32) {
    %c0_i32 = arith.constant 0 : i32
    %c0_i32_0 = arith.constant 0 : i32
    return %arg0, %c0_i32 : i32, i32
  }
}

module attributes {stable_mosaic.version = 14 : i64} {
  func.func @body(%arg0: i32, %arg1: memref<128x128xf32, #tpu.memory_space<vmem>>, %arg2: memref<2560x128xf32, #tpu.memory_space<vmem>>, %arg3: memref<128x64xf32, #tpu.memory_space<vmem>>, %arg4: memref<128x64xf32, #tpu.memory_space<vmem>>, %arg5: memref<1x128xf32, #tpu.memory_space<vmem>>, %arg6: memref<1x128xf32, #tpu.memory_space<vmem>>, %arg7: memref<1x128xf32, #tpu.memory_space<vmem>>, %arg8: memref<1x128xf32, #tpu.memory_space<vmem>>, %arg9: memref<128x128xf32, #tpu.memory_space<vmem>>, %arg10: memref<128x128xf32, #tpu.memory_space<vmem>>) attributes {dimension_semantics = [#tpu.dimension_semantics<arbitrary>], iteration_bounds = array<i64: 64>, scalar_prefetch = 0 : i64, scratch_operands = 0 : i64, tpu.core_type = #tpu.core_type<tc>, window_params = [{transform_indices = @transform_0, window_bounds = array<i64: 128, 128>}, {transform_indices = @transform_1, window_bounds = array<i64: 2560, 128>}, {pipeline_mode = #tpu.pipeline_mode<synchronous>, transform_indices = @transform_2, window_bounds = array<i64: 128, 64>}, {pipeline_mode = #tpu.pipeline_mode<synchronous>, transform_indices = @transform_3, window_bounds = array<i64: 128, 64>}, {pipeline_mode = #tpu.pipeline_mode<synchronous>, transform_indices = @transform_4, window_bounds = array<i64: 1, 128>}, {pipeline_mode = #tpu.pipeline_mode<synchronous>, transform_indices = @transform_5, window_bounds = array<i64: 1, 128>}, {pipeline_mode = #tpu.pipeline_mode<synchronous>, transform_indices = @transform_6, window_bounds = array<i64: 1, 128>}, {pipeline_mode = #tpu.pipeline_mode<synchronous>, transform_indices = @transform_7, window_bounds = array<i64: 1, 128>}, {transform_indices = @transform_8, window_bounds = array<i64: 128, 128>}, {transform_indices = @transform_9, window_bounds = array<i64: 128, 128>}]} {
    %get3A = arith.constant 0 : index
    %get3A_0 = arith.constant 0 : index
    %get3A_1 = vector.load %arg1[%get3A, %get3A_0] : memref<128x128xf32, #tpu.memory_space<vmem>>, vector<128x128xf32>
    %slice3A = vector.extract_strided_slice %get3A_1 {offsets = [0, 0], sizes = [128, 64], strides = [1, 1]} : vector<128x128xf32> to vector<128x64xf32>
    %get3A_2 = arith.constant 0 : index
    %get3A_3 = arith.constant 0 : index
    %get3A_4 = vector.load %arg3[%get3A_2, %get3A_3] : memref<128x64xf32, #tpu.memory_space<vmem>>, vector<128x64xf32>
    %convert_element_type3A = arith.truncf %slice3A : vector<128x64xf32> to vector<128x64xbf16>
    %convert_element_type3A_5 = arith.truncf %get3A_4 : vector<128x64xf32> to vector<128x64xbf16>
    %dot_general3A = arith.constant dense<0.000000e+00> : vector<128x128xf32>
    %dot_general3A_6 = tpu.matmul %convert_element_type3A, %convert_element_type3A_5, %dot_general3A {dimension_numbers = #tpu.dot_dimension_numbers<[1], [1], [0], [0], [0, 0, 1, 0], [], []>, transpose_lhs_hint = false} : vector<128x64xbf16>, vector<128x64xbf16>, vector<128x128xf32> -> vector<128x128xf32>
    %get3A_7 = arith.constant 0 : index
    %get3A_8 = arith.constant 0 : index
    %get3A_9 = vector.load %arg2[%get3A_7, %get3A_8] : memref<2560x128xf32, #tpu.memory_space<vmem>>, vector<2560x128xf32>
    %slice3A_10 = vector.extract_strided_slice %get3A_9 {offsets = [0, 0], sizes = [2560, 64], strides = [1, 1]} : vector<2560x128xf32> to vector<2560x64xf32>
    %broadcast_in_dim3A = vector.shape_cast %slice3A : vector<128x64xf32> to vector<128x1x64xf32>
    %broadcast_in_dim3A_11 = vector.shape_cast %broadcast_in_dim3A : vector<128x1x64xf32> to vector<128x1x64xf32>
    %broadcast_in_dim3A_12 = vector.broadcast %broadcast_in_dim3A_11 : vector<128x1x64xf32> to vector<128x20x64xf32>
    %reshape3A = vector.shape_cast %broadcast_in_dim3A_12 : vector<128x20x64xf32> to vector<2560x64xf32>
    %sub3A = arith.subf %slice3A_10, %reshape3A : vector<2560x64xf32>
    %get3A_13 = arith.constant 0 : index
    %get3A_14 = arith.constant 0 : index
    %get3A_15 = vector.load %arg4[%get3A_13, %get3A_14] : memref<128x64xf32, #tpu.memory_space<vmem>>, vector<128x64xf32>
    %convert_element_type3A_16 = arith.truncf %sub3A : vector<2560x64xf32> to vector<2560x64xbf16>
    %convert_element_type3A_17 = arith.truncf %get3A_15 : vector<128x64xf32> to vector<128x64xbf16>
    %dot_general3A_18 = arith.constant dense<0.000000e+00> : vector<2560x128xf32>
    %dot_general3A_19 = tpu.matmul %convert_element_type3A_16, %convert_element_type3A_17, %dot_general3A_18 {dimension_numbers = #tpu.dot_dimension_numbers<[1], [1], [0], [0], [0, 0, 1, 0], [], []>, transpose_lhs_hint = false} : vector<2560x64xbf16>, vector<128x64xbf16>, vector<2560x128xf32> -> vector<2560x128xf32>
    %reshape3A_20 = vector.shape_cast %dot_general3A_19 : vector<2560x128xf32> to vector<128x20x128xf32>
    %reduce_max3A = arith.constant dense<0xFF800000> : vector<128x128xf32>
    %reduce_max3A_21 = vector.multi_reduction <maximumf>, %reshape3A_20, %reduce_max3A [1] : vector<128x20x128xf32> to vector<128x128xf32>
    %add3A = arith.addf %dot_general3A_6, %reduce_max3A_21 : vector<128x128xf32>
    %get3A_22 = arith.constant 0 : index
    %get3A_23 = arith.constant 0 : index
    %get3A_24 = vector.load %arg5[%get3A_22, %get3A_23] : memref<1x128xf32, #tpu.memory_space<vmem>>, vector<1x128xf32>
    %get3A_25 = arith.constant 0 : index
    %get3A_26 = arith.constant 0 : index
    %get3A_27 = vector.load %arg6[%get3A_25, %get3A_26] : memref<1x128xf32, #tpu.memory_space<vmem>>, vector<1x128xf32>
    %get3A_28 = arith.constant 0 : index
    %get3A_29 = arith.constant 0 : index
    %get3A_30 = vector.load %arg7[%get3A_28, %get3A_29] : memref<1x128xf32, #tpu.memory_space<vmem>>, vector<1x128xf32>
    %get3A_31 = arith.constant 0 : index
    %get3A_32 = arith.constant 0 : index
    %get3A_33 = vector.load %arg8[%get3A_31, %get3A_32] : memref<1x128xf32, #tpu.memory_space<vmem>>, vector<1x128xf32>
    %sub3A_34 = vector.broadcast %get3A_30 : vector<1x128xf32> to vector<128x128xf32>
    %sub3A_35 = arith.subf %add3A, %sub3A_34 : vector<128x128xf32>
    %add3A_36 = arith.constant 9.99999974E-6 : f32
    %add3A_37 = vector.broadcast %add3A_36 : f32 to vector<1x128xf32>
    %add3A_38 = arith.addf %get3A_33, %add3A_37 : vector<1x128xf32>
    %sqrt3A = math.sqrt %add3A_38 : vector<1x128xf32>
    %div3A = vector.broadcast %sqrt3A : vector<1x128xf32> to vector<128x128xf32>
    %div3A_39 = arith.divf %sub3A_35, %div3A : vector<128x128xf32>
    %mul3A = vector.broadcast %get3A_24 : vector<1x128xf32> to vector<128x128xf32>
    %mul3A_40 = arith.mulf %div3A_39, %mul3A : vector<128x128xf32>
    %add3A_41 = vector.broadcast %get3A_27 : vector<1x128xf32> to vector<128x128xf32>
    %add3A_42 = arith.addf %mul3A_40, %add3A_41 : vector<128x128xf32>
    %ge3A = arith.constant 0.000000e+00 : f32
    %ge3A_43 = vector.broadcast %ge3A : f32 to vector<128x128xf32>
    %ge3A_44 = arith.cmpf oge, %add3A_42, %ge3A_43 : vector<128x128xf32>
    %mul3A_45 = arith.constant 2.000000e-01 : f32
    %mul3A_46 = vector.broadcast %mul3A_45 : f32 to vector<128x128xf32>
    %mul3A_47 = arith.mulf %mul3A_46, %add3A_42 : vector<128x128xf32>
    %select_n3A = arith.select %ge3A_44, %add3A_42, %mul3A_47 : vector<128x128xi1>, vector<128x128xf32>
    %swap3A = arith.constant 0 : index
    %swap3A_48 = arith.constant 0 : index
    %swap3A_49 = vector.load %arg9[%swap3A, %swap3A_48] : memref<128x128xf32, #tpu.memory_space<vmem>>, vector<128x128xf32>
    tpu.vector_store %arg9[%swap3A, %swap3A_48], %select_n3A {strides = array<i32>} : memref<128x128xf32, #tpu.memory_space<vmem>>, vector<128x128xf32>,
    %swap3A_50 = arith.constant 0 : index
    %swap3A_51 = arith.constant 0 : index
    %swap3A_52 = vector.load %arg10[%swap3A_50, %swap3A_51] : memref<128x128xf32, #tpu.memory_space<vmem>>, vector<128x128xf32>
    tpu.vector_store %arg10[%swap3A_50, %swap3A_51], %select_n3A {strides = array<i32>} : memref<128x128xf32, #tpu.memory_space<vmem>>, vector<128x128xf32>,
    return
  }
  func.func @transform_0(%arg0: i32) -> (i32, i32) {
    %c0_i32 = arith.constant 0 : i32
    %c0_i32_0 = arith.constant 0 : i32
    return %arg0, %c0_i32 : i32, i32
  }
  func.func @transform_1(%arg0: i32) -> (i32, i32) {
    %c0_i32 = arith.constant 0 : i32
    %c0_i32_0 = arith.constant 0 : i32
    return %arg0, %c0_i32 : i32, i32
  }
  func.func @transform_2(%arg0: i32) -> (i32, i32) {
    %c0_i32 = arith.constant 0 : i32
    %c0_i32_0 = arith.constant 0 : i32
    %c0_i32_1 = arith.constant 0 : i32
    return %c0_i32, %c0_i32_0 : i32, i32
  }
  func.func @transform_3(%arg0: i32) -> (i32, i32) {
    %c0_i32 = arith.constant 0 : i32
    %c0_i32_0 = arith.constant 0 : i32
    %c0_i32_1 = arith.constant 0 : i32
    return %c0_i32, %c0_i32_0 : i32, i32
  }
  func.func @transform_4(%arg0: i32) -> (i32, i32) {
    %c0_i32 = arith.constant 0 : i32
    %c0_i32_0 = arith.constant 0 : i32
    %c0_i32_1 = arith.constant 0 : i32
    return %c0_i32, %c0_i32_0 : i32, i32
  }
  func.func @transform_5(%arg0: i32) -> (i32, i32) {
    %c0_i32 = arith.constant 0 : i32
    %c0_i32_0 = arith.constant 0 : i32
    %c0_i32_1 = arith.constant 0 : i32
    return %c0_i32, %c0_i32_0 : i32, i32
  }
  func.func @transform_6(%arg0: i32) -> (i32, i32) {
    %c0_i32 = arith.constant 0 : i32
    %c0_i32_0 = arith.constant 0 : i32
    %c0_i32_1 = arith.constant 0 : i32
    return %c0_i32, %c0_i32_0 : i32, i32
  }
  func.func @transform_7(%arg0: i32) -> (i32, i32) {
    %c0_i32 = arith.constant 0 : i32
    %c0_i32_0 = arith.constant 0 : i32
    %c0_i32_1 = arith.constant 0 : i32
    return %c0_i32, %c0_i32_0 : i32, i32
  }
  func.func @transform_8(%arg0: i32) -> (i32, i32) {
    %c0_i32 = arith.constant 0 : i32
    %c0_i32_0 = arith.constant 0 : i32
    return %arg0, %c0_i32 : i32, i32
  }
  func.func @transform_9(%arg0: i32) -> (i32, i32) {
    %c0_i32 = arith.constant 0 : i32
    %c0_i32_0 = arith.constant 0 : i32
    return %arg0, %c0_i32 : i32, i32
  }
}

module attributes {stable_mosaic.version = 14 : i64} {
  func.func @body(%arg0: i32, %arg1: memref<128x128xf32, #tpu.memory_space<vmem>>, %arg2: memref<2560x128xf32, #tpu.memory_space<vmem>>, %arg3: memref<256x128xf32, #tpu.memory_space<vmem>>, %arg4: memref<256x128xf32, #tpu.memory_space<vmem>>, %arg5: memref<1x256xf32, #tpu.memory_space<vmem>>, %arg6: memref<1x256xf32, #tpu.memory_space<vmem>>, %arg7: memref<1x256xf32, #tpu.memory_space<vmem>>, %arg8: memref<1x256xf32, #tpu.memory_space<vmem>>, %arg9: memref<128x256xf32, #tpu.memory_space<vmem>>, %arg10: memref<128x256xf32, #tpu.memory_space<vmem>>) attributes {dimension_semantics = [#tpu.dimension_semantics<arbitrary>], iteration_bounds = array<i64: 64>, scalar_prefetch = 0 : i64, scratch_operands = 0 : i64, tpu.core_type = #tpu.core_type<tc>, window_params = [{transform_indices = @transform_0, window_bounds = array<i64: 128, 128>}, {transform_indices = @transform_1, window_bounds = array<i64: 2560, 128>}, {pipeline_mode = #tpu.pipeline_mode<synchronous>, transform_indices = @transform_2, window_bounds = array<i64: 256, 128>}, {pipeline_mode = #tpu.pipeline_mode<synchronous>, transform_indices = @transform_3, window_bounds = array<i64: 256, 128>}, {pipeline_mode = #tpu.pipeline_mode<synchronous>, transform_indices = @transform_4, window_bounds = array<i64: 1, 256>}, {pipeline_mode = #tpu.pipeline_mode<synchronous>, transform_indices = @transform_5, window_bounds = array<i64: 1, 256>}, {pipeline_mode = #tpu.pipeline_mode<synchronous>, transform_indices = @transform_6, window_bounds = array<i64: 1, 256>}, {pipeline_mode = #tpu.pipeline_mode<synchronous>, transform_indices = @transform_7, window_bounds = array<i64: 1, 256>}, {transform_indices = @transform_8, window_bounds = array<i64: 128, 256>}, {transform_indices = @transform_9, window_bounds = array<i64: 128, 256>}]} {
    %get3A = arith.constant 0 : index
    %get3A_0 = arith.constant 0 : index
    %get3A_1 = vector.load %arg1[%get3A, %get3A_0] : memref<128x128xf32, #tpu.memory_space<vmem>>, vector<128x128xf32>
    %get3A_2 = arith.constant 0 : index
    %get3A_3 = arith.constant 0 : index
    %get3A_4 = vector.load %arg3[%get3A_2, %get3A_3] : memref<256x128xf32, #tpu.memory_space<vmem>>, vector<256x128xf32>
    %convert_element_type3A = arith.truncf %get3A_1 : vector<128x128xf32> to vector<128x128xbf16>
    %convert_element_type3A_5 = arith.truncf %get3A_4 : vector<256x128xf32> to vector<256x128xbf16>
    %dot_general3A = arith.constant dense<0.000000e+00> : vector<128x256xf32>
    %dot_general3A_6 = tpu.matmul %convert_element_type3A, %convert_element_type3A_5, %dot_general3A {dimension_numbers = #tpu.dot_dimension_numbers<[1], [1], [0], [0], [0, 0, 1, 0], [], []>, transpose_lhs_hint = false} : vector<128x128xbf16>, vector<256x128xbf16>, vector<128x256xf32> -> vector<128x256xf32>
    %get3A_7 = arith.constant 0 : index
    %get3A_8 = arith.constant 0 : index
    %get3A_9 = vector.load %arg2[%get3A_7, %get3A_8] : memref<2560x128xf32, #tpu.memory_space<vmem>>, vector<2560x128xf32>
    %broadcast_in_dim3A = vector.shape_cast %get3A_1 : vector<128x128xf32> to vector<128x1x128xf32>
    %broadcast_in_dim3A_10 = vector.shape_cast %broadcast_in_dim3A : vector<128x1x128xf32> to vector<128x1x128xf32>
    %broadcast_in_dim3A_11 = vector.broadcast %broadcast_in_dim3A_10 : vector<128x1x128xf32> to vector<128x20x128xf32>
    %reshape3A = vector.shape_cast %broadcast_in_dim3A_11 : vector<128x20x128xf32> to vector<2560x128xf32>
    %sub3A = arith.subf %get3A_9, %reshape3A : vector<2560x128xf32>
    %get3A_12 = arith.constant 0 : index
    %get3A_13 = arith.constant 0 : index
    %get3A_14 = vector.load %arg4[%get3A_12, %get3A_13] : memref<256x128xf32, #tpu.memory_space<vmem>>, vector<256x128xf32>
    %convert_element_type3A_15 = arith.truncf %sub3A : vector<2560x128xf32> to vector<2560x128xbf16>
    %convert_element_type3A_16 = arith.truncf %get3A_14 : vector<256x128xf32> to vector<256x128xbf16>
    %dot_general3A_17 = arith.constant dense<0.000000e+00> : vector<2560x256xf32>
    %dot_general3A_18 = tpu.matmul %convert_element_type3A_15, %convert_element_type3A_16, %dot_general3A_17 {dimension_numbers = #tpu.dot_dimension_numbers<[1], [1], [0], [0], [0, 0, 1, 0], [], []>, transpose_lhs_hint = false} : vector<2560x128xbf16>, vector<256x128xbf16>, vector<2560x256xf32> -> vector<2560x256xf32>
    %reshape3A_19 = vector.shape_cast %dot_general3A_18 : vector<2560x256xf32> to vector<128x20x256xf32>
    %reduce_max3A = arith.constant dense<0xFF800000> : vector<128x256xf32>
    %reduce_max3A_20 = vector.multi_reduction <maximumf>, %reshape3A_19, %reduce_max3A [1] : vector<128x20x256xf32> to vector<128x256xf32>
    %add3A = arith.addf %dot_general3A_6, %reduce_max3A_20 : vector<128x256xf32>
    %get3A_21 = arith.constant 0 : index
    %get3A_22 = arith.constant 0 : index
    %get3A_23 = vector.load %arg5[%get3A_21, %get3A_22] : memref<1x256xf32, #tpu.memory_space<vmem>>, vector<1x256xf32>
    %get3A_24 = arith.constant 0 : index
    %get3A_25 = arith.constant 0 : index
    %get3A_26 = vector.load %arg6[%get3A_24, %get3A_25] : memref<1x256xf32, #tpu.memory_space<vmem>>, vector<1x256xf32>
    %get3A_27 = arith.constant 0 : index
    %get3A_28 = arith.constant 0 : index
    %get3A_29 = vector.load %arg7[%get3A_27, %get3A_28] : memref<1x256xf32, #tpu.memory_space<vmem>>, vector<1x256xf32>
    %get3A_30 = arith.constant 0 : index
    %get3A_31 = arith.constant 0 : index
    %get3A_32 = vector.load %arg8[%get3A_30, %get3A_31] : memref<1x256xf32, #tpu.memory_space<vmem>>, vector<1x256xf32>
    %sub3A_33 = vector.broadcast %get3A_29 : vector<1x256xf32> to vector<128x256xf32>
    %sub3A_34 = arith.subf %add3A, %sub3A_33 : vector<128x256xf32>
    %add3A_35 = arith.constant 9.99999974E-6 : f32
    %add3A_36 = vector.broadcast %add3A_35 : f32 to vector<1x256xf32>
    %add3A_37 = arith.addf %get3A_32, %add3A_36 : vector<1x256xf32>
    %sqrt3A = math.sqrt %add3A_37 : vector<1x256xf32>
    %div3A = vector.broadcast %sqrt3A : vector<1x256xf32> to vector<128x256xf32>
    %div3A_38 = arith.divf %sub3A_34, %div3A : vector<128x256xf32>
    %mul3A = vector.broadcast %get3A_23 : vector<1x256xf32> to vector<128x256xf32>
    %mul3A_39 = arith.mulf %div3A_38, %mul3A : vector<128x256xf32>
    %add3A_40 = vector.broadcast %get3A_26 : vector<1x256xf32> to vector<128x256xf32>
    %add3A_41 = arith.addf %mul3A_39, %add3A_40 : vector<128x256xf32>
    %ge3A = arith.constant 0.000000e+00 : f32
    %ge3A_42 = vector.broadcast %ge3A : f32 to vector<128x256xf32>
    %ge3A_43 = arith.cmpf oge, %add3A_41, %ge3A_42 : vector<128x256xf32>
    %mul3A_44 = arith.constant 2.000000e-01 : f32
    %mul3A_45 = vector.broadcast %mul3A_44 : f32 to vector<128x256xf32>
    %mul3A_46 = arith.mulf %mul3A_45, %add3A_41 : vector<128x256xf32>
    %select_n3A = arith.select %ge3A_43, %add3A_41, %mul3A_46 : vector<128x256xi1>, vector<128x256xf32>
    %swap3A = arith.constant 0 : index
    %swap3A_47 = arith.constant 0 : index
    %swap3A_48 = vector.load %arg9[%swap3A, %swap3A_47] : memref<128x256xf32, #tpu.memory_space<vmem>>, vector<128x256xf32>
    tpu.vector_store %arg9[%swap3A, %swap3A_47], %select_n3A {strides = array<i32>} : memref<128x256xf32, #tpu.memory_space<vmem>>, vector<128x256xf32>,
    %swap3A_49 = arith.constant 0 : index
    %swap3A_50 = arith.constant 0 : index
    %swap3A_51 = vector.load %arg10[%swap3A_49, %swap3A_50] : memref<128x256xf32, #tpu.memory_space<vmem>>, vector<128x256xf32>
    tpu.vector_store %arg10[%swap3A_49, %swap3A_50], %select_n3A {strides = array<i32>} : memref<128x256xf32, #tpu.memory_space<vmem>>, vector<128x256xf32>,
    return
  }
  func.func @transform_0(%arg0: i32) -> (i32, i32) {
    %c0_i32 = arith.constant 0 : i32
    %c0_i32_0 = arith.constant 0 : i32
    return %arg0, %c0_i32 : i32, i32
  }
  func.func @transform_1(%arg0: i32) -> (i32, i32) {
    %c0_i32 = arith.constant 0 : i32
    %c0_i32_0 = arith.constant 0 : i32
    return %arg0, %c0_i32 : i32, i32
  }
  func.func @transform_2(%arg0: i32) -> (i32, i32) {
    %c0_i32 = arith.constant 0 : i32
    %c0_i32_0 = arith.constant 0 : i32
    %c0_i32_1 = arith.constant 0 : i32
    return %c0_i32, %c0_i32_0 : i32, i32
  }
  func.func @transform_3(%arg0: i32) -> (i32, i32) {
    %c0_i32 = arith.constant 0 : i32
    %c0_i32_0 = arith.constant 0 : i32
    %c0_i32_1 = arith.constant 0 : i32
    return %c0_i32, %c0_i32_0 : i32, i32
  }
  func.func @transform_4(%arg0: i32) -> (i32, i32) {
    %c0_i32 = arith.constant 0 : i32
    %c0_i32_0 = arith.constant 0 : i32
    %c0_i32_1 = arith.constant 0 : i32
    return %c0_i32, %c0_i32_0 : i32, i32
  }
  func.func @transform_5(%arg0: i32) -> (i32, i32) {
    %c0_i32 = arith.constant 0 : i32
    %c0_i32_0 = arith.constant 0 : i32
    %c0_i32_1 = arith.constant 0 : i32
    return %c0_i32, %c0_i32_0 : i32, i32
  }
  func.func @transform_6(%arg0: i32) -> (i32, i32) {
    %c0_i32 = arith.constant 0 : i32
    %c0_i32_0 = arith.constant 0 : i32
    %c0_i32_1 = arith.constant 0 : i32
    return %c0_i32, %c0_i32_0 : i32, i32
  }
  func.func @transform_7(%arg0: i32) -> (i32, i32) {
    %c0_i32 = arith.constant 0 : i32
    %c0_i32_0 = arith.constant 0 : i32
    %c0_i32_1 = arith.constant 0 : i32
    return %c0_i32, %c0_i32_0 : i32, i32
  }
  func.func @transform_8(%arg0: i32) -> (i32, i32) {
    %c0_i32 = arith.constant 0 : i32
    %c0_i32_0 = arith.constant 0 : i32
    return %arg0, %c0_i32 : i32, i32
  }
  func.func @transform_9(%arg0: i32) -> (i32, i32) {
    %c0_i32 = arith.constant 0 : i32
    %c0_i32_0 = arith.constant 0 : i32
    return %arg0, %c0_i32 : i32, i32
  }
}

module attributes {stable_mosaic.version = 14 : i64} {
  func.func @body(%arg0: i32, %arg1: i32, %arg2: memref<1x512x64xf32, #tpu.memory_space<vmem>>, %arg3: memref<1x512x64xf32, #tpu.memory_space<vmem>>, %arg4: memref<1x512x128xf32, #tpu.memory_space<vmem>>, %arg5: memref<1x512x256xf32, #tpu.memory_space<vmem>>, %arg6: memref<1024x512xf32, #tpu.memory_space<vmem>>, %arg7: memref<1x1024xf32, #tpu.memory_space<vmem>>, %arg8: memref<1x1024xf32, #tpu.memory_space<vmem>>, %arg9: memref<1x1024xf32, #tpu.memory_space<vmem>>, %arg10: memref<1x1024xf32, #tpu.memory_space<vmem>>, %arg11: memref<1x1x1024xf32, #tpu.memory_space<vmem>>) attributes {dimension_semantics = [#tpu.dimension_semantics<arbitrary>, #tpu.dimension_semantics<arbitrary>], iteration_bounds = array<i64: 4, 4>, scalar_prefetch = 0 : i64, scratch_operands = 0 : i64, tpu.core_type = #tpu.core_type<tc>, window_params = [{transform_indices = @transform_0, window_bounds = array<i64: 1, 512, 64>}, {transform_indices = @transform_1, window_bounds = array<i64: 1, 512, 64>}, {transform_indices = @transform_2, window_bounds = array<i64: 1, 512, 128>}, {transform_indices = @transform_3, window_bounds = array<i64: 1, 512, 256>}, {pipeline_mode = #tpu.pipeline_mode<synchronous>, transform_indices = @transform_4, window_bounds = array<i64: 1024, 512>}, {pipeline_mode = #tpu.pipeline_mode<synchronous>, transform_indices = @transform_5, window_bounds = array<i64: 1, 1024>}, {pipeline_mode = #tpu.pipeline_mode<synchronous>, transform_indices = @transform_6, window_bounds = array<i64: 1, 1024>}, {pipeline_mode = #tpu.pipeline_mode<synchronous>, transform_indices = @transform_7, window_bounds = array<i64: 1, 1024>}, {pipeline_mode = #tpu.pipeline_mode<synchronous>, transform_indices = @transform_8, window_bounds = array<i64: 1, 1024>}, {transform_indices = @transform_9, window_bounds = array<i64: 1, 1, 1024>}]} {
    %get3A = arith.constant 0 : index
    %get3A_0 = arith.constant 0 : index
    %get3A_1 = arith.constant 0 : index
    %get3A_2 = vector.load %arg2[%get3A, %get3A_0, %get3A_1] : memref<1x512x64xf32, #tpu.memory_space<vmem>>, vector<1x512x64xf32>
    %get3A_3 = vector.shape_cast %get3A_2 : vector<1x512x64xf32> to vector<512x64xf32>
    %get3A_4 = arith.constant 0 : index
    %get3A_5 = arith.constant 0 : index
    %get3A_6 = arith.constant 0 : index
    %get3A_7 = vector.load %arg3[%get3A_4, %get3A_5, %get3A_6] : memref<1x512x64xf32, #tpu.memory_space<vmem>>, vector<1x512x64xf32>
    %get3A_8 = vector.shape_cast %get3A_7 : vector<1x512x64xf32> to vector<512x64xf32>
    %get3A_9 = arith.constant 0 : index
    %get3A_10 = arith.constant 0 : index
    %get3A_11 = arith.constant 0 : index
    %get3A_12 = vector.load %arg4[%get3A_9, %get3A_10, %get3A_11] : memref<1x512x128xf32, #tpu.memory_space<vmem>>, vector<1x512x128xf32>
    %get3A_13 = vector.shape_cast %get3A_12 : vector<1x512x128xf32> to vector<512x128xf32>
    %get3A_14 = arith.constant 0 : index
    %get3A_15 = arith.constant 0 : index
    %get3A_16 = arith.constant 0 : index
    %get3A_17 = vector.load %arg5[%get3A_14, %get3A_15, %get3A_16] : memref<1x512x256xf32, #tpu.memory_space<vmem>>, vector<1x512x256xf32>
    %get3A_18 = vector.shape_cast %get3A_17 : vector<1x512x256xf32> to vector<512x256xf32>
    %concatenate3A = tpu.concatenate %get3A_3, %get3A_8, %get3A_13, %get3A_18 in 1 : vector<512x64xf32>, vector<512x64xf32>, vector<512x128xf32>, vector<512x256xf32> -> vector<512x512xf32>
    %get3A_19 = arith.constant 0 : index
    %get3A_20 = arith.constant 0 : index
    %get3A_21 = vector.load %arg6[%get3A_19, %get3A_20] : memref<1024x512xf32, #tpu.memory_space<vmem>>, vector<1024x512xf32>
    %convert_element_type3A = arith.truncf %concatenate3A : vector<512x512xf32> to vector<512x512xbf16>
    %convert_element_type3A_22 = arith.truncf %get3A_21 : vector<1024x512xf32> to vector<1024x512xbf16>
    %dot_general3A = arith.constant dense<0.000000e+00> : vector<512x1024xf32>
    %dot_general3A_23 = tpu.matmul %convert_element_type3A, %convert_element_type3A_22, %dot_general3A {dimension_numbers = #tpu.dot_dimension_numbers<[1], [1], [0], [0], [0, 0, 1, 0], [], []>, transpose_lhs_hint = false} : vector<512x512xbf16>, vector<1024x512xbf16>, vector<512x1024xf32> -> vector<512x1024xf32>
    %get3A_24 = arith.constant 0 : index
    %get3A_25 = arith.constant 0 : index
    %get3A_26 = vector.load %arg7[%get3A_24, %get3A_25] : memref<1x1024xf32, #tpu.memory_space<vmem>>, vector<1x1024xf32>
    %get3A_27 = arith.constant 0 : index
    %get3A_28 = arith.constant 0 : index
    %get3A_29 = vector.load %arg8[%get3A_27, %get3A_28] : memref<1x1024xf32, #tpu.memory_space<vmem>>, vector<1x1024xf32>
    %get3A_30 = arith.constant 0 : index
    %get3A_31 = arith.constant 0 : index
    %get3A_32 = vector.load %arg9[%get3A_30, %get3A_31] : memref<1x1024xf32, #tpu.memory_space<vmem>>, vector<1x1024xf32>
    %get3A_33 = arith.constant 0 : index
    %get3A_34 = arith.constant 0 : index
    %get3A_35 = vector.load %arg10[%get3A_33, %get3A_34] : memref<1x1024xf32, #tpu.memory_space<vmem>>, vector<1x1024xf32>
    %sub3A = vector.broadcast %get3A_32 : vector<1x1024xf32> to vector<512x1024xf32>
    %sub3A_36 = arith.subf %dot_general3A_23, %sub3A : vector<512x1024xf32>
    %add3A = arith.constant 9.99999974E-6 : f32
    %add3A_37 = vector.broadcast %add3A : f32 to vector<1x1024xf32>
    %add3A_38 = arith.addf %get3A_35, %add3A_37 : vector<1x1024xf32>
    %sqrt3A = math.sqrt %add3A_38 : vector<1x1024xf32>
    %div3A = vector.broadcast %sqrt3A : vector<1x1024xf32> to vector<512x1024xf32>
    %div3A_39 = arith.divf %sub3A_36, %div3A : vector<512x1024xf32>
    %mul3A = vector.broadcast %get3A_26 : vector<1x1024xf32> to vector<512x1024xf32>
    %mul3A_40 = arith.mulf %div3A_39, %mul3A : vector<512x1024xf32>
    %add3A_41 = vector.broadcast %get3A_29 : vector<1x1024xf32> to vector<512x1024xf32>
    %add3A_42 = arith.addf %mul3A_40, %add3A_41 : vector<512x1024xf32>
    %ge3A = arith.constant 0.000000e+00 : f32
    %ge3A_43 = vector.broadcast %ge3A : f32 to vector<512x1024xf32>
    %ge3A_44 = arith.cmpf oge, %add3A_42, %ge3A_43 : vector<512x1024xf32>
    %mul3A_45 = arith.constant 2.000000e-01 : f32
    %mul3A_46 = vector.broadcast %mul3A_45 : f32 to vector<512x1024xf32>
    %mul3A_47 = arith.mulf %mul3A_46, %add3A_42 : vector<512x1024xf32>
    %select_n3A = arith.select %ge3A_44, %add3A_42, %mul3A_47 : vector<512x1024xi1>, vector<512x1024xf32>
    %reduce_max3A = arith.constant dense<0xFF800000> : vector<1024xf32>
    %reduce_max3A_48 = vector.multi_reduction <maximumf>, %select_n3A, %reduce_max3A [0] : vector<512x1024xf32> to vector<1024xf32>
    %broadcast_in_dim3A = vector.shape_cast %reduce_max3A_48 : vector<1024xf32> to vector<1x1024xf32>
    %broadcast_in_dim3A_49 = vector.shape_cast %broadcast_in_dim3A : vector<1x1024xf32> to vector<1x1x1024xf32>
    %eq3A = arith.constant 0 : i32
    %eq3A_50 = arith.cmpi eq, %arg1, %eq3A : i32
    %convert_element_type3A_51 = arith.extui %eq3A_50 : i1 to i32
    %cond3A = arith.constant 0 : i32
    %cond3A_52 = arith.cmpi ne, %convert_element_type3A_51, %cond3A : i32
    scf.if %cond3A_52 {
      %swap3A = arith.constant 0 : index
      %swap3A_57 = arith.constant 0 : index
      %swap3A_58 = arith.constant 0 : index
      %swap3A_59 = vector.load %arg11[%swap3A, %swap3A_57, %swap3A_58] : memref<1x1x1024xf32, #tpu.memory_space<vmem>>, vector<1x1x1024xf32>
      tpu.vector_store %arg11[%swap3A, %swap3A_57, %swap3A_58], %broadcast_in_dim3A_49 {strides = array<i32>} : memref<1x1x1024xf32, #tpu.memory_space<vmem>>, vector<1x1x1024xf32>,
    } else {
    }
    %ne3A = arith.constant 0 : i32
    %ne3A_53 = arith.cmpi ne, %arg1, %ne3A : i32
    %convert_element_type3A_54 = arith.extui %ne3A_53 : i1 to i32
    %cond3A_55 = arith.constant 0 : i32
    %cond3A_56 = arith.cmpi ne, %convert_element_type3A_54, %cond3A_55 : i32
    scf.if %cond3A_56 {
      %get3A_57 = arith.constant 0 : index
      %get3A_58 = arith.constant 0 : index
      %get3A_59 = arith.constant 0 : index
      %get3A_60 = vector.load %arg11[%get3A_57, %get3A_58, %get3A_59] : memref<1x1x1024xf32, #tpu.memory_space<vmem>>, vector<1x1x1024xf32>
      %max3A = arith.maximumf %get3A_60, %broadcast_in_dim3A_49 : vector<1x1x1024xf32>
      %swap3A = arith.constant 0 : index
      %swap3A_61 = arith.constant 0 : index
      %swap3A_62 = arith.constant 0 : index
      %swap3A_63 = vector.load %arg11[%swap3A, %swap3A_61, %swap3A_62] : memref<1x1x1024xf32, #tpu.memory_space<vmem>>, vector<1x1x1024xf32>
      tpu.vector_store %arg11[%swap3A, %swap3A_61, %swap3A_62], %max3A {strides = array<i32>} : memref<1x1x1024xf32, #tpu.memory_space<vmem>>, vector<1x1x1024xf32>,
    } else {
    }
    return
  }
  func.func @transform_0(%arg0: i32, %arg1: i32) -> (i32, i32, i32) {
    %c0_i32 = arith.constant 0 : i32
    %c0_i32_0 = arith.constant 0 : i32
    return %arg0, %arg1, %c0_i32 : i32, i32, i32
  }
  func.func @transform_1(%arg0: i32, %arg1: i32) -> (i32, i32, i32) {
    %c0_i32 = arith.constant 0 : i32
    %c0_i32_0 = arith.constant 0 : i32
    return %arg0, %arg1, %c0_i32 : i32, i32, i32
  }
  func.func @transform_2(%arg0: i32, %arg1: i32) -> (i32, i32, i32) {
    %c0_i32 = arith.constant 0 : i32
    %c0_i32_0 = arith.constant 0 : i32
    return %arg0, %arg1, %c0_i32 : i32, i32, i32
  }
  func.func @transform_3(%arg0: i32, %arg1: i32) -> (i32, i32, i32) {
    %c0_i32 = arith.constant 0 : i32
    %c0_i32_0 = arith.constant 0 : i32
    return %arg0, %arg1, %c0_i32 : i32, i32, i32
  }
  func.func @transform_4(%arg0: i32, %arg1: i32) -> (i32, i32) {
    %c0_i32 = arith.constant 0 : i32
    %c0_i32_0 = arith.constant 0 : i32
    %c0_i32_1 = arith.constant 0 : i32
    return %c0_i32, %c0_i32_0 : i32, i32
  }
  func.func @transform_5(%arg0: i32, %arg1: i32) -> (i32, i32) {
    %c0_i32 = arith.constant 0 : i32
    %c0_i32_0 = arith.constant 0 : i32
    %c0_i32_1 = arith.constant 0 : i32
    return %c0_i32, %c0_i32_0 : i32, i32
  }
  func.func @transform_6(%arg0: i32, %arg1: i32) -> (i32, i32) {
    %c0_i32 = arith.constant 0 : i32
    %c0_i32_0 = arith.constant 0 : i32
    %c0_i32_1 = arith.constant 0 : i32
    return %c0_i32, %c0_i32_0 : i32, i32
  }
  func.func @transform_7(%arg0: i32, %arg1: i32) -> (i32, i32) {
    %c0_i32 = arith.constant 0 : i32
    %c0_i32_0 = arith.constant 0 : i32
    %c0_i32_1 = arith.constant 0 : i32
    return %c0_i32, %c0_i32_0 : i32, i32
  }
  func.func @transform_8(%arg0: i32, %arg1: i32) -> (i32, i32) {
    %c0_i32 = arith.constant 0 : i32
    %c0_i32_0 = arith.constant 0 : i32
    %c0_i32_1 = arith.constant 0 : i32
    return %c0_i32, %c0_i32_0 : i32, i32
  }
  func.func @transform_9(%arg0: i32, %arg1: i32) -> (i32, i32, i32) {
    %c0_i32 = arith.constant 0 : i32
    %c0_i32_0 = arith.constant 0 : i32
    %c0_i32_1 = arith.constant 0 : i32
    return %arg0, %c0_i32, %c0_i32_0 : i32, i32, i32
  }
}

module attributes {stable_mosaic.version = 14 : i64} {
  func.func @body(%arg0: i32, %arg1: i32, %arg2: memref<1x512x64xf32, #tpu.memory_space<vmem>>, %arg3: memref<1x512x64xf32, #tpu.memory_space<vmem>>, %arg4: memref<1x512x128xf32, #tpu.memory_space<vmem>>, %arg5: memref<1x512x256xf32, #tpu.memory_space<vmem>>, %arg6: memref<1x1x1024xf32, #tpu.memory_space<vmem>>, %arg7: memref<512x512xf32, #tpu.memory_space<vmem>>, %arg8: memref<512x1024xf32, #tpu.memory_space<vmem>>, %arg9: memref<1x512xf32, #tpu.memory_space<vmem>>, %arg10: memref<1x512xf32, #tpu.memory_space<vmem>>, %arg11: memref<1x512xf32, #tpu.memory_space<vmem>>, %arg12: memref<1x512xf32, #tpu.memory_space<vmem>>, %arg13: memref<256x512xf32, #tpu.memory_space<vmem>>, %arg14: memref<1x256xf32, #tpu.memory_space<vmem>>, %arg15: memref<1x256xf32, #tpu.memory_space<vmem>>, %arg16: memref<1x256xf32, #tpu.memory_space<vmem>>, %arg17: memref<1x256xf32, #tpu.memory_space<vmem>>, %arg18: memref<13x256xf32, #tpu.memory_space<vmem>>, %arg19: memref<1x512x13xf32, #tpu.memory_space<vmem>>) attributes {dimension_semantics = [#tpu.dimension_semantics<arbitrary>, #tpu.dimension_semantics<arbitrary>], iteration_bounds = array<i64: 4, 4>, scalar_prefetch = 0 : i64, scratch_operands = 0 : i64, tpu.core_type = #tpu.core_type<tc>, window_params = [{transform_indices = @transform_0, window_bounds = array<i64: 1, 512, 64>}, {transform_indices = @transform_1, window_bounds = array<i64: 1, 512, 64>}, {transform_indices = @transform_2, window_bounds = array<i64: 1, 512, 128>}, {transform_indices = @transform_3, window_bounds = array<i64: 1, 512, 256>}, {transform_indices = @transform_4, window_bounds = array<i64: 1, 1, 1024>}, {pipeline_mode = #tpu.pipeline_mode<synchronous>, transform_indices = @transform_5, window_bounds = array<i64: 512, 512>}, {pipeline_mode = #tpu.pipeline_mode<synchronous>, transform_indices = @transform_6, window_bounds = array<i64: 512, 1024>}, {pipeline_mode = #tpu.pipeline_mode<synchronous>, transform_indices = @transform_7, window_bounds = array<i64: 1, 512>}, {pipeline_mode = #tpu.pipeline_mode<synchronous>, transform_indices = @transform_8, window_bounds = array<i64: 1, 512>}, {pipeline_mode = #tpu.pipeline_mode<synchronous>, transform_indices = @transform_9, window_bounds = array<i64: 1, 512>}, {pipeline_mode = #tpu.pipeline_mode<synchronous>, transform_indices = @transform_10, window_bounds = array<i64: 1, 512>}, {pipeline_mode = #tpu.pipeline_mode<synchronous>, transform_indices = @transform_11, window_bounds = array<i64: 256, 512>}, {pipeline_mode = #tpu.pipeline_mode<synchronous>, transform_indices = @transform_12, window_bounds = array<i64: 1, 256>}, {pipeline_mode = #tpu.pipeline_mode<synchronous>, transform_indices = @transform_13, window_bounds = array<i64: 1, 256>}, {pipeline_mode = #tpu.pipeline_mode<synchronous>, transform_indices = @transform_14, window_bounds = array<i64: 1, 256>}, {pipeline_mode = #tpu.pipeline_mode<synchronous>, transform_indices = @transform_15, window_bounds = array<i64: 1, 256>}, {pipeline_mode = #tpu.pipeline_mode<synchronous>, transform_indices = @transform_16, window_bounds = array<i64: 13, 256>}, {transform_indices = @transform_17, window_bounds = array<i64: 1, 512, 13>}]} {
    %get3A = arith.constant 0 : index
    %get3A_0 = arith.constant 0 : index
    %get3A_1 = arith.constant 0 : index
    %get3A_2 = vector.load %arg2[%get3A, %get3A_0, %get3A_1] : memref<1x512x64xf32, #tpu.memory_space<vmem>>, vector<1x512x64xf32>
    %get3A_3 = vector.shape_cast %get3A_2 : vector<1x512x64xf32> to vector<512x64xf32>
    %get3A_4 = arith.constant 0 : index
    %get3A_5 = arith.constant 0 : index
    %get3A_6 = arith.constant 0 : index
    %get3A_7 = vector.load %arg3[%get3A_4, %get3A_5, %get3A_6] : memref<1x512x64xf32, #tpu.memory_space<vmem>>, vector<1x512x64xf32>
    %get3A_8 = vector.shape_cast %get3A_7 : vector<1x512x64xf32> to vector<512x64xf32>
    %get3A_9 = arith.constant 0 : index
    %get3A_10 = arith.constant 0 : index
    %get3A_11 = arith.constant 0 : index
    %get3A_12 = vector.load %arg4[%get3A_9, %get3A_10, %get3A_11] : memref<1x512x128xf32, #tpu.memory_space<vmem>>, vector<1x512x128xf32>
    %get3A_13 = vector.shape_cast %get3A_12 : vector<1x512x128xf32> to vector<512x128xf32>
    %get3A_14 = arith.constant 0 : index
    %get3A_15 = arith.constant 0 : index
    %get3A_16 = arith.constant 0 : index
    %get3A_17 = vector.load %arg5[%get3A_14, %get3A_15, %get3A_16] : memref<1x512x256xf32, #tpu.memory_space<vmem>>, vector<1x512x256xf32>
    %get3A_18 = vector.shape_cast %get3A_17 : vector<1x512x256xf32> to vector<512x256xf32>
    %concatenate3A = tpu.concatenate %get3A_3, %get3A_8, %get3A_13, %get3A_18 in 1 : vector<512x64xf32>, vector<512x64xf32>, vector<512x128xf32>, vector<512x256xf32> -> vector<512x512xf32>
    %get3A_19 = arith.constant 0 : index
    %get3A_20 = arith.constant 0 : index
    %get3A_21 = vector.load %arg7[%get3A_19, %get3A_20] : memref<512x512xf32, #tpu.memory_space<vmem>>, vector<512x512xf32>
    %convert_element_type3A = arith.truncf %concatenate3A : vector<512x512xf32> to vector<512x512xbf16>
    %convert_element_type3A_22 = arith.truncf %get3A_21 : vector<512x512xf32> to vector<512x512xbf16>
    %dot_general3A = arith.constant dense<0.000000e+00> : vector<512x512xf32>
    %dot_general3A_23 = tpu.matmul %convert_element_type3A, %convert_element_type3A_22, %dot_general3A {dimension_numbers = #tpu.dot_dimension_numbers<[1], [1], [0], [0], [0, 0, 1, 0], [], []>, transpose_lhs_hint = false} : vector<512x512xbf16>, vector<512x512xbf16>, vector<512x512xf32> -> vector<512x512xf32>
    %get3A_24 = arith.constant 0 : index
    %get3A_25 = arith.constant 0 : index
    %get3A_26 = arith.constant 0 : index
    %get3A_27 = vector.load %arg6[%get3A_24, %get3A_25, %get3A_26] : memref<1x1x1024xf32, #tpu.memory_space<vmem>>, vector<1x1x1024xf32>
    %get3A_28 = vector.shape_cast %get3A_27 : vector<1x1x1024xf32> to vector<1x1024xf32>
    %get3A_29 = arith.constant 0 : index
    %get3A_30 = arith.constant 0 : index
    %get3A_31 = vector.load %arg8[%get3A_29, %get3A_30] : memref<512x1024xf32, #tpu.memory_space<vmem>>, vector<512x1024xf32>
    %convert_element_type3A_32 = arith.truncf %get3A_28 : vector<1x1024xf32> to vector<1x1024xbf16>
    %convert_element_type3A_33 = arith.truncf %get3A_31 : vector<512x1024xf32> to vector<512x1024xbf16>
    %dot_general3A_34 = arith.constant dense<0.000000e+00> : vector<1x512xf32>
    %dot_general3A_35 = tpu.matmul %convert_element_type3A_32, %convert_element_type3A_33, %dot_general3A_34 {dimension_numbers = #tpu.dot_dimension_numbers<[1], [1], [0], [0], [0, 0, 1, 0], [], []>, transpose_lhs_hint = false} : vector<1x1024xbf16>, vector<512x1024xbf16>, vector<1x512xf32> -> vector<1x512xf32>
    %add3A = vector.broadcast %dot_general3A_35 : vector<1x512xf32> to vector<512x512xf32>
    %add3A_36 = arith.addf %dot_general3A_23, %add3A : vector<512x512xf32>
    %get3A_37 = arith.constant 0 : index
    %get3A_38 = arith.constant 0 : index
    %get3A_39 = vector.load %arg9[%get3A_37, %get3A_38] : memref<1x512xf32, #tpu.memory_space<vmem>>, vector<1x512xf32>
    %get3A_40 = arith.constant 0 : index
    %get3A_41 = arith.constant 0 : index
    %get3A_42 = vector.load %arg10[%get3A_40, %get3A_41] : memref<1x512xf32, #tpu.memory_space<vmem>>, vector<1x512xf32>
    %get3A_43 = arith.constant 0 : index
    %get3A_44 = arith.constant 0 : index
    %get3A_45 = vector.load %arg11[%get3A_43, %get3A_44] : memref<1x512xf32, #tpu.memory_space<vmem>>, vector<1x512xf32>
    %get3A_46 = arith.constant 0 : index
    %get3A_47 = arith.constant 0 : index
    %get3A_48 = vector.load %arg12[%get3A_46, %get3A_47] : memref<1x512xf32, #tpu.memory_space<vmem>>, vector<1x512xf32>
    %sub3A = vector.broadcast %get3A_45 : vector<1x512xf32> to vector<512x512xf32>
    %sub3A_49 = arith.subf %add3A_36, %sub3A : vector<512x512xf32>
    %add3A_50 = arith.constant 9.99999974E-6 : f32
    %add3A_51 = vector.broadcast %add3A_50 : f32 to vector<1x512xf32>
    %add3A_52 = arith.addf %get3A_48, %add3A_51 : vector<1x512xf32>
    %sqrt3A = math.sqrt %add3A_52 : vector<1x512xf32>
    %div3A = vector.broadcast %sqrt3A : vector<1x512xf32> to vector<512x512xf32>
    %div3A_53 = arith.divf %sub3A_49, %div3A : vector<512x512xf32>
    %mul3A = vector.broadcast %get3A_39 : vector<1x512xf32> to vector<512x512xf32>
    %mul3A_54 = arith.mulf %div3A_53, %mul3A : vector<512x512xf32>
    %add3A_55 = vector.broadcast %get3A_42 : vector<1x512xf32> to vector<512x512xf32>
    %add3A_56 = arith.addf %mul3A_54, %add3A_55 : vector<512x512xf32>
    %ge3A = arith.constant 0.000000e+00 : f32
    %ge3A_57 = vector.broadcast %ge3A : f32 to vector<512x512xf32>
    %ge3A_58 = arith.cmpf oge, %add3A_56, %ge3A_57 : vector<512x512xf32>
    %mul3A_59 = arith.constant 2.000000e-01 : f32
    %mul3A_60 = vector.broadcast %mul3A_59 : f32 to vector<512x512xf32>
    %mul3A_61 = arith.mulf %mul3A_60, %add3A_56 : vector<512x512xf32>
    %select_n3A = arith.select %ge3A_58, %add3A_56, %mul3A_61 : vector<512x512xi1>, vector<512x512xf32>
    %get3A_62 = arith.constant 0 : index
    %get3A_63 = arith.constant 0 : index
    %get3A_64 = vector.load %arg13[%get3A_62, %get3A_63] : memref<256x512xf32, #tpu.memory_space<vmem>>, vector<256x512xf32>
    %convert_element_type3A_65 = arith.truncf %select_n3A : vector<512x512xf32> to vector<512x512xbf16>
    %convert_element_type3A_66 = arith.truncf %get3A_64 : vector<256x512xf32> to vector<256x512xbf16>
    %dot_general3A_67 = arith.constant dense<0.000000e+00> : vector<512x256xf32>
    %dot_general3A_68 = tpu.matmul %convert_element_type3A_65, %convert_element_type3A_66, %dot_general3A_67 {dimension_numbers = #tpu.dot_dimension_numbers<[1], [1], [0], [0], [0, 0, 1, 0], [], []>, transpose_lhs_hint = false} : vector<512x512xbf16>, vector<256x512xbf16>, vector<512x256xf32> -> vector<512x256xf32>
    %get3A_69 = arith.constant 0 : index
    %get3A_70 = arith.constant 0 : index
    %get3A_71 = vector.load %arg14[%get3A_69, %get3A_70] : memref<1x256xf32, #tpu.memory_space<vmem>>, vector<1x256xf32>
    %get3A_72 = arith.constant 0 : index
    %get3A_73 = arith.constant 0 : index
    %get3A_74 = vector.load %arg15[%get3A_72, %get3A_73] : memref<1x256xf32, #tpu.memory_space<vmem>>, vector<1x256xf32>
    %get3A_75 = arith.constant 0 : index
    %get3A_76 = arith.constant 0 : index
    %get3A_77 = vector.load %arg16[%get3A_75, %get3A_76] : memref<1x256xf32, #tpu.memory_space<vmem>>, vector<1x256xf32>
    %get3A_78 = arith.constant 0 : index
    %get3A_79 = arith.constant 0 : index
    %get3A_80 = vector.load %arg17[%get3A_78, %get3A_79] : memref<1x256xf32, #tpu.memory_space<vmem>>, vector<1x256xf32>
    %sub3A_81 = vector.broadcast %get3A_77 : vector<1x256xf32> to vector<512x256xf32>
    %sub3A_82 = arith.subf %dot_general3A_68, %sub3A_81 : vector<512x256xf32>
    %add3A_83 = arith.constant 9.99999974E-6 : f32
    %add3A_84 = vector.broadcast %add3A_83 : f32 to vector<1x256xf32>
    %add3A_85 = arith.addf %get3A_80, %add3A_84 : vector<1x256xf32>
    %sqrt3A_86 = math.sqrt %add3A_85 : vector<1x256xf32>
    %div3A_87 = vector.broadcast %sqrt3A_86 : vector<1x256xf32> to vector<512x256xf32>
    %div3A_88 = arith.divf %sub3A_82, %div3A_87 : vector<512x256xf32>
    %mul3A_89 = vector.broadcast %get3A_71 : vector<1x256xf32> to vector<512x256xf32>
    %mul3A_90 = arith.mulf %div3A_88, %mul3A_89 : vector<512x256xf32>
    %add3A_91 = vector.broadcast %get3A_74 : vector<1x256xf32> to vector<512x256xf32>
    %add3A_92 = arith.addf %mul3A_90, %add3A_91 : vector<512x256xf32>
    %ge3A_93 = arith.constant 0.000000e+00 : f32
    %ge3A_94 = vector.broadcast %ge3A_93 : f32 to vector<512x256xf32>
    %ge3A_95 = arith.cmpf oge, %add3A_92, %ge3A_94 : vector<512x256xf32>
    %mul3A_96 = arith.constant 2.000000e-01 : f32
    %mul3A_97 = vector.broadcast %mul3A_96 : f32 to vector<512x256xf32>
    %mul3A_98 = arith.mulf %mul3A_97, %add3A_92 : vector<512x256xf32>
    %select_n3A_99 = arith.select %ge3A_95, %add3A_92, %mul3A_98 : vector<512x256xi1>, vector<512x256xf32>
    %get3A_100 = arith.constant 0 : index
    %get3A_101 = arith.constant 0 : index
    %get3A_102 = vector.load %arg18[%get3A_100, %get3A_101] : memref<13x256xf32, #tpu.memory_space<vmem>>, vector<13x256xf32>
    %convert_element_type3A_103 = arith.truncf %select_n3A_99 : vector<512x256xf32> to vector<512x256xbf16>
    %convert_element_type3A_104 = arith.truncf %get3A_102 : vector<13x256xf32> to vector<13x256xbf16>
    %dot_general3A_105 = arith.constant dense<0.000000e+00> : vector<512x13xf32>
    %dot_general3A_106 = tpu.matmul %convert_element_type3A_103, %convert_element_type3A_104, %dot_general3A_105 {dimension_numbers = #tpu.dot_dimension_numbers<[1], [1], [0], [0], [0, 0, 1, 0], [], []>, transpose_lhs_hint = false} : vector<512x256xbf16>, vector<13x256xbf16>, vector<512x13xf32> -> vector<512x13xf32>
    %swap3A = arith.constant 0 : index
    %swap3A_107 = arith.constant 0 : index
    %swap3A_108 = arith.constant 0 : index
    %swap3A_109 = vector.load %arg19[%swap3A, %swap3A_107, %swap3A_108] : memref<1x512x13xf32, #tpu.memory_space<vmem>>, vector<1x512x13xf32>
    %swap3A_110 = vector.shape_cast %swap3A_109 : vector<1x512x13xf32> to vector<512x13xf32>
    %swap3A_111 = vector.shape_cast %dot_general3A_106 : vector<512x13xf32> to vector<1x512x13xf32>
    tpu.vector_store %arg19[%swap3A, %swap3A_107, %swap3A_108], %swap3A_111 {strides = array<i32>} : memref<1x512x13xf32, #tpu.memory_space<vmem>>, vector<1x512x13xf32>,
    return
  }
  func.func @transform_0(%arg0: i32, %arg1: i32) -> (i32, i32, i32) {
    %c0_i32 = arith.constant 0 : i32
    %c0_i32_0 = arith.constant 0 : i32
    return %arg0, %arg1, %c0_i32 : i32, i32, i32
  }
  func.func @transform_1(%arg0: i32, %arg1: i32) -> (i32, i32, i32) {
    %c0_i32 = arith.constant 0 : i32
    %c0_i32_0 = arith.constant 0 : i32
    return %arg0, %arg1, %c0_i32 : i32, i32, i32
  }
  func.func @transform_2(%arg0: i32, %arg1: i32) -> (i32, i32, i32) {
    %c0_i32 = arith.constant 0 : i32
    %c0_i32_0 = arith.constant 0 : i32
    return %arg0, %arg1, %c0_i32 : i32, i32, i32
  }
  func.func @transform_3(%arg0: i32, %arg1: i32) -> (i32, i32, i32) {
    %c0_i32 = arith.constant 0 : i32
    %c0_i32_0 = arith.constant 0 : i32
    return %arg0, %arg1, %c0_i32 : i32, i32, i32
  }
  func.func @transform_4(%arg0: i32, %arg1: i32) -> (i32, i32, i32) {
    %c0_i32 = arith.constant 0 : i32
    %c0_i32_0 = arith.constant 0 : i32
    %c0_i32_1 = arith.constant 0 : i32
    return %arg0, %c0_i32, %c0_i32_0 : i32, i32, i32
  }
  func.func @transform_5(%arg0: i32, %arg1: i32) -> (i32, i32) {
    %c0_i32 = arith.constant 0 : i32
    %c0_i32_0 = arith.constant 0 : i32
    %c0_i32_1 = arith.constant 0 : i32
    return %c0_i32, %c0_i32_0 : i32, i32
  }
  func.func @transform_6(%arg0: i32, %arg1: i32) -> (i32, i32) {
    %c0_i32 = arith.constant 0 : i32
    %c0_i32_0 = arith.constant 0 : i32
    %c0_i32_1 = arith.constant 0 : i32
    return %c0_i32, %c0_i32_0 : i32, i32
  }
  func.func @transform_7(%arg0: i32, %arg1: i32) -> (i32, i32) {
    %c0_i32 = arith.constant 0 : i32
    %c0_i32_0 = arith.constant 0 : i32
    %c0_i32_1 = arith.constant 0 : i32
    return %c0_i32, %c0_i32_0 : i32, i32
  }
  func.func @transform_8(%arg0: i32, %arg1: i32) -> (i32, i32) {
    %c0_i32 = arith.constant 0 : i32
    %c0_i32_0 = arith.constant 0 : i32
    %c0_i32_1 = arith.constant 0 : i32
    return %c0_i32, %c0_i32_0 : i32, i32
  }
  func.func @transform_9(%arg0: i32, %arg1: i32) -> (i32, i32) {
    %c0_i32 = arith.constant 0 : i32
    %c0_i32_0 = arith.constant 0 : i32
    %c0_i32_1 = arith.constant 0 : i32
    return %c0_i32, %c0_i32_0 : i32, i32
  }
  func.func @transform_10(%arg0: i32, %arg1: i32) -> (i32, i32) {
    %c0_i32 = arith.constant 0 : i32
    %c0_i32_0 = arith.constant 0 : i32
    %c0_i32_1 = arith.constant 0 : i32
    return %c0_i32, %c0_i32_0 : i32, i32
  }
  func.func @transform_11(%arg0: i32, %arg1: i32) -> (i32, i32) {
    %c0_i32 = arith.constant 0 : i32
    %c0_i32_0 = arith.constant 0 : i32
    %c0_i32_1 = arith.constant 0 : i32
    return %c0_i32, %c0_i32_0 : i32, i32
  }
  func.func @transform_12(%arg0: i32, %arg1: i32) -> (i32, i32) {
    %c0_i32 = arith.constant 0 : i32
    %c0_i32_0 = arith.constant 0 : i32
    %c0_i32_1 = arith.constant 0 : i32
    return %c0_i32, %c0_i32_0 : i32, i32
  }
  func.func @transform_13(%arg0: i32, %arg1: i32) -> (i32, i32) {
    %c0_i32 = arith.constant 0 : i32
    %c0_i32_0 = arith.constant 0 : i32
    %c0_i32_1 = arith.constant 0 : i32
    return %c0_i32, %c0_i32_0 : i32, i32
  }
  func.func @transform_14(%arg0: i32, %arg1: i32) -> (i32, i32) {
    %c0_i32 = arith.constant 0 : i32
    %c0_i32_0 = arith.constant 0 : i32
    %c0_i32_1 = arith.constant 0 : i32
    return %c0_i32, %c0_i32_0 : i32, i32
  }
  func.func @transform_15(%arg0: i32, %arg1: i32) -> (i32, i32) {
    %c0_i32 = arith.constant 0 : i32
    %c0_i32_0 = arith.constant 0 : i32
    %c0_i32_1 = arith.constant 0 : i32
    return %c0_i32, %c0_i32_0 : i32, i32
  }
  func.func @transform_16(%arg0: i32, %arg1: i32) -> (i32, i32) {
    %c0_i32 = arith.constant 0 : i32
    %c0_i32_0 = arith.constant 0 : i32
    %c0_i32_1 = arith.constant 0 : i32
    return %c0_i32, %c0_i32_0 : i32, i32
  }
  func.func @transform_17(%arg0: i32, %arg1: i32) -> (i32, i32, i32) {
    %c0_i32 = arith.constant 0 : i32
    %c0_i32_0 = arith.constant 0 : i32
    return %arg0, %arg1, %c0_i32 : i32, i32, i32
  }
}

</mosaic_0001>

<sc_bundles>
// kernel: kernel.16.cloned.1.call-start
scs
__scs_entry_jumppad:
0x0: {  	(pc) =	sbr.rel $0x88, $3  }
0x1: {  	(tag) =	ssettag $0x0;
	lr =	simm.s32 $0x1  }
0x2: {  	[smem:$0x3F7C] =	sst lr;
	_ =	strace $0xD0000000  }
0x3: {  	_ = 	snop  }
0x4: {  	_ = 	snop  }
0x5: {  	_ = 	snop  }
0x6: {  	_ = 	snop  }
0x7: {  	_ = 	snop  }
__scs_overlays_trampoline_lowered:
0x8: {  	[smem:$0x3F8B] =	sst s0  }
0x9: {  	[smem:$0x3F8C] =	sst s1  }
0xa: {  	[smem:$0x3F8D] =	sst s2  }
0xb: {  	[smem:$0x3F8E] =	sst s3  }
0xc: {  	[smem:$0x3F8F] =	sst s4  }
0xd: {  	[smem:$0x3F90] =	sst s5  }
0xe: {  	[smem:$0x3F91] =	sst s6  }
0xf: {  	[smem:$0x3F92] =	sst s7  }
0x10: {  	[smem:$0x3F93] =	sst s8  }
0x11: {  	[smem:$0x3F94] =	sst s9;
	s0 =	simm.s32 @!p0 $0x0  }
0x12: {  	s1 =	sld [smem:$0x3F7A];
	s0 =	simm.s32 @p0 $0x1  }
0x13: {  	[smem:$0x3F95] =	sst s0;
	s0 =	simm.s32 @!p1 $0x0  }
0x14: {  	s2 =	sld [smem:$0x3F79];
	s0 =	simm.s32 @p1 $0x1  }
0x15: {  	[smem:$0x3F96] =	sst s0;
	s0 =	simm.s32 @!p2 $0x0  }
0x16: {  	s3 =	sld [smem:$0x3FDB];
	s0 =	simm.s32 @p2 $0x1  }
0x17: {  	s4 =	simm.s32 $0x1BF5;
	[smem:$0x3F98] =	sst s0  }
0x18: {  	s0 =	sld [smem:$0x3F7B];
	_ =	swait.ge [sflag:s4], $0x0  }
0x19: {  	s7 =	sld [smem:$0x3F7C]  }
0x1a: {  	s8 =	sadd.s32 $0xFFFFE003, lr  }
0x1b: {  	s9 =	sadd.s32 $0xFFFFFEF7, lr;
	s5 =	simm.s32 $0xFFFFFFFF;
	p2 =	slt.u32 s8, $0xFFFFF086  }
0x1c: {  	p1 =	slt.u32 s9, $0xF7A;
	s5 =	simm.s32 @!p2 $0x0  }
0x1d: {  	s5 =	simm.s32 @p1 $0x1;
	p0 =	seq.s32 s7, s2  }
0x1e: {  	s7 =	smul.u32 @!p0 $0xF7A, s2;
	p2 =	seq.s32 @!p0 s5, $0x0  }
0x1f: {  	s9 =	smul.u32 $0xF7A, s1;
	s8 =	simm.s32 @!p0 $0x1BF5;
	p2 =	por !p2, p0  }
0x20: {  	[sflag:s8] =	ssyncset.s32 @!p0 $0xFFFFF086;
	s6 =	sadd.s32 @!p0 s3, s7;
	s7 =	simm.s32 @!p0 $0x108  }
0x21: {  	s3 =	sadd.s32 s3, s9;
	s6 =	sadd.s32 @!p0 $0x88, s6;
	s7 =	simm.s32 @p2 $0x1082  }
0x22: {  	[simem:s7], [sflag:s8] =	dma.local @!p0 [hbm:s6], $0xF7A  }
0x23: {  	s9 =	sor.u32 $0xD0000000, s2;
	s6 =	simm.s32 $0x108;
	_ =	swait.ge @!p0 [sflag:s8], $0x0  }
0x24: {  	s3 =	sadd.s32 $0x88, s3;
	s6 =	simm.s32 @!p1 $0x1082;
	[sflag:s4] =	ssyncset.s32 $0xFFFFF086  }
0x25: {  	[simem:s6], [sflag:s4] =	dma.local [hbm:s3], $0xF7A  }
0x26: {  	[smem:$0x3F7C] =	sst s1;
	(tag) =	ssettag s2;
	_ =	strace s9  }
0x27: {  	s1 =	sld [smem:$0x3F8C]  }
0x28: {  	s2 =	sld [smem:$0x3F8D]  }
0x29: {  	s4 =	sld [smem:$0x3F8F]  }
0x2a: {  	p0 =	seq.s32 s5, $0x0;
	s5 =	sld [smem:$0x3F90]  }
0x2b: {  	s6 =	sld [smem:$0x3F91]  }
0x2c: {  	s7 =	sld [smem:$0x3F92]  }
0x2d: {  	s3 =	simm.s32 $0x108;
	s8 =	sld [smem:$0x3F93]  }
0x2e: {  	s3 =	simm.s32 @!p0 $0x1082;
	s9 =	sld [smem:$0x3F94]  }
0x2f: {  	lr =	sadd.s32 s0, s3;
	s0 =	sld [smem:$0x3F8B]  }
0x30: {  	s3 =	sld [smem:$0x3F8E]  }
0x31: {  	[smem:$0x3F97] =	sst s10  }
0x32: {  	s10 =	sld [smem:$0x3F95];
	_ =	sdelay $0x3  }
0x33: {  	p0 =	seq.s32 s10, $0x1;
	s10 =	sld [smem:$0x3F97];
	_ =	sdelay $0x3  }
0x34: {  	[smem:$0x3F97] =	sst s10  }
0x35: {  	s10 =	sld [smem:$0x3F96];
	_ =	sdelay $0x3  }
0x36: {  	p1 =	seq.s32 s10, $0x1;
	s10 =	sld [smem:$0x3F97];
	_ =	sdelay $0x3  }
0x37: {  	[smem:$0x3F97] =	sst s10  }
0x38: {  	s10 =	sld [smem:$0x3F98]  }
0x39: {  	_ = 	snop;
	(pc) =	sbr.ind lr, $3  }
0x3a: {  	_ = 	snop  }
0x3b: {  	_ = 	snop  }
0x3c: {  	p2 =	seq.s32 s10, $0x1;
	s10 =	sld [smem:$0x3F97]  }
0x3d: {  	_ =	shalt  }
0x3e: {  	_ =	shalt  }
0x3f: {  	_ =	shalt  }
0x40: {  	_ =	shalt  }
0x41: {  	_ =	shalt  }
0x42: {  	_ =	shalt  }
0x43: {  	_ =	shalt  }
0x44: {  	_ =	shalt  }
0x45: {  	_ =	shalt  }
0x46: {  	_ =	shalt  }
0x47: {  	_ =	shalt  }
0x48: {  	_ =	shalt  }
0x49: {  	_ =	shalt  }
0x4a: {  	_ =	shalt  }
0x4b: {  	_ =	shalt  }
0x4c: {  	_ =	shalt  }
0x4d: {  	_ =	shalt  }
0x4e: {  	_ =	shalt  }
0x4f: {  	_ =	shalt  }
0x50: {  	_ =	shalt  }
0x51: {  	_ =	shalt  }
0x52: {  	_ =	shalt  }
0x53: {  	_ =	shalt  }
0x54: {  	_ =	shalt  }
0x55: {  	_ =	shalt  }
0x56: {  	_ =	shalt  }
0x57: {  	_ =	shalt  }
0x58: {  	_ =	shalt  }
0x59: {  	_ =	shalt  }
0x5a: {  	_ =	shalt  }
0x5b: {  	_ =	shalt  }
0x5c: {  	_ =	shalt  }
0x5d: {  	_ =	shalt  }
0x5e: {  	_ =	shalt  }
0x5f: {  	_ =	shalt  }
0x60: {  	_ =	shalt  }
0x61: {  	_ =	shalt  }
0x62: {  	_ =	shalt  }
0x63: {  	_ =	shalt  }
0x64: {  	_ =	shalt  }
0x65: {  	_ =	shalt  }
0x66: {  	_ =	shalt  }
0x67: {  	_ =	shalt  }
0x68: {  	_ =	shalt  }
0x69: {  	_ =	shalt  }
0x6a: {  	_ =	shalt  }
0x6b: {  	_ =	shalt  }
0x6c: {  	_ =	shalt  }
0x6d: {  	_ =	shalt  }
0x6e: {  	_ =	shalt  }
0x6f: {  	_ =	shalt  }
0x70: {  	_ =	shalt  }
0x71: {  	_ =	shalt  }
0x72: {  	_ =	shalt  }
0x73: {  	_ =	shalt  }
0x74: {  	_ =	shalt  }
0x75: {  	_ =	shalt  }
0x76: {  	_ =	shalt  }
0x77: {  	_ =	shalt  }
0x78: {  	_ =	shalt  }
0x79: {  	_ =	shalt  }
0x7a: {  	_ =	shalt  }
0x7b: {  	_ =	shalt  }
0x7c: {  	_ =	shalt  }
0x7d: {  	_ =	shalt  }
0x7e: {  	_ =	shalt  }
0x7f: {  	_ =	shalt  }
0x80: {  	_ =	shalt  }
0x81: {  	_ =	shalt  }
0x82: {  	_ =	shalt  }
0x83: {  	_ =	shalt  }
0x84: {  	_ =	shalt  }
0x85: {  	_ =	shalt  }
0x86: {  	_ =	shalt  }
0x87: {  	_ =	shalt  }
.Lfunc_end0:
.L_simem_size_0:
called_computation_lowered:
.L_overlay_start_0:
0x88: {  	s2 =	sld [smem:$0x3FD9]  }
0x89: {  	s3 =	sld [smem:$0x3FFE];
	_ =	sdelay $0x1  }
0x8a: {  	s1 =	srdreg.scid  }
0x8b: {  	s0 =	sand.u32 $0x1, s1  }
0x8c: {  	s16 =	sshll.u32 s0, $0xA;
	s2 =	sadd.s32 s3, s2  }
0x8d: {  	s2 =	sadd.s32 s2, s16  }
0x8e: {  	[smem:$0x3FA3] =	sst s2  }
0x8f: {  	_ = 	snop  }
0x90: {  	(tm) =	ssettm $0x1  }
0x91: {  	s17 =	sld [smem:$0x3FFB];
	_ =	sdelay $0x3  }
0x92: {  	_ =	strace s17  }
0x93: {  	s2 =	sld [smem:$0x3FFC];
	_ =	sdelay $0x3  }
0x94: {  	_ =	strace s2  }
0x95: {  	s2 =	sld [smem:$0x3FFD];
	_ =	sdelay $0x3  }
0x96: {  	_ =	strace s2  }
0x97: {  	_ =	strace $0x8FFFFFFF  }
0x98: {  	s18 =	sld [smem:$0x3FDB];
	_ =	sdelay $0x1  }
0x99: {  	s19 =	simm.s32 $_scs_section_size  }
0x9a: {  	s4 =	simm.s32 $_size__tile_overlayer_lowered;
	s5 =	simm.s32 $_tile_overlayer_lowered  }
0x9b: {  	s22 =	simm.s32 $0x1BFF;
	s21 =	sshll.u32 s5, $0x1;
	s2 =	sadd.s32 s19, s18  }
0x9c: {  	s6 =	simm.s32 $0x0;
	s20 =	sshll.u32 s4, $0x1;
	s4 =	sadd.s32 s21, s2  }
0x9d: {  	[timem:s6], [sflag:s22] =	dma.local [hbm:s4], s20  }
0x9e: {  	_ =	swait.ge [sflag:s22], s20  }
0x9f: {  	s3 =	ssub.s32 $0x0, s20;
	[sflag:s22] =	ssyncset.done $0x0  }
0xa0: {  	[sflag:s22] =	ssyncadd.s32 s3;
	_ =	sdelay $0x1  }
0xa1: {  	s23 =	simm.s32 $0x1B8B  }
0xa2: {  	_ =	swait.ge [sflag:s23], $0x1  }
0xa3: {  	[sflag:s23] =	ssyncset.done $0x0  }
0xa4: {  	s25 =	simm.s32 $0x1B8E;
	s24 =	sld [smem:$0x3FFE];
	[sflag:s23] =	ssyncadd.s32 $0xFFFFFFFF  }
0xa5: {  	s26 =	simm.s32 $execute0_lowered;
	[smem:$0x3FD2] =	sst s25  }
0xa6: {  	s4 =	sshll.u32 s26, $0x1;
	_ =	strace $0x80000046;
	[dreg:$0x1] =	wrdreg $0xFFFFFFFF  }
0xa7: {  	s28 =	simm.s32 $_size_execute0_lowered;
	s2 =	sadd.s32 s2, s4;
	[dreg:$0x0] =	wrdreg $0x0  }
0xa8: {  	s4 =	sshll.u32 s28, $0x1;
	[dreg:$0x2] =	wrdreg s2  }
0xa9: {  	[dreg:$0x3] =	wrdreg s4  }
0xaa: {  	[dreg:$0x4] =	wrdreg $0xC0  }
0xab: {  	_ =	task [dreg:s6], $0x5FFFF  }
0xac: {  	[dreg:$0x1] =	wrdreg $0xFFFFFFFF  }
0xad: {  	[dreg:$0x0] =	wrdreg $0x60  }
0xae: {  	[dreg:$0x2] =	wrdreg s24  }
0xaf: {  	[dreg:$0x3] =	wrdreg $0x9  }
0xb0: {  	_ =	task.clear_ibuf [dreg:s6], $0x4FFFF;
	_ =	strace $0x90000046  }
0xb1: {  	s29 =	simm.s32 $0x9;
	_ =	strace $0x80000048  }
0xb2: {  	_ =	swait.ge [sflag:s29], $0x1  }
0xb3: {  	[sflag:s29] =	ssyncadd.s32 $0xFFFFFFFF  }
0xb4: {  	_ =	strace $0x90000048  }
0xb5: {  	_ =	sfence  }
0xb6: {  	s30 =	sld [smem:$0x0];
	_ =	sdelay $0x2  }
0xb7: {  	s31 =	sshll.u32 s1, $0xD;
	s1 =	sshrl.u32 s1, $0x2  }
0xb8: {  	s3 =	sand.u32 $0x4000, s31;
	s1 =	sadd.s32 s1, s30  }
0xb9: {  	s0 =	sor.u32 s3, s0;
	s1 =	sshll.u32 s1, $0x11  }
0xba: {  	s0 =	sor.u32 s1, s0  }
0xbb: {  	s0 =	sadd.s32 $0x8F2B, s0  }
0xbc: {  	[sflag:s0] =	ssyncadd.remote.s32 $0x1  }
0xbd: {  	_ =	sfence.sel $0xFFFF  }
0xbe: {  	[dreg:$0x0] =	wrdreg $0xFFFFFFFF;
	(pc) =	sbr.abs _section_cstart, $3  }
0xbf: {  	[dreg:$0x1] =	wrdreg $0xFFFFFFFF  }
0xc0: {  	_ =	task.clear_ibuf [dreg:s6], $0x2FFFF;
	_ =	strace $0x9FFFFFFF  }
0xc1: {  	(tm) =	ssettm $0x7FFFFFFF  }
tec
execute0_lowered:
.L_overlay_start_1:
0x0: {  	(tag) =	ssettag $0x1  }
0x1: {  	s4 =	rddreg [dreg:$0x0]  }
0x2: {  	s0 =	rddreg [dreg:$0x1];
	s2 =	simm.s32 $0x0;
	s5 =	srdreg.scid  }
0x3: {  	s1 =	stileid.u32;
	s11 =	simm.s32 $0x7000;
	s12 =	simm.s32 $0x9800  }
0x4: {  	s13 =	simm.s32 $0x1;
	s14 =	simm.s32 $0x0;
	[smem:$0x7FF] =	sst s2  }
0x5: {  	s3 =	sadd.s32 $0x8800, s4;
	s5 =	sand.u32 $0x1, s5;
	s6 =	sshll.u32 s1, $0xB  }
0x6: {  	s8 =	smul.u32 $0x28000, s1;
	_ =	strace $0x80000047;
	s7 =	sshll.u32 s5, $0xA  }
0x7: {  	s9 =	ssub.s32 $0x2, s5;
	s10 =	smul.u32 $0x14000, s5;
	s6 =	sor.u32 s7, s6  }
0x8: {  	s29 =	sshrl.u32 s9, $0x1;
	s31 =	sadd.s32 s8, s4;
	s8 =	simm.s32 $0x50  }
0x9: {  	s30 =	sadd.s32 s6, s4;
	s7 =	ssub.s32 s9, s29;
	s6 =	sadd.s32 s10, s31  }
0xa: {  	s9 =	simm.s32 $0x2000;
	s10 =	simm.s32 $0x4800;
	s4 =	sadd.s32 $0x28800, s30  }
0xb: {  	s5 =	smax.u32 s7, $0x1;
	s6 =	sadd.s32 $0x30800, s6;
	s7 =	simm.s32 $0x2  }
.LBB2_1:
0xc: {  	[tilespmem:s2], [sflag:$0x2] =	stream.linear.gather [hbm4b:s4+s2], $0x2000, $0x38;
	[tilespmem:$0xC000] =	vst v63  }
0xd: {  	_ =	swait.ge [sflag:s7], $0x2000  }
0xe: {  	[sflag:s7] =	ssyncset.done $0x0  }
0xf: {  	s15 =	simm.s32 $0x0;
	[sflag:s7] =	ssyncadd.s32 $0xFFFFE000  }
0x10: {  	[tilespmem:s9], [sflag:$0x1] =	stream.indirect.gather [hbm4b:s3+s8], $0x80, s15, s8, $0xb8;
	[tilespmem:$0xC000] =	vst v63  }
0x11: {  	s28 =	simm.s32 $0x80  }
0x12: {  	[tilespmem:s10], [sflag:$0x1] =	stream.indirect.gather [hbm4b:s3+s8], $0x80, s28, s8, $0xb8;
	[tilespmem:$0xC000] =	vst v63  }
0x13: {  	s29 =	simm.s32 $0x100  }
0x14: {  	[tilespmem:s11], [sflag:$0x1] =	stream.indirect.gather [hbm4b:s3+s8], $0x80, s29, s8, $0xb8;
	[tilespmem:$0xC000] =	vst v63  }
0x15: {  	s30 =	simm.s32 $0x180  }
0x16: {  	[tilespmem:s12], [sflag:$0x1] =	stream.indirect.gather [hbm4b:s3+s8], $0x80, s30, s8, $0xb8;
	[tilespmem:$0xC000] =	vst v63  }
0x17: {  	_ =	swait.ge [sflag:s13], $0x2800  }
0x18: {  	[sflag:s13] =	ssyncset.done $0x0  }
0x19: {  	[sflag:s13] =	ssyncadd.s32 $0xFFFFD800  }
0x1a: {  	_ =	swait.ge [sflag:s13], $0x2800  }
0x1b: {  	[sflag:s13] =	ssyncset.done $0x0  }
0x1c: {  	[sflag:s13] =	ssyncadd.s32 $0xFFFFD800  }
0x1d: {  	_ =	swait.ge [sflag:s13], $0x2800  }
0x1e: {  	[sflag:s13] =	ssyncset.done $0x0  }
0x1f: {  	[sflag:s13] =	ssyncadd.s32 $0xFFFFD800  }
0x20: {  	_ =	swait.ge [sflag:s13], $0x2800  }
0x21: {  	[sflag:s13] =	ssyncset.done $0x0  }
0x22: {  	s31 =	sadd.s32 $0x0, s6;
	[sflag:s13] =	ssyncadd.s32 $0xFFFFD800  }
0x23: {  	[hbm4b:s31+s2] =	stream.linear.scatter [tilespmem:s9], [sflag:$0x2], $0xA000, $0x38;
	[tilespmem:$0xC000] =	vst v63  }
0x24: {  	s17 =	simm.s32 $0x2800;
	_ =	swait.ge [sflag:s7], $0xA000  }
0x25: {  	s16 =	simm.s32 $0x380;
	s15 =	simm.s32 $0x1400;
	[sflag:s7] =	ssyncset.done $0x0  }
.LBB2_2:
0x26: {  	p0 =	sne.s32 s17, $0x12C00;
	s18 =	sadd.s32 $0xFFFFFE80, s16;
	[sflag:s7] =	ssyncadd.s32 $0xFFFF6000  }
0x27: {  	[tilespmem:s9], [sflag:$0x1] =	stream.indirect.gather [hbm4b:s3+s8], $0x80, s18, s8, $0xb8;
	[tilespmem:$0xC000] =	vst v63  }
0x28: {  	s19 =	smov.u32 s17;
	s17 =	sadd.s32 $0x1400, s17;
	s18 =	sadd.s32 $0xFFFFFF00, s16  }
0x29: {  	[tilespmem:s10], [sflag:$0x1] =	stream.indirect.gather [hbm4b:s3+s8], $0x80, s18, s8, $0xb8;
	[tilespmem:$0xC000] =	vst v63  }
0x2a: {  	s18 =	sadd.s32 $0xFFFFFF80, s16  }
0x2b: {  	[tilespmem:s11], [sflag:$0x1] =	stream.indirect.gather [hbm4b:s3+s8], $0x80, s18, s8, $0xb8;
	[tilespmem:$0xC000] =	vst v63  }
0x2c: {  	_ = 	snop  }
0x2d: {  	[tilespmem:s12], [sflag:$0x1] =	stream.indirect.gather [hbm4b:s3+s8], $0x80, s16, s8, $0xb8;
	[tilespmem:$0xC000] =	vst v63  }
0x2e: {  	_ =	swait.ge [sflag:s13], $0x2800  }
0x2f: {  	[sflag:s13] =	ssyncset.done $0x0  }
0x30: {  	[sflag:s13] =	ssyncadd.s32 $0xFFFFD800  }
0x31: {  	_ =	swait.ge [sflag:s13], $0x2800  }
0x32: {  	[sflag:s13] =	ssyncset.done $0x0  }
0x33: {  	[sflag:s13] =	ssyncadd.s32 $0xFFFFD800  }
0x34: {  	_ =	swait.ge [sflag:s13], $0x2800  }
0x35: {  	[sflag:s13] =	ssyncset.done $0x0  }
0x36: {  	[sflag:s13] =	ssyncadd.s32 $0xFFFFD800  }
0x37: {  	_ =	swait.ge [sflag:s13], $0x2800  }
.Ltmp0:
0x38: {  	[sflag:s13] =	ssyncset.done $0x0;
	(pc) =	sbr.rel @p0 .LBB2_2-.Ltmp0, $4  }
0x39: {  	s18 =	sadd.s32 s15, s6;
	s15 =	smov.u32 s19;
	[sflag:s13] =	ssyncadd.s32 $0xFFFFD800  }
0x3a: {  	[hbm4b:s18+s2] =	stream.linear.scatter [tilespmem:s9], [sflag:$0x2], $0xA000, $0x38;
	[tilespmem:$0xC000] =	vst v63  }
0x3b: {  	_ =	swait.ge [sflag:s7], $0xA000  }
0x3c: {  	s16 =	sadd.s32 $0x200, s16;
	[sflag:s7] =	ssyncset.done $0x0  }
0x3d: {  	s17 =	sadd.s32 $0xFFFFFE80, s16;
	[sflag:s7] =	ssyncadd.s32 $0xFFFF6000  }
0x3e: {  	[tilespmem:s9], [sflag:$0x1] =	stream.indirect.gather [hbm4b:s3+s8], $0x80, s17, s8, $0xb8;
	[tilespmem:$0xC000] =	vst v63  }
0x3f: {  	s30 =	sadd.s32 $0xFFFFFF00, s16  }
0x40: {  	[tilespmem:s10], [sflag:$0x1] =	stream.indirect.gather [hbm4b:s3+s8], $0x80, s30, s8, $0xb8;
	[tilespmem:$0xC000] =	vst v63  }
0x41: {  	s31 =	sadd.s32 $0xFFFFFF80, s16  }
0x42: {  	[tilespmem:s11], [sflag:$0x1] =	stream.indirect.gather [hbm4b:s3+s8], $0x80, s31, s8, $0xb8;
	[tilespmem:$0xC000] =	vst v63  }
0x43: {  	_ = 	snop  }
0x44: {  	[tilespmem:s12], [sflag:$0x1] =	stream.indirect.gather [hbm4b:s3+s8], $0x80, s16, s8, $0xb8;
	[tilespmem:$0xC000] =	vst v63  }
0x45: {  	_ =	swait.ge [sflag:s13], $0x2800  }
0x46: {  	[sflag:s13] =	ssyncset.done $0x0  }
0x47: {  	[sflag:s13] =	ssyncadd.s32 $0xFFFFD800  }
0x48: {  	_ =	swait.ge [sflag:s13], $0x2800  }
0x49: {  	[sflag:s13] =	ssyncset.done $0x0  }
0x4a: {  	[sflag:s13] =	ssyncadd.s32 $0xFFFFD800  }
0x4b: {  	_ =	swait.ge [sflag:s13], $0x2800  }
0x4c: {  	[sflag:s13] =	ssyncset.done $0x0  }
0x4d: {  	[sflag:s13] =	ssyncadd.s32 $0xFFFFD800  }
0x4e: {  	s14 =	sadd.s32 $0x1, s14;
	_ =	swait.ge [sflag:s13], $0x2800  }
0x4f: {  	p0 =	sne.s32 s14, s5;
	[sflag:s13] =	ssyncset.done $0x0  }
.Ltmp1:
0x50: {  	s15 =	sadd.s32 s15, s6;
	[sflag:s13] =	ssyncadd.s32 $0xFFFFD800;
	(pc) =	sbr.rel @p0 .LBB2_1-.Ltmp1, $4  }
0x51: {  	[hbm4b:s15+s2] =	stream.linear.scatter [tilespmem:s9], [sflag:$0x2], $0xA000, $0x38;
	[tilespmem:$0xC000] =	vst v63  }
0x52: {  	_ =	swait.ge [sflag:s7], $0xA000  }
0x53: {  	[sflag:s7] =	ssyncset.done $0x0  }
0x54: {  	[sflag:s7] =	ssyncadd.s32 $0xFFFF6000  }
0x55: {  	_ =	sfence.sel $0x180000  }
0x56: {  	[bflag:$0x0] =	sbarrier.arrive $0xFFFF  }
0x57: {  	p0 =	sne.s32 s1, $0x0;
	_ =	strace $0x90000047  }
0x58: {  	s0 =	sadd.s32 @!p0 $0x100000, s0;
	[bflag:$0x2] =	sbarrier.arrive $0xFFFF  }
0x59: {  	[sflag:s0] =	ssyncadd.tile.s32 @!p0 $0x1;
	_ =	shalt  }
.Lfunc_end2:
_tile_overlayer_lowered:
.L_overlay_start_2:
0x5a: {  	(tag) =	ssettag $0x2  }
0x5b: {  	s0 =	rddreg [dreg:$0x0];
	s2 =	stileid.u32  }
0x5c: {  	s1 =	rddreg [dreg:$0x1];
	p0 =	sne.s32 s2, $0x0  }
0x5d: {  	s3 =	rddreg [dreg:$0x2];
	[bflag:$0x3] =	sbarrier.arrive $0xFFFF;
	s2 =	simm.s32 @!p0 $0x1C02  }
0x5e: {  	[timem:s3], [sflag:s2] =	dma.local @!p0 [hbm:s0], s1  }
0x5f: {  	s0 =	simm.s32 @!p0 $0x2  }
0x60: {  	_ =	swait.ge @!p0 [sflag:s0], s1  }
0x61: {  	s1 =	ssub.s32 @!p0 $0x0, s1;
	[sflag:s0] =	ssyncset.done @!p0 $0x0  }
0x62: {  	[sflag:s0] =	ssyncadd.s32 @!p0 s1  }
0x63: {  	[bflag:$0x3] =	sbarrier.arrive $0xFFFF  }
0x64: {  	_ =	shalt  }

// kernel: kernel.19.cloned.1.call-start
scs
__scs_entry_jumppad:
0x0: {  	(pc) =	sbr.rel $0x88, $3  }
0x1: {  	(tag) =	ssettag $0x0;
	lr =	simm.s32 $0x1  }
0x2: {  	[smem:$0x3F7C] =	sst lr;
	_ =	strace $0xD0000000  }
0x3: {  	_ = 	snop  }
0x4: {  	_ = 	snop  }
0x5: {  	_ = 	snop  }
0x6: {  	_ = 	snop  }
0x7: {  	_ = 	snop  }
__scs_overlays_trampoline_lowered:
0x8: {  	[smem:$0x3F8B] =	sst s0  }
0x9: {  	[smem:$0x3F8C] =	sst s1  }
0xa: {  	[smem:$0x3F8D] =	sst s2  }
0xb: {  	[smem:$0x3F8E] =	sst s3  }
0xc: {  	[smem:$0x3F8F] =	sst s4  }
0xd: {  	[smem:$0x3F90] =	sst s5  }
0xe: {  	[smem:$0x3F91] =	sst s6  }
0xf: {  	[smem:$0x3F92] =	sst s7  }
0x10: {  	[smem:$0x3F93] =	sst s8  }
0x11: {  	[smem:$0x3F94] =	sst s9;
	s0 =	simm.s32 @!p0 $0x0  }
0x12: {  	s1 =	sld [smem:$0x3F7A];
	s0 =	simm.s32 @p0 $0x1  }
0x13: {  	[smem:$0x3F95] =	sst s0;
	s0 =	simm.s32 @!p1 $0x0  }
0x14: {  	s2 =	sld [smem:$0x3F79];
	s0 =	simm.s32 @p1 $0x1  }
0x15: {  	[smem:$0x3F96] =	sst s0;
	s0 =	simm.s32 @!p2 $0x0  }
0x16: {  	s3 =	sld [smem:$0x3FDB];
	s0 =	simm.s32 @p2 $0x1  }
0x17: {  	s4 =	simm.s32 $0x1BF5;
	[smem:$0x3F98] =	sst s0  }
0x18: {  	s0 =	sld [smem:$0x3F7B];
	_ =	swait.ge [sflag:s4], $0x0  }
0x19: {  	s7 =	sld [smem:$0x3F7C]  }
0x1a: {  	s8 =	sadd.s32 $0xFFFFE003, lr  }
0x1b: {  	s9 =	sadd.s32 $0xFFFFFEF7, lr;
	s5 =	simm.s32 $0xFFFFFFFF;
	p2 =	slt.u32 s8, $0xFFFFF086  }
0x1c: {  	p1 =	slt.u32 s9, $0xF7A;
	s5 =	simm.s32 @!p2 $0x0  }
0x1d: {  	s5 =	simm.s32 @p1 $0x1;
	p0 =	seq.s32 s7, s2  }
0x1e: {  	s7 =	smul.u32 @!p0 $0xF7A, s2;
	p2 =	seq.s32 @!p0 s5, $0x0  }
0x1f: {  	s9 =	smul.u32 $0xF7A, s1;
	s8 =	simm.s32 @!p0 $0x1BF5;
	p2 =	por !p2, p0  }
0x20: {  	[sflag:s8] =	ssyncset.s32 @!p0 $0xFFFFF086;
	s6 =	sadd.s32 @!p0 s3, s7;
	s7 =	simm.s32 @!p0 $0x108  }
0x21: {  	s3 =	sadd.s32 s3, s9;
	s6 =	sadd.s32 @!p0 $0x88, s6;
	s7 =	simm.s32 @p2 $0x1082  }
0x22: {  	[simem:s7], [sflag:s8] =	dma.local @!p0 [hbm:s6], $0xF7A  }
0x23: {  	s9 =	sor.u32 $0xD0000000, s2;
	s6 =	simm.s32 $0x108;
	_ =	swait.ge @!p0 [sflag:s8], $0x0  }
0x24: {  	s3 =	sadd.s32 $0x88, s3;
	s6 =	simm.s32 @!p1 $0x1082;
	[sflag:s4] =	ssyncset.s32 $0xFFFFF086  }
0x25: {  	[simem:s6], [sflag:s4] =	dma.local [hbm:s3], $0xF7A  }
0x26: {  	[smem:$0x3F7C] =	sst s1;
	(tag) =	ssettag s2;
	_ =	strace s9  }
0x27: {  	s1 =	sld [smem:$0x3F8C]  }
0x28: {  	s2 =	sld [smem:$0x3F8D]  }
0x29: {  	s4 =	sld [smem:$0x3F8F]  }
0x2a: {  	p0 =	seq.s32 s5, $0x0;
	s5 =	sld [smem:$0x3F90]  }
0x2b: {  	s6 =	sld [smem:$0x3F91]  }
0x2c: {  	s7 =	sld [smem:$0x3F92]  }
0x2d: {  	s3 =	simm.s32 $0x108;
	s8 =	sld [smem:$0x3F93]  }
0x2e: {  	s3 =	simm.s32 @!p0 $0x1082;
	s9 =	sld [smem:$0x3F94]  }
0x2f: {  	lr =	sadd.s32 s0, s3;
	s0 =	sld [smem:$0x3F8B]  }
0x30: {  	s3 =	sld [smem:$0x3F8E]  }
0x31: {  	[smem:$0x3F97] =	sst s10  }
0x32: {  	s10 =	sld [smem:$0x3F95];
	_ =	sdelay $0x3  }
0x33: {  	p0 =	seq.s32 s10, $0x1;
	s10 =	sld [smem:$0x3F97];
	_ =	sdelay $0x3  }
0x34: {  	[smem:$0x3F97] =	sst s10  }
0x35: {  	s10 =	sld [smem:$0x3F96];
	_ =	sdelay $0x3  }
0x36: {  	p1 =	seq.s32 s10, $0x1;
	s10 =	sld [smem:$0x3F97];
	_ =	sdelay $0x3  }
0x37: {  	[smem:$0x3F97] =	sst s10  }
0x38: {  	s10 =	sld [smem:$0x3F98]  }
0x39: {  	_ = 	snop;
	(pc) =	sbr.ind lr, $3  }
0x3a: {  	_ = 	snop  }
0x3b: {  	_ = 	snop  }
0x3c: {  	p2 =	seq.s32 s10, $0x1;
	s10 =	sld [smem:$0x3F97]  }
0x3d: {  	_ =	shalt  }
0x3e: {  	_ =	shalt  }
0x3f: {  	_ =	shalt  }
0x40: {  	_ =	shalt  }
0x41: {  	_ =	shalt  }
0x42: {  	_ =	shalt  }
0x43: {  	_ =	shalt  }
0x44: {  	_ =	shalt  }
0x45: {  	_ =	shalt  }
0x46: {  	_ =	shalt  }
0x47: {  	_ =	shalt  }
0x48: {  	_ =	shalt  }
0x49: {  	_ =	shalt  }
0x4a: {  	_ =	shalt  }
0x4b: {  	_ =	shalt  }
0x4c: {  	_ =	shalt  }
0x4d: {  	_ =	shalt  }
0x4e: {  	_ =	shalt  }
0x4f: {  	_ =	shalt  }
0x50: {  	_ =	shalt  }
0x51: {  	_ =	shalt  }
0x52: {  	_ =	shalt  }
0x53: {  	_ =	shalt  }
0x54: {  	_ =	shalt  }
0x55: {  	_ =	shalt  }
0x56: {  	_ =	shalt  }
0x57: {  	_ =	shalt  }
0x58: {  	_ =	shalt  }
0x59: {  	_ =	shalt  }
0x5a: {  	_ =	shalt  }
0x5b: {  	_ =	shalt  }
0x5c: {  	_ =	shalt  }
0x5d: {  	_ =	shalt  }
0x5e: {  	_ =	shalt  }
0x5f: {  	_ =	shalt  }
0x60: {  	_ =	shalt  }
0x61: {  	_ =	shalt  }
0x62: {  	_ =	shalt  }
0x63: {  	_ =	shalt  }
0x64: {  	_ =	shalt  }
0x65: {  	_ =	shalt  }
0x66: {  	_ =	shalt  }
0x67: {  	_ =	shalt  }
0x68: {  	_ =	shalt  }
0x69: {  	_ =	shalt  }
0x6a: {  	_ =	shalt  }
0x6b: {  	_ =	shalt  }
0x6c: {  	_ =	shalt  }
0x6d: {  	_ =	shalt  }
0x6e: {  	_ =	shalt  }
0x6f: {  	_ =	shalt  }
0x70: {  	_ =	shalt  }
0x71: {  	_ =	shalt  }
0x72: {  	_ =	shalt  }
0x73: {  	_ =	shalt  }
0x74: {  	_ =	shalt  }
0x75: {  	_ =	shalt  }
0x76: {  	_ =	shalt  }
0x77: {  	_ =	shalt  }
0x78: {  	_ =	shalt  }
0x79: {  	_ =	shalt  }
0x7a: {  	_ =	shalt  }
0x7b: {  	_ =	shalt  }
0x7c: {  	_ =	shalt  }
0x7d: {  	_ =	shalt  }
0x7e: {  	_ =	shalt  }
0x7f: {  	_ =	shalt  }
0x80: {  	_ =	shalt  }
0x81: {  	_ =	shalt  }
0x82: {  	_ =	shalt  }
0x83: {  	_ =	shalt  }
0x84: {  	_ =	shalt  }
0x85: {  	_ =	shalt  }
0x86: {  	_ =	shalt  }
0x87: {  	_ =	shalt  }
.Lfunc_end0:
.L_simem_size_0:
called_computation.1_lowered:
.L_overlay_start_0:
0x88: {  	s2 =	sld [smem:$0x3FD9]  }
0x89: {  	s3 =	sld [smem:$0x3FFE];
	_ =	sdelay $0x1  }
0x8a: {  	s1 =	srdreg.scid  }
0x8b: {  	s0 =	sand.u32 $0x1, s1  }
0x8c: {  	s16 =	sshll.u32 s0, $0xA;
	s2 =	sadd.s32 s3, s2  }
0x8d: {  	s2 =	sadd.s32 s2, s16  }
0x8e: {  	[smem:$0x3FA3] =	sst s2  }
0x8f: {  	_ = 	snop  }
0x90: {  	(tm) =	ssettm $0x1  }
0x91: {  	s17 =	sld [smem:$0x3FFB];
	_ =	sdelay $0x3  }
0x92: {  	_ =	strace s17  }
0x93: {  	s2 =	sld [smem:$0x3FFC];
	_ =	sdelay $0x3  }
0x94: {  	_ =	strace s2  }
0x95: {  	s2 =	sld [smem:$0x3FFD];
	_ =	sdelay $0x3  }
0x96: {  	_ =	strace s2  }
0x97: {  	_ =	strace $0x8FFFFFFF  }
0x98: {  	s18 =	sld [smem:$0x3FDB];
	_ =	sdelay $0x1  }
0x99: {  	s19 =	simm.s32 $_scs_section_size  }
0x9a: {  	s4 =	simm.s32 $_size__tile_overlayer_lowered;
	s5 =	simm.s32 $_tile_overlayer_lowered  }
0x9b: {  	s22 =	simm.s32 $0x1BFF;
	s21 =	sshll.u32 s5, $0x1;
	s2 =	sadd.s32 s19, s18  }
0x9c: {  	s6 =	simm.s32 $0x0;
	s20 =	sshll.u32 s4, $0x1;
	s4 =	sadd.s32 s21, s2  }
0x9d: {  	[timem:s6], [sflag:s22] =	dma.local [hbm:s4], s20  }
0x9e: {  	_ =	swait.ge [sflag:s22], s20  }
0x9f: {  	s3 =	ssub.s32 $0x0, s20;
	[sflag:s22] =	ssyncset.done $0x0  }
0xa0: {  	[sflag:s22] =	ssyncadd.s32 s3;
	_ =	sdelay $0x1  }
0xa1: {  	s23 =	simm.s32 $0x1B8B  }
0xa2: {  	_ =	swait.ge [sflag:s23], $0x1  }
0xa3: {  	[sflag:s23] =	ssyncset.done $0x0  }
0xa4: {  	s25 =	simm.s32 $0x1B8E;
	s24 =	sld [smem:$0x3FFE];
	[sflag:s23] =	ssyncadd.s32 $0xFFFFFFFF  }
0xa5: {  	s26 =	simm.s32 $execute0_lowered;
	[smem:$0x3FD2] =	sst s25  }
0xa6: {  	s4 =	sshll.u32 s26, $0x1;
	_ =	strace $0x80000049;
	[dreg:$0x1] =	wrdreg $0xFFFFFFFF  }
0xa7: {  	s28 =	simm.s32 $_size_execute0_lowered;
	s2 =	sadd.s32 s2, s4;
	[dreg:$0x0] =	wrdreg $0x0  }
0xa8: {  	s4 =	sshll.u32 s28, $0x1;
	[dreg:$0x2] =	wrdreg s2  }
0xa9: {  	[dreg:$0x3] =	wrdreg s4  }
0xaa: {  	[dreg:$0x4] =	wrdreg $0xC0  }
0xab: {  	_ =	task [dreg:s6], $0x5FFFF  }
0xac: {  	[dreg:$0x1] =	wrdreg $0xFFFFFFFF  }
0xad: {  	[dreg:$0x0] =	wrdreg $0x60  }
0xae: {  	[dreg:$0x2] =	wrdreg s24  }
0xaf: {  	[dreg:$0x3] =	wrdreg $0x9  }
0xb0: {  	_ =	task.clear_ibuf [dreg:s6], $0x4FFFF;
	_ =	strace $0x90000049  }
0xb1: {  	s29 =	simm.s32 $0x9;
	_ =	strace $0x8000004B  }
0xb2: {  	_ =	swait.ge [sflag:s29], $0x1  }
0xb3: {  	[sflag:s29] =	ssyncadd.s32 $0xFFFFFFFF  }
0xb4: {  	_ =	strace $0x9000004B  }
0xb5: {  	_ =	sfence  }
0xb6: {  	s30 =	sld [smem:$0x0];
	_ =	sdelay $0x2  }
0xb7: {  	s31 =	sshll.u32 s1, $0xD;
	s1 =	sshrl.u32 s1, $0x2  }
0xb8: {  	s3 =	sand.u32 $0x4000, s31;
	s1 =	sadd.s32 s1, s30  }
0xb9: {  	s0 =	sor.u32 s3, s0;
	s1 =	sshll.u32 s1, $0x11  }
0xba: {  	s0 =	sor.u32 s1, s0  }
0xbb: {  	s0 =	sadd.s32 $0x8F2B, s0  }
0xbc: {  	[sflag:s0] =	ssyncadd.remote.s32 $0x1  }
0xbd: {  	_ =	sfence.sel $0xFFFF  }
0xbe: {  	[dreg:$0x0] =	wrdreg $0xFFFFFFFF;
	(pc) =	sbr.abs _section_cstart, $3  }
0xbf: {  	[dreg:$0x1] =	wrdreg $0xFFFFFFFF  }
0xc0: {  	_ =	task.clear_ibuf [dreg:s6], $0x2FFFF;
	_ =	strace $0x9FFFFFFF  }
0xc1: {  	(tm) =	ssettm $0x7FFFFFFF  }
tec
execute0_lowered:
.L_overlay_start_1:
0x0: {  	(tag) =	ssettag $0x1  }
0x1: {  	s4 =	rddreg [dreg:$0x0]  }
0x2: {  	s0 =	rddreg [dreg:$0x1];
	s2 =	simm.s32 $0x0;
	s5 =	srdreg.scid  }
0x3: {  	s1 =	stileid.u32;
	s11 =	simm.s32 $0x7000;
	s12 =	simm.s32 $0x9800  }
0x4: {  	s13 =	simm.s32 $0x1;
	s14 =	simm.s32 $0x0;
	[smem:$0x7FF] =	sst s2  }
0x5: {  	s3 =	sadd.s32 $0x8800, s4;
	s5 =	sand.u32 $0x1, s5;
	s6 =	sshll.u32 s1, $0xB  }
0x6: {  	s8 =	smul.u32 $0x28000, s1;
	_ =	strace $0x8000004A;
	s7 =	sshll.u32 s5, $0xA  }
0x7: {  	s9 =	ssub.s32 $0x2, s5;
	s10 =	smul.u32 $0x14000, s5;
	s6 =	sor.u32 s7, s6  }
0x8: {  	s29 =	sshrl.u32 s9, $0x1;
	s31 =	sadd.s32 s8, s4;
	s8 =	simm.s32 $0x50  }
0x9: {  	s30 =	sadd.s32 s6, s4;
	s7 =	ssub.s32 s9, s29;
	s6 =	sadd.s32 s10, s31  }
0xa: {  	s9 =	simm.s32 $0x2000;
	s10 =	simm.s32 $0x4800;
	s4 =	sadd.s32 $0x48800, s30  }
0xb: {  	s5 =	smax.u32 s7, $0x1;
	s6 =	sadd.s32 $0x50800, s6;
	s7 =	simm.s32 $0x2  }
.LBB2_1:
0xc: {  	[tilespmem:s2], [sflag:$0x2] =	stream.linear.gather [hbm4b:s4+s2], $0x2000, $0x38;
	[tilespmem:$0xC000] =	vst v63  }
0xd: {  	_ =	swait.ge [sflag:s7], $0x2000  }
0xe: {  	[sflag:s7] =	ssyncset.done $0x0  }
0xf: {  	s15 =	simm.s32 $0x0;
	[sflag:s7] =	ssyncadd.s32 $0xFFFFE000  }
0x10: {  	[tilespmem:s9], [sflag:$0x1] =	stream.indirect.gather [hbm4b:s3+s8], $0x80, s15, s8, $0xb8;
	[tilespmem:$0xC000] =	vst v63  }
0x11: {  	s28 =	simm.s32 $0x80  }
0x12: {  	[tilespmem:s10], [sflag:$0x1] =	stream.indirect.gather [hbm4b:s3+s8], $0x80, s28, s8, $0xb8;
	[tilespmem:$0xC000] =	vst v63  }
0x13: {  	s29 =	simm.s32 $0x100  }
0x14: {  	[tilespmem:s11], [sflag:$0x1] =	stream.indirect.gather [hbm4b:s3+s8], $0x80, s29, s8, $0xb8;
	[tilespmem:$0xC000] =	vst v63  }
0x15: {  	s30 =	simm.s32 $0x180  }
0x16: {  	[tilespmem:s12], [sflag:$0x1] =	stream.indirect.gather [hbm4b:s3+s8], $0x80, s30, s8, $0xb8;
	[tilespmem:$0xC000] =	vst v63  }
0x17: {  	_ =	swait.ge [sflag:s13], $0x2800  }
0x18: {  	[sflag:s13] =	ssyncset.done $0x0  }
0x19: {  	[sflag:s13] =	ssyncadd.s32 $0xFFFFD800  }
0x1a: {  	_ =	swait.ge [sflag:s13], $0x2800  }
0x1b: {  	[sflag:s13] =	ssyncset.done $0x0  }
0x1c: {  	[sflag:s13] =	ssyncadd.s32 $0xFFFFD800  }
0x1d: {  	_ =	swait.ge [sflag:s13], $0x2800  }
0x1e: {  	[sflag:s13] =	ssyncset.done $0x0  }
0x1f: {  	[sflag:s13] =	ssyncadd.s32 $0xFFFFD800  }
0x20: {  	_ =	swait.ge [sflag:s13], $0x2800  }
0x21: {  	[sflag:s13] =	ssyncset.done $0x0  }
0x22: {  	s31 =	sadd.s32 $0x0, s6;
	[sflag:s13] =	ssyncadd.s32 $0xFFFFD800  }
0x23: {  	[hbm4b:s31+s2] =	stream.linear.scatter [tilespmem:s9], [sflag:$0x2], $0xA000, $0x38;
	[tilespmem:$0xC000] =	vst v63  }
0x24: {  	s17 =	simm.s32 $0x2800;
	_ =	swait.ge [sflag:s7], $0xA000  }
0x25: {  	s16 =	simm.s32 $0x380;
	s15 =	simm.s32 $0x1400;
	[sflag:s7] =	ssyncset.done $0x0  }
.LBB2_2:
0x26: {  	p0 =	sne.s32 s17, $0x12C00;
	s18 =	sadd.s32 $0xFFFFFE80, s16;
	[sflag:s7] =	ssyncadd.s32 $0xFFFF6000  }
0x27: {  	[tilespmem:s9], [sflag:$0x1] =	stream.indirect.gather [hbm4b:s3+s8], $0x80, s18, s8, $0xb8;
	[tilespmem:$0xC000] =	vst v63  }
0x28: {  	s19 =	smov.u32 s17;
	s17 =	sadd.s32 $0x1400, s17;
	s18 =	sadd.s32 $0xFFFFFF00, s16  }
0x29: {  	[tilespmem:s10], [sflag:$0x1] =	stream.indirect.gather [hbm4b:s3+s8], $0x80, s18, s8, $0xb8;
	[tilespmem:$0xC000] =	vst v63  }
0x2a: {  	s18 =	sadd.s32 $0xFFFFFF80, s16  }
0x2b: {  	[tilespmem:s11], [sflag:$0x1] =	stream.indirect.gather [hbm4b:s3+s8], $0x80, s18, s8, $0xb8;
	[tilespmem:$0xC000] =	vst v63  }
0x2c: {  	_ = 	snop  }
0x2d: {  	[tilespmem:s12], [sflag:$0x1] =	stream.indirect.gather [hbm4b:s3+s8], $0x80, s16, s8, $0xb8;
	[tilespmem:$0xC000] =	vst v63  }
0x2e: {  	_ =	swait.ge [sflag:s13], $0x2800  }
0x2f: {  	[sflag:s13] =	ssyncset.done $0x0  }
0x30: {  	[sflag:s13] =	ssyncadd.s32 $0xFFFFD800  }
0x31: {  	_ =	swait.ge [sflag:s13], $0x2800  }
0x32: {  	[sflag:s13] =	ssyncset.done $0x0  }
0x33: {  	[sflag:s13] =	ssyncadd.s32 $0xFFFFD800  }
0x34: {  	_ =	swait.ge [sflag:s13], $0x2800  }
0x35: {  	[sflag:s13] =	ssyncset.done $0x0  }
0x36: {  	[sflag:s13] =	ssyncadd.s32 $0xFFFFD800  }
0x37: {  	_ =	swait.ge [sflag:s13], $0x2800  }
.Ltmp0:
0x38: {  	[sflag:s13] =	ssyncset.done $0x0;
	(pc) =	sbr.rel @p0 .LBB2_2-.Ltmp0, $4  }
0x39: {  	s18 =	sadd.s32 s15, s6;
	s15 =	smov.u32 s19;
	[sflag:s13] =	ssyncadd.s32 $0xFFFFD800  }
0x3a: {  	[hbm4b:s18+s2] =	stream.linear.scatter [tilespmem:s9], [sflag:$0x2], $0xA000, $0x38;
	[tilespmem:$0xC000] =	vst v63  }
0x3b: {  	_ =	swait.ge [sflag:s7], $0xA000  }
0x3c: {  	s16 =	sadd.s32 $0x200, s16;
	[sflag:s7] =	ssyncset.done $0x0  }
0x3d: {  	s17 =	sadd.s32 $0xFFFFFE80, s16;
	[sflag:s7] =	ssyncadd.s32 $0xFFFF6000  }
0x3e: {  	[tilespmem:s9], [sflag:$0x1] =	stream.indirect.gather [hbm4b:s3+s8], $0x80, s17, s8, $0xb8;
	[tilespmem:$0xC000] =	vst v63  }
0x3f: {  	s30 =	sadd.s32 $0xFFFFFF00, s16  }
0x40: {  	[tilespmem:s10], [sflag:$0x1] =	stream.indirect.gather [hbm4b:s3+s8], $0x80, s30, s8, $0xb8;
	[tilespmem:$0xC000] =	vst v63  }
0x41: {  	s31 =	sadd.s32 $0xFFFFFF80, s16  }
0x42: {  	[tilespmem:s11], [sflag:$0x1] =	stream.indirect.gather [hbm4b:s3+s8], $0x80, s31, s8, $0xb8;
	[tilespmem:$0xC000] =	vst v63  }
0x43: {  	_ = 	snop  }
0x44: {  	[tilespmem:s12], [sflag:$0x1] =	stream.indirect.gather [hbm4b:s3+s8], $0x80, s16, s8, $0xb8;
	[tilespmem:$0xC000] =	vst v63  }
0x45: {  	_ =	swait.ge [sflag:s13], $0x2800  }
0x46: {  	[sflag:s13] =	ssyncset.done $0x0  }
0x47: {  	[sflag:s13] =	ssyncadd.s32 $0xFFFFD800  }
0x48: {  	_ =	swait.ge [sflag:s13], $0x2800  }
0x49: {  	[sflag:s13] =	ssyncset.done $0x0  }
0x4a: {  	[sflag:s13] =	ssyncadd.s32 $0xFFFFD800  }
0x4b: {  	_ =	swait.ge [sflag:s13], $0x2800  }
0x4c: {  	[sflag:s13] =	ssyncset.done $0x0  }
0x4d: {  	[sflag:s13] =	ssyncadd.s32 $0xFFFFD800  }
0x4e: {  	s14 =	sadd.s32 $0x1, s14;
	_ =	swait.ge [sflag:s13], $0x2800  }
0x4f: {  	p0 =	sne.s32 s14, s5;
	[sflag:s13] =	ssyncset.done $0x0  }
.Ltmp1:
0x50: {  	s15 =	sadd.s32 s15, s6;
	[sflag:s13] =	ssyncadd.s32 $0xFFFFD800;
	(pc) =	sbr.rel @p0 .LBB2_1-.Ltmp1, $4  }
0x51: {  	[hbm4b:s15+s2] =	stream.linear.scatter [tilespmem:s9], [sflag:$0x2], $0xA000, $0x38;
	[tilespmem:$0xC000] =	vst v63  }
0x52: {  	_ =	swait.ge [sflag:s7], $0xA000  }
0x53: {  	[sflag:s7] =	ssyncset.done $0x0  }
0x54: {  	[sflag:s7] =	ssyncadd.s32 $0xFFFF6000  }
0x55: {  	_ =	sfence.sel $0x180000  }
0x56: {  	[bflag:$0x0] =	sbarrier.arrive $0xFFFF  }
0x57: {  	p0 =	sne.s32 s1, $0x0;
	_ =	strace $0x9000004A  }
0x58: {  	s0 =	sadd.s32 @!p0 $0x100000, s0;
	[bflag:$0x2] =	sbarrier.arrive $0xFFFF  }
0x59: {  	[sflag:s0] =	ssyncadd.tile.s32 @!p0 $0x1;
	_ =	shalt  }
.Lfunc_end2:
_tile_overlayer_lowered:
.L_overlay_start_2:
0x5a: {  	(tag) =	ssettag $0x2  }
0x5b: {  	s0 =	rddreg [dreg:$0x0];
	s2 =	stileid.u32  }
0x5c: {  	s1 =	rddreg [dreg:$0x1];
	p0 =	sne.s32 s2, $0x0  }
0x5d: {  	s3 =	rddreg [dreg:$0x2];
	[bflag:$0x3] =	sbarrier.arrive $0xFFFF;
	s2 =	simm.s32 @!p0 $0x1C02  }
0x5e: {  	[timem:s3], [sflag:s2] =	dma.local @!p0 [hbm:s0], s1  }
0x5f: {  	s0 =	simm.s32 @!p0 $0x2  }
0x60: {  	_ =	swait.ge @!p0 [sflag:s0], s1  }
0x61: {  	s1 =	ssub.s32 @!p0 $0x0, s1;
	[sflag:s0] =	ssyncset.done @!p0 $0x0  }
0x62: {  	[sflag:s0] =	ssyncadd.s32 @!p0 s1  }
0x63: {  	[bflag:$0x3] =	sbarrier.arrive $0xFFFF  }
0x64: {  	_ =	shalt  }

// kernel: kernel.22.cloned.1.call-start
scs
__scs_entry_jumppad:
0x0: {  	(pc) =	sbr.rel $0x88, $3  }
0x1: {  	(tag) =	ssettag $0x0;
	lr =	simm.s32 $0x1  }
0x2: {  	[smem:$0x3F7C] =	sst lr;
	_ =	strace $0xD0000000  }
0x3: {  	_ = 	snop  }
0x4: {  	_ = 	snop  }
0x5: {  	_ = 	snop  }
0x6: {  	_ = 	snop  }
0x7: {  	_ = 	snop  }
__scs_overlays_trampoline_lowered:
0x8: {  	[smem:$0x3F8B] =	sst s0  }
0x9: {  	[smem:$0x3F8C] =	sst s1  }
0xa: {  	[smem:$0x3F8D] =	sst s2  }
0xb: {  	[smem:$0x3F8E] =	sst s3  }
0xc: {  	[smem:$0x3F8F] =	sst s4  }
0xd: {  	[smem:$0x3F90] =	sst s5  }
0xe: {  	[smem:$0x3F91] =	sst s6  }
0xf: {  	[smem:$0x3F92] =	sst s7  }
0x10: {  	[smem:$0x3F93] =	sst s8  }
0x11: {  	[smem:$0x3F94] =	sst s9;
	s0 =	simm.s32 @!p0 $0x0  }
0x12: {  	s1 =	sld [smem:$0x3F7A];
	s0 =	simm.s32 @p0 $0x1  }
0x13: {  	[smem:$0x3F95] =	sst s0;
	s0 =	simm.s32 @!p1 $0x0  }
0x14: {  	s2 =	sld [smem:$0x3F79];
	s0 =	simm.s32 @p1 $0x1  }
0x15: {  	[smem:$0x3F96] =	sst s0;
	s0 =	simm.s32 @!p2 $0x0  }
0x16: {  	s3 =	sld [smem:$0x3FDB];
	s0 =	simm.s32 @p2 $0x1  }
0x17: {  	s4 =	simm.s32 $0x1BF5;
	[smem:$0x3F98] =	sst s0  }
0x18: {  	s0 =	sld [smem:$0x3F7B];
	_ =	swait.ge [sflag:s4], $0x0  }
0x19: {  	s7 =	sld [smem:$0x3F7C]  }
0x1a: {  	s8 =	sadd.s32 $0xFFFFE003, lr  }
0x1b: {  	s9 =	sadd.s32 $0xFFFFFEF7, lr;
	s5 =	simm.s32 $0xFFFFFFFF;
	p2 =	slt.u32 s8, $0xFFFFF086  }
0x1c: {  	p1 =	slt.u32 s9, $0xF7A;
	s5 =	simm.s32 @!p2 $0x0  }
0x1d: {  	s5 =	simm.s32 @p1 $0x1;
	p0 =	seq.s32 s7, s2  }
0x1e: {  	s7 =	smul.u32 @!p0 $0xF7A, s2;
	p2 =	seq.s32 @!p0 s5, $0x0  }
0x1f: {  	s9 =	smul.u32 $0xF7A, s1;
	s8 =	simm.s32 @!p0 $0x1BF5;
	p2 =	por !p2, p0  }
0x20: {  	[sflag:s8] =	ssyncset.s32 @!p0 $0xFFFFF086;
	s6 =	sadd.s32 @!p0 s3, s7;
	s7 =	simm.s32 @!p0 $0x108  }
0x21: {  	s3 =	sadd.s32 s3, s9;
	s6 =	sadd.s32 @!p0 $0x88, s6;
	s7 =	simm.s32 @p2 $0x1082  }
0x22: {  	[simem:s7], [sflag:s8] =	dma.local @!p0 [hbm:s6], $0xF7A  }
0x23: {  	s9 =	sor.u32 $0xD0000000, s2;
	s6 =	simm.s32 $0x108;
	_ =	swait.ge @!p0 [sflag:s8], $0x0  }
0x24: {  	s3 =	sadd.s32 $0x88, s3;
	s6 =	simm.s32 @!p1 $0x1082;
	[sflag:s4] =	ssyncset.s32 $0xFFFFF086  }
0x25: {  	[simem:s6], [sflag:s4] =	dma.local [hbm:s3], $0xF7A  }
0x26: {  	[smem:$0x3F7C] =	sst s1;
	(tag) =	ssettag s2;
	_ =	strace s9  }
0x27: {  	s1 =	sld [smem:$0x3F8C]  }
0x28: {  	s2 =	sld [smem:$0x3F8D]  }
0x29: {  	s4 =	sld [smem:$0x3F8F]  }
0x2a: {  	p0 =	seq.s32 s5, $0x0;
	s5 =	sld [smem:$0x3F90]  }
0x2b: {  	s6 =	sld [smem:$0x3F91]  }
0x2c: {  	s7 =	sld [smem:$0x3F92]  }
0x2d: {  	s3 =	simm.s32 $0x108;
	s8 =	sld [smem:$0x3F93]  }
0x2e: {  	s3 =	simm.s32 @!p0 $0x1082;
	s9 =	sld [smem:$0x3F94]  }
0x2f: {  	lr =	sadd.s32 s0, s3;
	s0 =	sld [smem:$0x3F8B]  }
0x30: {  	s3 =	sld [smem:$0x3F8E]  }
0x31: {  	[smem:$0x3F97] =	sst s10  }
0x32: {  	s10 =	sld [smem:$0x3F95];
	_ =	sdelay $0x3  }
0x33: {  	p0 =	seq.s32 s10, $0x1;
	s10 =	sld [smem:$0x3F97];
	_ =	sdelay $0x3  }
0x34: {  	[smem:$0x3F97] =	sst s10  }
0x35: {  	s10 =	sld [smem:$0x3F96];
	_ =	sdelay $0x3  }
0x36: {  	p1 =	seq.s32 s10, $0x1;
	s10 =	sld [smem:$0x3F97];
	_ =	sdelay $0x3  }
0x37: {  	[smem:$0x3F97] =	sst s10  }
0x38: {  	s10 =	sld [smem:$0x3F98]  }
0x39: {  	_ = 	snop;
	(pc) =	sbr.ind lr, $3  }
0x3a: {  	_ = 	snop  }
0x3b: {  	_ = 	snop  }
0x3c: {  	p2 =	seq.s32 s10, $0x1;
	s10 =	sld [smem:$0x3F97]  }
0x3d: {  	_ =	shalt  }
0x3e: {  	_ =	shalt  }
0x3f: {  	_ =	shalt  }
0x40: {  	_ =	shalt  }
0x41: {  	_ =	shalt  }
0x42: {  	_ =	shalt  }
0x43: {  	_ =	shalt  }
0x44: {  	_ =	shalt  }
0x45: {  	_ =	shalt  }
0x46: {  	_ =	shalt  }
0x47: {  	_ =	shalt  }
0x48: {  	_ =	shalt  }
0x49: {  	_ =	shalt  }
0x4a: {  	_ =	shalt  }
0x4b: {  	_ =	shalt  }
0x4c: {  	_ =	shalt  }
0x4d: {  	_ =	shalt  }
0x4e: {  	_ =	shalt  }
0x4f: {  	_ =	shalt  }
0x50: {  	_ =	shalt  }
0x51: {  	_ =	shalt  }
0x52: {  	_ =	shalt  }
0x53: {  	_ =	shalt  }
0x54: {  	_ =	shalt  }
0x55: {  	_ =	shalt  }
0x56: {  	_ =	shalt  }
0x57: {  	_ =	shalt  }
0x58: {  	_ =	shalt  }
0x59: {  	_ =	shalt  }
0x5a: {  	_ =	shalt  }
0x5b: {  	_ =	shalt  }
0x5c: {  	_ =	shalt  }
0x5d: {  	_ =	shalt  }
0x5e: {  	_ =	shalt  }
0x5f: {  	_ =	shalt  }
0x60: {  	_ =	shalt  }
0x61: {  	_ =	shalt  }
0x62: {  	_ =	shalt  }
0x63: {  	_ =	shalt  }
0x64: {  	_ =	shalt  }
0x65: {  	_ =	shalt  }
0x66: {  	_ =	shalt  }
0x67: {  	_ =	shalt  }
0x68: {  	_ =	shalt  }
0x69: {  	_ =	shalt  }
0x6a: {  	_ =	shalt  }
0x6b: {  	_ =	shalt  }
0x6c: {  	_ =	shalt  }
0x6d: {  	_ =	shalt  }
0x6e: {  	_ =	shalt  }
0x6f: {  	_ =	shalt  }
0x70: {  	_ =	shalt  }
0x71: {  	_ =	shalt  }
0x72: {  	_ =	shalt  }
0x73: {  	_ =	shalt  }
0x74: {  	_ =	shalt  }
0x75: {  	_ =	shalt  }
0x76: {  	_ =	shalt  }
0x77: {  	_ =	shalt  }
0x78: {  	_ =	shalt  }
0x79: {  	_ =	shalt  }
0x7a: {  	_ =	shalt  }
0x7b: {  	_ =	shalt  }
0x7c: {  	_ =	shalt  }
0x7d: {  	_ =	shalt  }
0x7e: {  	_ =	shalt  }
0x7f: {  	_ =	shalt  }
0x80: {  	_ =	shalt  }
0x81: {  	_ =	shalt  }
0x82: {  	_ =	shalt  }
0x83: {  	_ =	shalt  }
0x84: {  	_ =	shalt  }
0x85: {  	_ =	shalt  }
0x86: {  	_ =	shalt  }
0x87: {  	_ =	shalt  }
.Lfunc_end0:
.L_simem_size_0:
called_computation.2_lowered:
.L_overlay_start_0:
0x88: {  	s2 =	sld [smem:$0x3FD9]  }
0x89: {  	s3 =	sld [smem:$0x3FFE];
	_ =	sdelay $0x1  }
0x8a: {  	s1 =	srdreg.scid  }
0x8b: {  	s0 =	sand.u32 $0x1, s1  }
0x8c: {  	s16 =	sshll.u32 s0, $0xA;
	s2 =	sadd.s32 s3, s2  }
0x8d: {  	s2 =	sadd.s32 s2, s16  }
0x8e: {  	[smem:$0x3FA3] =	sst s2  }
0x8f: {  	_ = 	snop  }
0x90: {  	(tm) =	ssettm $0x1  }
0x91: {  	s17 =	sld [smem:$0x3FFB];
	_ =	sdelay $0x3  }
0x92: {  	_ =	strace s17  }
0x93: {  	s2 =	sld [smem:$0x3FFC];
	_ =	sdelay $0x3  }
0x94: {  	_ =	strace s2  }
0x95: {  	s2 =	sld [smem:$0x3FFD];
	_ =	sdelay $0x3  }
0x96: {  	_ =	strace s2  }
0x97: {  	_ =	strace $0x8FFFFFFF  }
0x98: {  	s18 =	sld [smem:$0x3FDB];
	_ =	sdelay $0x1  }
0x99: {  	s19 =	simm.s32 $_scs_section_size  }
0x9a: {  	s4 =	simm.s32 $_size__tile_overlayer_lowered;
	s5 =	simm.s32 $_tile_overlayer_lowered  }
0x9b: {  	s22 =	simm.s32 $0x1BFF;
	s21 =	sshll.u32 s5, $0x1;
	s2 =	sadd.s32 s19, s18  }
0x9c: {  	s6 =	simm.s32 $0x0;
	s20 =	sshll.u32 s4, $0x1;
	s4 =	sadd.s32 s21, s2  }
0x9d: {  	[timem:s6], [sflag:s22] =	dma.local [hbm:s4], s20  }
0x9e: {  	_ =	swait.ge [sflag:s22], s20  }
0x9f: {  	s3 =	ssub.s32 $0x0, s20;
	[sflag:s22] =	ssyncset.done $0x0  }
0xa0: {  	[sflag:s22] =	ssyncadd.s32 s3;
	_ =	sdelay $0x1  }
0xa1: {  	s23 =	simm.s32 $0x1B8B  }
0xa2: {  	_ =	swait.ge [sflag:s23], $0x1  }
0xa3: {  	[sflag:s23] =	ssyncset.done $0x0  }
0xa4: {  	s25 =	simm.s32 $0x1B8E;
	s24 =	sld [smem:$0x3FFE];
	[sflag:s23] =	ssyncadd.s32 $0xFFFFFFFF  }
0xa5: {  	s26 =	simm.s32 $execute0_lowered;
	[smem:$0x3FD2] =	sst s25  }
0xa6: {  	s4 =	sshll.u32 s26, $0x1;
	_ =	strace $0x8000004C;
	[dreg:$0x1] =	wrdreg $0xFFFFFFFF  }
0xa7: {  	s28 =	simm.s32 $_size_execute0_lowered;
	s2 =	sadd.s32 s2, s4;
	[dreg:$0x0] =	wrdreg $0x0  }
0xa8: {  	s4 =	sshll.u32 s28, $0x1;
	[dreg:$0x2] =	wrdreg s2  }
0xa9: {  	[dreg:$0x3] =	wrdreg s4  }
0xaa: {  	[dreg:$0x4] =	wrdreg $0xC0  }
0xab: {  	_ =	task [dreg:s6], $0x5FFFF  }
0xac: {  	[dreg:$0x1] =	wrdreg $0xFFFFFFFF  }
0xad: {  	[dreg:$0x0] =	wrdreg $0x60  }
0xae: {  	[dreg:$0x2] =	wrdreg s24  }
0xaf: {  	[dreg:$0x3] =	wrdreg $0x9  }
0xb0: {  	_ =	task.clear_ibuf [dreg:s6], $0x4FFFF;
	_ =	strace $0x9000004C  }
0xb1: {  	s29 =	simm.s32 $0x9;
	_ =	strace $0x8000004E  }
0xb2: {  	_ =	swait.ge [sflag:s29], $0x1  }
0xb3: {  	[sflag:s29] =	ssyncadd.s32 $0xFFFFFFFF  }
0xb4: {  	_ =	strace $0x9000004E  }
0xb5: {  	_ =	sfence  }
0xb6: {  	s30 =	sld [smem:$0x0];
	_ =	sdelay $0x2  }
0xb7: {  	s31 =	sshll.u32 s1, $0xD;
	s1 =	sshrl.u32 s1, $0x2  }
0xb8: {  	s3 =	sand.u32 $0x4000, s31;
	s1 =	sadd.s32 s1, s30  }
0xb9: {  	s0 =	sor.u32 s3, s0;
	s1 =	sshll.u32 s1, $0x11  }
0xba: {  	s0 =	sor.u32 s1, s0  }
0xbb: {  	s0 =	sadd.s32 $0x8F2B, s0  }
0xbc: {  	[sflag:s0] =	ssyncadd.remote.s32 $0x1  }
0xbd: {  	_ =	sfence.sel $0xFFFF  }
0xbe: {  	[dreg:$0x0] =	wrdreg $0xFFFFFFFF;
	(pc) =	sbr.abs _section_cstart, $3  }
0xbf: {  	[dreg:$0x1] =	wrdreg $0xFFFFFFFF  }
0xc0: {  	_ =	task.clear_ibuf [dreg:s6], $0x2FFFF;
	_ =	strace $0x9FFFFFFF  }
0xc1: {  	(tm) =	ssettm $0x7FFFFFFF  }
tec
execute0_lowered:
.L_overlay_start_1:
0x0: {  	(tag) =	ssettag $0x1  }
0x1: {  	s4 =	rddreg [dreg:$0x0]  }
0x2: {  	s0 =	rddreg [dreg:$0x1];
	s2 =	simm.s32 $0x0;
	s5 =	srdreg.scid  }
0x3: {  	s1 =	stileid.u32;
	s11 =	simm.s32 $0x7000;
	s12 =	simm.s32 $0x9800  }
0x4: {  	s13 =	simm.s32 $0x1;
	s14 =	simm.s32 $0x0;
	[smem:$0x7FF] =	sst s2  }
0x5: {  	s3 =	sadd.s32 $0x8800, s4;
	s5 =	sand.u32 $0x1, s5;
	s6 =	sshll.u32 s1, $0xB  }
0x6: {  	s8 =	smul.u32 $0x28000, s1;
	_ =	strace $0x8000004D;
	s7 =	sshll.u32 s5, $0xA  }
0x7: {  	s9 =	ssub.s32 $0x2, s5;
	s10 =	smul.u32 $0x14000, s5;
	s6 =	sor.u32 s7, s6  }
0x8: {  	s29 =	sshrl.u32 s9, $0x1;
	s31 =	sadd.s32 s8, s4;
	s8 =	simm.s32 $0x50  }
0x9: {  	s30 =	sadd.s32 s6, s4;
	s7 =	ssub.s32 s9, s29;
	s6 =	sadd.s32 s10, s31  }
0xa: {  	s9 =	simm.s32 $0x2000;
	s10 =	simm.s32 $0x4800;
	s4 =	sadd.s32 $0x68800, s30  }
0xb: {  	s5 =	smax.u32 s7, $0x1;
	s6 =	sadd.s32 $0x70800, s6;
	s7 =	simm.s32 $0x2  }
.LBB2_1:
0xc: {  	[tilespmem:s2], [sflag:$0x2] =	stream.linear.gather [hbm4b:s4+s2], $0x2000, $0x38;
	[tilespmem:$0xC000] =	vst v63  }
0xd: {  	_ =	swait.ge [sflag:s7], $0x2000  }
0xe: {  	[sflag:s7] =	ssyncset.done $0x0  }
0xf: {  	s15 =	simm.s32 $0x0;
	[sflag:s7] =	ssyncadd.s32 $0xFFFFE000  }
0x10: {  	[tilespmem:s9], [sflag:$0x1] =	stream.indirect.gather [hbm4b:s3+s8], $0x80, s15, s8, $0xb8;
	[tilespmem:$0xC000] =	vst v63  }
0x11: {  	s28 =	simm.s32 $0x80  }
0x12: {  	[tilespmem:s10], [sflag:$0x1] =	stream.indirect.gather [hbm4b:s3+s8], $0x80, s28, s8, $0xb8;
	[tilespmem:$0xC000] =	vst v63  }
0x13: {  	s29 =	simm.s32 $0x100  }
0x14: {  	[tilespmem:s11], [sflag:$0x1] =	stream.indirect.gather [hbm4b:s3+s8], $0x80, s29, s8, $0xb8;
	[tilespmem:$0xC000] =	vst v63  }
0x15: {  	s30 =	simm.s32 $0x180  }
0x16: {  	[tilespmem:s12], [sflag:$0x1] =	stream.indirect.gather [hbm4b:s3+s8], $0x80, s30, s8, $0xb8;
	[tilespmem:$0xC000] =	vst v63  }
0x17: {  	_ =	swait.ge [sflag:s13], $0x2800  }
0x18: {  	[sflag:s13] =	ssyncset.done $0x0  }
0x19: {  	[sflag:s13] =	ssyncadd.s32 $0xFFFFD800  }
0x1a: {  	_ =	swait.ge [sflag:s13], $0x2800  }
0x1b: {  	[sflag:s13] =	ssyncset.done $0x0  }
0x1c: {  	[sflag:s13] =	ssyncadd.s32 $0xFFFFD800  }
0x1d: {  	_ =	swait.ge [sflag:s13], $0x2800  }
0x1e: {  	[sflag:s13] =	ssyncset.done $0x0  }
0x1f: {  	[sflag:s13] =	ssyncadd.s32 $0xFFFFD800  }
0x20: {  	_ =	swait.ge [sflag:s13], $0x2800  }
0x21: {  	[sflag:s13] =	ssyncset.done $0x0  }
0x22: {  	s31 =	sadd.s32 $0x0, s6;
	[sflag:s13] =	ssyncadd.s32 $0xFFFFD800  }
0x23: {  	[hbm4b:s31+s2] =	stream.linear.scatter [tilespmem:s9], [sflag:$0x2], $0xA000, $0x38;
	[tilespmem:$0xC000] =	vst v63  }
0x24: {  	s17 =	simm.s32 $0x2800;
	_ =	swait.ge [sflag:s7], $0xA000  }
0x25: {  	s16 =	simm.s32 $0x380;
	s15 =	simm.s32 $0x1400;
	[sflag:s7] =	ssyncset.done $0x0  }
.LBB2_2:
0x26: {  	p0 =	sne.s32 s17, $0x12C00;
	s18 =	sadd.s32 $0xFFFFFE80, s16;
	[sflag:s7] =	ssyncadd.s32 $0xFFFF6000  }
0x27: {  	[tilespmem:s9], [sflag:$0x1] =	stream.indirect.gather [hbm4b:s3+s8], $0x80, s18, s8, $0xb8;
	[tilespmem:$0xC000] =	vst v63  }
0x28: {  	s19 =	smov.u32 s17;
	s17 =	sadd.s32 $0x1400, s17;
	s18 =	sadd.s32 $0xFFFFFF00, s16  }
0x29: {  	[tilespmem:s10], [sflag:$0x1] =	stream.indirect.gather [hbm4b:s3+s8], $0x80, s18, s8, $0xb8;
	[tilespmem:$0xC000] =	vst v63  }
0x2a: {  	s18 =	sadd.s32 $0xFFFFFF80, s16  }
0x2b: {  	[tilespmem:s11], [sflag:$0x1] =	stream.indirect.gather [hbm4b:s3+s8], $0x80, s18, s8, $0xb8;
	[tilespmem:$0xC000] =	vst v63  }
0x2c: {  	_ = 	snop  }
0x2d: {  	[tilespmem:s12], [sflag:$0x1] =	stream.indirect.gather [hbm4b:s3+s8], $0x80, s16, s8, $0xb8;
	[tilespmem:$0xC000] =	vst v63  }
0x2e: {  	_ =	swait.ge [sflag:s13], $0x2800  }
0x2f: {  	[sflag:s13] =	ssyncset.done $0x0  }
0x30: {  	[sflag:s13] =	ssyncadd.s32 $0xFFFFD800  }
0x31: {  	_ =	swait.ge [sflag:s13], $0x2800  }
0x32: {  	[sflag:s13] =	ssyncset.done $0x0  }
0x33: {  	[sflag:s13] =	ssyncadd.s32 $0xFFFFD800  }
0x34: {  	_ =	swait.ge [sflag:s13], $0x2800  }
0x35: {  	[sflag:s13] =	ssyncset.done $0x0  }
0x36: {  	[sflag:s13] =	ssyncadd.s32 $0xFFFFD800  }
0x37: {  	_ =	swait.ge [sflag:s13], $0x2800  }
.Ltmp0:
0x38: {  	[sflag:s13] =	ssyncset.done $0x0;
	(pc) =	sbr.rel @p0 .LBB2_2-.Ltmp0, $4  }
0x39: {  	s18 =	sadd.s32 s15, s6;
	s15 =	smov.u32 s19;
	[sflag:s13] =	ssyncadd.s32 $0xFFFFD800  }
0x3a: {  	[hbm4b:s18+s2] =	stream.linear.scatter [tilespmem:s9], [sflag:$0x2], $0xA000, $0x38;
	[tilespmem:$0xC000] =	vst v63  }
0x3b: {  	_ =	swait.ge [sflag:s7], $0xA000  }
0x3c: {  	s16 =	sadd.s32 $0x200, s16;
	[sflag:s7] =	ssyncset.done $0x0  }
0x3d: {  	s17 =	sadd.s32 $0xFFFFFE80, s16;
	[sflag:s7] =	ssyncadd.s32 $0xFFFF6000  }
0x3e: {  	[tilespmem:s9], [sflag:$0x1] =	stream.indirect.gather [hbm4b:s3+s8], $0x80, s17, s8, $0xb8;
	[tilespmem:$0xC000] =	vst v63  }
0x3f: {  	s30 =	sadd.s32 $0xFFFFFF00, s16  }
0x40: {  	[tilespmem:s10], [sflag:$0x1] =	stream.indirect.gather [hbm4b:s3+s8], $0x80, s30, s8, $0xb8;
	[tilespmem:$0xC000] =	vst v63  }
0x41: {  	s31 =	sadd.s32 $0xFFFFFF80, s16  }
0x42: {  	[tilespmem:s11], [sflag:$0x1] =	stream.indirect.gather [hbm4b:s3+s8], $0x80, s31, s8, $0xb8;
	[tilespmem:$0xC000] =	vst v63  }
0x43: {  	_ = 	snop  }
0x44: {  	[tilespmem:s12], [sflag:$0x1] =	stream.indirect.gather [hbm4b:s3+s8], $0x80, s16, s8, $0xb8;
	[tilespmem:$0xC000] =	vst v63  }
0x45: {  	_ =	swait.ge [sflag:s13], $0x2800  }
0x46: {  	[sflag:s13] =	ssyncset.done $0x0  }
0x47: {  	[sflag:s13] =	ssyncadd.s32 $0xFFFFD800  }
0x48: {  	_ =	swait.ge [sflag:s13], $0x2800  }
0x49: {  	[sflag:s13] =	ssyncset.done $0x0  }
0x4a: {  	[sflag:s13] =	ssyncadd.s32 $0xFFFFD800  }
0x4b: {  	_ =	swait.ge [sflag:s13], $0x2800  }
0x4c: {  	[sflag:s13] =	ssyncset.done $0x0  }
0x4d: {  	[sflag:s13] =	ssyncadd.s32 $0xFFFFD800  }
0x4e: {  	s14 =	sadd.s32 $0x1, s14;
	_ =	swait.ge [sflag:s13], $0x2800  }
0x4f: {  	p0 =	sne.s32 s14, s5;
	[sflag:s13] =	ssyncset.done $0x0  }
.Ltmp1:
0x50: {  	s15 =	sadd.s32 s15, s6;
	[sflag:s13] =	ssyncadd.s32 $0xFFFFD800;
	(pc) =	sbr.rel @p0 .LBB2_1-.Ltmp1, $4  }
0x51: {  	[hbm4b:s15+s2] =	stream.linear.scatter [tilespmem:s9], [sflag:$0x2], $0xA000, $0x38;
	[tilespmem:$0xC000] =	vst v63  }
0x52: {  	_ =	swait.ge [sflag:s7], $0xA000  }
0x53: {  	[sflag:s7] =	ssyncset.done $0x0  }
0x54: {  	[sflag:s7] =	ssyncadd.s32 $0xFFFF6000  }
0x55: {  	_ =	sfence.sel $0x180000  }
0x56: {  	[bflag:$0x0] =	sbarrier.arrive $0xFFFF  }
0x57: {  	p0 =	sne.s32 s1, $0x0;
	_ =	strace $0x9000004D  }
0x58: {  	s0 =	sadd.s32 @!p0 $0x100000, s0;
	[bflag:$0x2] =	sbarrier.arrive $0xFFFF  }
0x59: {  	[sflag:s0] =	ssyncadd.tile.s32 @!p0 $0x1;
	_ =	shalt  }
.Lfunc_end2:
_tile_overlayer_lowered:
.L_overlay_start_2:
0x5a: {  	(tag) =	ssettag $0x2  }
0x5b: {  	s0 =	rddreg [dreg:$0x0];
	s2 =	stileid.u32  }
0x5c: {  	s1 =	rddreg [dreg:$0x1];
	p0 =	sne.s32 s2, $0x0  }
0x5d: {  	s3 =	rddreg [dreg:$0x2];
	[bflag:$0x3] =	sbarrier.arrive $0xFFFF;
	s2 =	simm.s32 @!p0 $0x1C02  }
0x5e: {  	[timem:s3], [sflag:s2] =	dma.local @!p0 [hbm:s0], s1  }
0x5f: {  	s0 =	simm.s32 @!p0 $0x2  }
0x60: {  	_ =	swait.ge @!p0 [sflag:s0], s1  }
0x61: {  	s1 =	ssub.s32 @!p0 $0x0, s1;
	[sflag:s0] =	ssyncset.done @!p0 $0x0  }
0x62: {  	[sflag:s0] =	ssyncadd.s32 @!p0 s1  }
0x63: {  	[bflag:$0x3] =	sbarrier.arrive $0xFFFF  }
0x64: {  	_ =	shalt  }

// kernel: kernel.25.cloned.1.call-start
scs
__scs_entry_jumppad:
0x0: {  	(pc) =	sbr.rel $0x88, $3  }
0x1: {  	(tag) =	ssettag $0x0;
	lr =	simm.s32 $0x1  }
0x2: {  	[smem:$0x3F7C] =	sst lr;
	_ =	strace $0xD0000000  }
0x3: {  	_ = 	snop  }
0x4: {  	_ = 	snop  }
0x5: {  	_ = 	snop  }
0x6: {  	_ = 	snop  }
0x7: {  	_ = 	snop  }
__scs_overlays_trampoline_lowered:
0x8: {  	[smem:$0x3F8B] =	sst s0  }
0x9: {  	[smem:$0x3F8C] =	sst s1  }
0xa: {  	[smem:$0x3F8D] =	sst s2  }
0xb: {  	[smem:$0x3F8E] =	sst s3  }
0xc: {  	[smem:$0x3F8F] =	sst s4  }
0xd: {  	[smem:$0x3F90] =	sst s5  }
0xe: {  	[smem:$0x3F91] =	sst s6  }
0xf: {  	[smem:$0x3F92] =	sst s7  }
0x10: {  	[smem:$0x3F93] =	sst s8  }
0x11: {  	[smem:$0x3F94] =	sst s9;
	s0 =	simm.s32 @!p0 $0x0  }
0x12: {  	s1 =	sld [smem:$0x3F7A];
	s0 =	simm.s32 @p0 $0x1  }
0x13: {  	[smem:$0x3F95] =	sst s0;
	s0 =	simm.s32 @!p1 $0x0  }
0x14: {  	s2 =	sld [smem:$0x3F79];
	s0 =	simm.s32 @p1 $0x1  }
0x15: {  	[smem:$0x3F96] =	sst s0;
	s0 =	simm.s32 @!p2 $0x0  }
0x16: {  	s3 =	sld [smem:$0x3FDB];
	s0 =	simm.s32 @p2 $0x1  }
0x17: {  	s4 =	simm.s32 $0x1BF5;
	[smem:$0x3F98] =	sst s0  }
0x18: {  	s0 =	sld [smem:$0x3F7B];
	_ =	swait.ge [sflag:s4], $0x0  }
0x19: {  	s7 =	sld [smem:$0x3F7C]  }
0x1a: {  	s8 =	sadd.s32 $0xFFFFE003, lr  }
0x1b: {  	s9 =	sadd.s32 $0xFFFFFEF7, lr;
	s5 =	simm.s32 $0xFFFFFFFF;
	p2 =	slt.u32 s8, $0xFFFFF086  }
0x1c: {  	p1 =	slt.u32 s9, $0xF7A;
	s5 =	simm.s32 @!p2 $0x0  }
0x1d: {  	s5 =	simm.s32 @p1 $0x1;
	p0 =	seq.s32 s7, s2  }
0x1e: {  	s7 =	smul.u32 @!p0 $0xF7A, s2;
	p2 =	seq.s32 @!p0 s5, $0x0  }
0x1f: {  	s9 =	smul.u32 $0xF7A, s1;
	s8 =	simm.s32 @!p0 $0x1BF5;
	p2 =	por !p2, p0  }
0x20: {  	[sflag:s8] =	ssyncset.s32 @!p0 $0xFFFFF086;
	s6 =	sadd.s32 @!p0 s3, s7;
	s7 =	simm.s32 @!p0 $0x108  }
0x21: {  	s3 =	sadd.s32 s3, s9;
	s6 =	sadd.s32 @!p0 $0x88, s6;
	s7 =	simm.s32 @p2 $0x1082  }
0x22: {  	[simem:s7], [sflag:s8] =	dma.local @!p0 [hbm:s6], $0xF7A  }
0x23: {  	s9 =	sor.u32 $0xD0000000, s2;
	s6 =	simm.s32 $0x108;
	_ =	swait.ge @!p0 [sflag:s8], $0x0  }
0x24: {  	s3 =	sadd.s32 $0x88, s3;
	s6 =	simm.s32 @!p1 $0x1082;
	[sflag:s4] =	ssyncset.s32 $0xFFFFF086  }
0x25: {  	[simem:s6], [sflag:s4] =	dma.local [hbm:s3], $0xF7A  }
0x26: {  	[smem:$0x3F7C] =	sst s1;
	(tag) =	ssettag s2;
	_ =	strace s9  }
0x27: {  	s1 =	sld [smem:$0x3F8C]  }
0x28: {  	s2 =	sld [smem:$0x3F8D]  }
0x29: {  	s4 =	sld [smem:$0x3F8F]  }
0x2a: {  	p0 =	seq.s32 s5, $0x0;
	s5 =	sld [smem:$0x3F90]  }
0x2b: {  	s6 =	sld [smem:$0x3F91]  }
0x2c: {  	s7 =	sld [smem:$0x3F92]  }
0x2d: {  	s3 =	simm.s32 $0x108;
	s8 =	sld [smem:$0x3F93]  }
0x2e: {  	s3 =	simm.s32 @!p0 $0x1082;
	s9 =	sld [smem:$0x3F94]  }
0x2f: {  	lr =	sadd.s32 s0, s3;
	s0 =	sld [smem:$0x3F8B]  }
0x30: {  	s3 =	sld [smem:$0x3F8E]  }
0x31: {  	[smem:$0x3F97] =	sst s10  }
0x32: {  	s10 =	sld [smem:$0x3F95];
	_ =	sdelay $0x3  }
0x33: {  	p0 =	seq.s32 s10, $0x1;
	s10 =	sld [smem:$0x3F97];
	_ =	sdelay $0x3  }
0x34: {  	[smem:$0x3F97] =	sst s10  }
0x35: {  	s10 =	sld [smem:$0x3F96];
	_ =	sdelay $0x3  }
0x36: {  	p1 =	seq.s32 s10, $0x1;
	s10 =	sld [smem:$0x3F97];
	_ =	sdelay $0x3  }
0x37: {  	[smem:$0x3F97] =	sst s10  }
0x38: {  	s10 =	sld [smem:$0x3F98]  }
0x39: {  	_ = 	snop;
	(pc) =	sbr.ind lr, $3  }
0x3a: {  	_ = 	snop  }
0x3b: {  	_ = 	snop  }
0x3c: {  	p2 =	seq.s32 s10, $0x1;
	s10 =	sld [smem:$0x3F97]  }
0x3d: {  	_ =	shalt  }
0x3e: {  	_ =	shalt  }
0x3f: {  	_ =	shalt  }
0x40: {  	_ =	shalt  }
0x41: {  	_ =	shalt  }
0x42: {  	_ =	shalt  }
0x43: {  	_ =	shalt  }
0x44: {  	_ =	shalt  }
0x45: {  	_ =	shalt  }
0x46: {  	_ =	shalt  }
0x47: {  	_ =	shalt  }
0x48: {  	_ =	shalt  }
0x49: {  	_ =	shalt  }
0x4a: {  	_ =	shalt  }
0x4b: {  	_ =	shalt  }
0x4c: {  	_ =	shalt  }
0x4d: {  	_ =	shalt  }
0x4e: {  	_ =	shalt  }
0x4f: {  	_ =	shalt  }
0x50: {  	_ =	shalt  }
0x51: {  	_ =	shalt  }
0x52: {  	_ =	shalt  }
0x53: {  	_ =	shalt  }
0x54: {  	_ =	shalt  }
0x55: {  	_ =	shalt  }
0x56: {  	_ =	shalt  }
0x57: {  	_ =	shalt  }
0x58: {  	_ =	shalt  }
0x59: {  	_ =	shalt  }
0x5a: {  	_ =	shalt  }
0x5b: {  	_ =	shalt  }
0x5c: {  	_ =	shalt  }
0x5d: {  	_ =	shalt  }
0x5e: {  	_ =	shalt  }
0x5f: {  	_ =	shalt  }
0x60: {  	_ =	shalt  }
0x61: {  	_ =	shalt  }
0x62: {  	_ =	shalt  }
0x63: {  	_ =	shalt  }
0x64: {  	_ =	shalt  }
0x65: {  	_ =	shalt  }
0x66: {  	_ =	shalt  }
0x67: {  	_ =	shalt  }
0x68: {  	_ =	shalt  }
0x69: {  	_ =	shalt  }
0x6a: {  	_ =	shalt  }
0x6b: {  	_ =	shalt  }
0x6c: {  	_ =	shalt  }
0x6d: {  	_ =	shalt  }
0x6e: {  	_ =	shalt  }
0x6f: {  	_ =	shalt  }
0x70: {  	_ =	shalt  }
0x71: {  	_ =	shalt  }
0x72: {  	_ =	shalt  }
0x73: {  	_ =	shalt  }
0x74: {  	_ =	shalt  }
0x75: {  	_ =	shalt  }
0x76: {  	_ =	shalt  }
0x77: {  	_ =	shalt  }
0x78: {  	_ =	shalt  }
0x79: {  	_ =	shalt  }
0x7a: {  	_ =	shalt  }
0x7b: {  	_ =	shalt  }
0x7c: {  	_ =	shalt  }
0x7d: {  	_ =	shalt  }
0x7e: {  	_ =	shalt  }
0x7f: {  	_ =	shalt  }
0x80: {  	_ =	shalt  }
0x81: {  	_ =	shalt  }
0x82: {  	_ =	shalt  }
0x83: {  	_ =	shalt  }
0x84: {  	_ =	shalt  }
0x85: {  	_ =	shalt  }
0x86: {  	_ =	shalt  }
0x87: {  	_ =	shalt  }
.Lfunc_end0:
.L_simem_size_0:
called_computation.3_lowered:
.L_overlay_start_0:
0x88: {  	s2 =	sld [smem:$0x3FD9]  }
0x89: {  	s3 =	sld [smem:$0x3FFE];
	_ =	sdelay $0x1  }
0x8a: {  	s1 =	srdreg.scid  }
0x8b: {  	s0 =	sand.u32 $0x1, s1  }
0x8c: {  	s16 =	sshll.u32 s0, $0xA;
	s2 =	sadd.s32 s3, s2  }
0x8d: {  	s2 =	sadd.s32 s2, s16  }
0x8e: {  	[smem:$0x3FA3] =	sst s2  }
0x8f: {  	_ = 	snop  }
0x90: {  	(tm) =	ssettm $0x1  }
0x91: {  	s17 =	sld [smem:$0x3FFB];
	_ =	sdelay $0x3  }
0x92: {  	_ =	strace s17  }
0x93: {  	s2 =	sld [smem:$0x3FFC];
	_ =	sdelay $0x3  }
0x94: {  	_ =	strace s2  }
0x95: {  	s2 =	sld [smem:$0x3FFD];
	_ =	sdelay $0x3  }
0x96: {  	_ =	strace s2  }
0x97: {  	_ =	strace $0x8FFFFFFF  }
0x98: {  	s18 =	sld [smem:$0x3FDB];
	_ =	sdelay $0x1  }
0x99: {  	s19 =	simm.s32 $_scs_section_size  }
0x9a: {  	s4 =	simm.s32 $_size__tile_overlayer_lowered;
	s5 =	simm.s32 $_tile_overlayer_lowered  }
0x9b: {  	s22 =	simm.s32 $0x1BFF;
	s21 =	sshll.u32 s5, $0x1;
	s2 =	sadd.s32 s19, s18  }
0x9c: {  	s6 =	simm.s32 $0x0;
	s20 =	sshll.u32 s4, $0x1;
	s4 =	sadd.s32 s21, s2  }
0x9d: {  	[timem:s6], [sflag:s22] =	dma.local [hbm:s4], s20  }
0x9e: {  	_ =	swait.ge [sflag:s22], s20  }
0x9f: {  	s3 =	ssub.s32 $0x0, s20;
	[sflag:s22] =	ssyncset.done $0x0  }
0xa0: {  	[sflag:s22] =	ssyncadd.s32 s3;
	_ =	sdelay $0x1  }
0xa1: {  	s23 =	simm.s32 $0x1B8B  }
0xa2: {  	_ =	swait.ge [sflag:s23], $0x1  }
0xa3: {  	[sflag:s23] =	ssyncset.done $0x0  }
0xa4: {  	s25 =	simm.s32 $0x1B8E;
	s24 =	sld [smem:$0x3FFE];
	[sflag:s23] =	ssyncadd.s32 $0xFFFFFFFF  }
0xa5: {  	s26 =	simm.s32 $execute0_lowered;
	[smem:$0x3FD2] =	sst s25  }
0xa6: {  	s4 =	sshll.u32 s26, $0x1;
	_ =	strace $0x8000004F;
	[dreg:$0x1] =	wrdreg $0xFFFFFFFF  }
0xa7: {  	s28 =	simm.s32 $_size_execute0_lowered;
	s2 =	sadd.s32 s2, s4;
	[dreg:$0x0] =	wrdreg $0x0  }
0xa8: {  	s4 =	sshll.u32 s28, $0x1;
	[dreg:$0x2] =	wrdreg s2  }
0xa9: {  	[dreg:$0x3] =	wrdreg s4  }
0xaa: {  	[dreg:$0x4] =	wrdreg $0xC0  }
0xab: {  	_ =	task [dreg:s6], $0x5FFFF  }
0xac: {  	[dreg:$0x1] =	wrdreg $0xFFFFFFFF  }
0xad: {  	[dreg:$0x0] =	wrdreg $0x60  }
0xae: {  	[dreg:$0x2] =	wrdreg s24  }
0xaf: {  	[dreg:$0x3] =	wrdreg $0x9  }
0xb0: {  	_ =	task.clear_ibuf [dreg:s6], $0x4FFFF;
	_ =	strace $0x9000004F  }
0xb1: {  	s29 =	simm.s32 $0x9;
	_ =	strace $0x80000051  }
0xb2: {  	_ =	swait.ge [sflag:s29], $0x1  }
0xb3: {  	[sflag:s29] =	ssyncadd.s32 $0xFFFFFFFF  }
0xb4: {  	_ =	strace $0x90000051  }
0xb5: {  	_ =	sfence  }
0xb6: {  	s30 =	sld [smem:$0x0];
	_ =	sdelay $0x2  }
0xb7: {  	s31 =	sshll.u32 s1, $0xD;
	s1 =	sshrl.u32 s1, $0x2  }
0xb8: {  	s3 =	sand.u32 $0x4000, s31;
	s1 =	sadd.s32 s1, s30  }
0xb9: {  	s0 =	sor.u32 s3, s0;
	s1 =	sshll.u32 s1, $0x11  }
0xba: {  	s0 =	sor.u32 s1, s0  }
0xbb: {  	s0 =	sadd.s32 $0x8F2B, s0  }
0xbc: {  	[sflag:s0] =	ssyncadd.remote.s32 $0x1  }
0xbd: {  	_ =	sfence.sel $0xFFFF  }
0xbe: {  	[dreg:$0x0] =	wrdreg $0xFFFFFFFF;
	(pc) =	sbr.abs _section_cstart, $3  }
0xbf: {  	[dreg:$0x1] =	wrdreg $0xFFFFFFFF  }
0xc0: {  	_ =	task.clear_ibuf [dreg:s6], $0x2FFFF;
	_ =	strace $0x9FFFFFFF  }
0xc1: {  	(tm) =	ssettm $0x7FFFFFFF  }
tec
execute0_lowered:
.L_overlay_start_1:
0x0: {  	(tag) =	ssettag $0x1  }
0x1: {  	s4 =	rddreg [dreg:$0x0]  }
0x2: {  	s0 =	rddreg [dreg:$0x1];
	s2 =	simm.s32 $0x0;
	s5 =	srdreg.scid  }
0x3: {  	s1 =	stileid.u32;
	s11 =	simm.s32 $0x7000;
	s12 =	simm.s32 $0x9800  }
0x4: {  	s13 =	simm.s32 $0x1;
	s14 =	simm.s32 $0x0;
	[smem:$0x7FF] =	sst s2  }
0x5: {  	s3 =	sadd.s32 $0x8800, s4;
	s5 =	sand.u32 $0x1, s5;
	s6 =	sshll.u32 s1, $0xB  }
0x6: {  	s8 =	smul.u32 $0x28000, s1;
	_ =	strace $0x80000050;
	s7 =	sshll.u32 s5, $0xA  }
0x7: {  	s9 =	ssub.s32 $0x2, s5;
	s10 =	smul.u32 $0x14000, s5;
	s6 =	sor.u32 s7, s6  }
0x8: {  	s29 =	sshrl.u32 s9, $0x1;
	s31 =	sadd.s32 s8, s4;
	s8 =	simm.s32 $0x50  }
0x9: {  	s30 =	sadd.s32 s6, s4;
	s7 =	ssub.s32 s9, s29;
	s6 =	sadd.s32 s10, s31  }
0xa: {  	s9 =	simm.s32 $0x2000;
	s10 =	simm.s32 $0x4800;
	s4 =	sadd.s32 $0x88800, s30  }
0xb: {  	s5 =	smax.u32 s7, $0x1;
	s6 =	sadd.s32 $0x90800, s6;
	s7 =	simm.s32 $0x2  }
.LBB2_1:
0xc: {  	[tilespmem:s2], [sflag:$0x2] =	stream.linear.gather [hbm4b:s4+s2], $0x2000, $0x38;
	[tilespmem:$0xC000] =	vst v63  }
0xd: {  	_ =	swait.ge [sflag:s7], $0x2000  }
0xe: {  	[sflag:s7] =	ssyncset.done $0x0  }
0xf: {  	s15 =	simm.s32 $0x0;
	[sflag:s7] =	ssyncadd.s32 $0xFFFFE000  }
0x10: {  	[tilespmem:s9], [sflag:$0x1] =	stream.indirect.gather [hbm4b:s3+s8], $0x80, s15, s8, $0xb8;
	[tilespmem:$0xC000] =	vst v63  }
0x11: {  	s28 =	simm.s32 $0x80  }
0x12: {  	[tilespmem:s10], [sflag:$0x1] =	stream.indirect.gather [hbm4b:s3+s8], $0x80, s28, s8, $0xb8;
	[tilespmem:$0xC000] =	vst v63  }
0x13: {  	s29 =	simm.s32 $0x100  }
0x14: {  	[tilespmem:s11], [sflag:$0x1] =	stream.indirect.gather [hbm4b:s3+s8], $0x80, s29, s8, $0xb8;
	[tilespmem:$0xC000] =	vst v63  }
0x15: {  	s30 =	simm.s32 $0x180  }
0x16: {  	[tilespmem:s12], [sflag:$0x1] =	stream.indirect.gather [hbm4b:s3+s8], $0x80, s30, s8, $0xb8;
	[tilespmem:$0xC000] =	vst v63  }
0x17: {  	_ =	swait.ge [sflag:s13], $0x2800  }
0x18: {  	[sflag:s13] =	ssyncset.done $0x0  }
0x19: {  	[sflag:s13] =	ssyncadd.s32 $0xFFFFD800  }
0x1a: {  	_ =	swait.ge [sflag:s13], $0x2800  }
0x1b: {  	[sflag:s13] =	ssyncset.done $0x0  }
0x1c: {  	[sflag:s13] =	ssyncadd.s32 $0xFFFFD800  }
0x1d: {  	_ =	swait.ge [sflag:s13], $0x2800  }
0x1e: {  	[sflag:s13] =	ssyncset.done $0x0  }
0x1f: {  	[sflag:s13] =	ssyncadd.s32 $0xFFFFD800  }
0x20: {  	_ =	swait.ge [sflag:s13], $0x2800  }
0x21: {  	[sflag:s13] =	ssyncset.done $0x0  }
0x22: {  	s31 =	sadd.s32 $0x0, s6;
	[sflag:s13] =	ssyncadd.s32 $0xFFFFD800  }
0x23: {  	[hbm4b:s31+s2] =	stream.linear.scatter [tilespmem:s9], [sflag:$0x2], $0xA000, $0x38;
	[tilespmem:$0xC000] =	vst v63  }
0x24: {  	s17 =	simm.s32 $0x2800;
	_ =	swait.ge [sflag:s7], $0xA000  }
0x25: {  	s16 =	simm.s32 $0x380;
	s15 =	simm.s32 $0x1400;
	[sflag:s7] =	ssyncset.done $0x0  }
.LBB2_2:
0x26: {  	p0 =	sne.s32 s17, $0x12C00;
	s18 =	sadd.s32 $0xFFFFFE80, s16;
	[sflag:s7] =	ssyncadd.s32 $0xFFFF6000  }
0x27: {  	[tilespmem:s9], [sflag:$0x1] =	stream.indirect.gather [hbm4b:s3+s8], $0x80, s18, s8, $0xb8;
	[tilespmem:$0xC000] =	vst v63  }
0x28: {  	s19 =	smov.u32 s17;
	s17 =	sadd.s32 $0x1400, s17;
	s18 =	sadd.s32 $0xFFFFFF00, s16  }
0x29: {  	[tilespmem:s10], [sflag:$0x1] =	stream.indirect.gather [hbm4b:s3+s8], $0x80, s18, s8, $0xb8;
	[tilespmem:$0xC000] =	vst v63  }
0x2a: {  	s18 =	sadd.s32 $0xFFFFFF80, s16  }
0x2b: {  	[tilespmem:s11], [sflag:$0x1] =	stream.indirect.gather [hbm4b:s3+s8], $0x80, s18, s8, $0xb8;
	[tilespmem:$0xC000] =	vst v63  }
0x2c: {  	_ = 	snop  }
0x2d: {  	[tilespmem:s12], [sflag:$0x1] =	stream.indirect.gather [hbm4b:s3+s8], $0x80, s16, s8, $0xb8;
	[tilespmem:$0xC000] =	vst v63  }
0x2e: {  	_ =	swait.ge [sflag:s13], $0x2800  }
0x2f: {  	[sflag:s13] =	ssyncset.done $0x0  }
0x30: {  	[sflag:s13] =	ssyncadd.s32 $0xFFFFD800  }
0x31: {  	_ =	swait.ge [sflag:s13], $0x2800  }
0x32: {  	[sflag:s13] =	ssyncset.done $0x0  }
0x33: {  	[sflag:s13] =	ssyncadd.s32 $0xFFFFD800  }
0x34: {  	_ =	swait.ge [sflag:s13], $0x2800  }
0x35: {  	[sflag:s13] =	ssyncset.done $0x0  }
0x36: {  	[sflag:s13] =	ssyncadd.s32 $0xFFFFD800  }
0x37: {  	_ =	swait.ge [sflag:s13], $0x2800  }
.Ltmp0:
0x38: {  	[sflag:s13] =	ssyncset.done $0x0;
	(pc) =	sbr.rel @p0 .LBB2_2-.Ltmp0, $4  }
0x39: {  	s18 =	sadd.s32 s15, s6;
	s15 =	smov.u32 s19;
	[sflag:s13] =	ssyncadd.s32 $0xFFFFD800  }
0x3a: {  	[hbm4b:s18+s2] =	stream.linear.scatter [tilespmem:s9], [sflag:$0x2], $0xA000, $0x38;
	[tilespmem:$0xC000] =	vst v63  }
0x3b: {  	_ =	swait.ge [sflag:s7], $0xA000  }
0x3c: {  	s16 =	sadd.s32 $0x200, s16;
	[sflag:s7] =	ssyncset.done $0x0  }
0x3d: {  	s17 =	sadd.s32 $0xFFFFFE80, s16;
	[sflag:s7] =	ssyncadd.s32 $0xFFFF6000  }
0x3e: {  	[tilespmem:s9], [sflag:$0x1] =	stream.indirect.gather [hbm4b:s3+s8], $0x80, s17, s8, $0xb8;
	[tilespmem:$0xC000] =	vst v63  }
0x3f: {  	s30 =	sadd.s32 $0xFFFFFF00, s16  }
0x40: {  	[tilespmem:s10], [sflag:$0x1] =	stream.indirect.gather [hbm4b:s3+s8], $0x80, s30, s8, $0xb8;
	[tilespmem:$0xC000] =	vst v63  }
0x41: {  	s31 =	sadd.s32 $0xFFFFFF80, s16  }
0x42: {  	[tilespmem:s11], [sflag:$0x1] =	stream.indirect.gather [hbm4b:s3+s8], $0x80, s31, s8, $0xb8;
	[tilespmem:$0xC000] =	vst v63  }
0x43: {  	_ = 	snop  }
0x44: {  	[tilespmem:s12], [sflag:$0x1] =	stream.indirect.gather [hbm4b:s3+s8], $0x80, s16, s8, $0xb8;
	[tilespmem:$0xC000] =	vst v63  }
0x45: {  	_ =	swait.ge [sflag:s13], $0x2800  }
0x46: {  	[sflag:s13] =	ssyncset.done $0x0  }
0x47: {  	[sflag:s13] =	ssyncadd.s32 $0xFFFFD800  }
0x48: {  	_ =	swait.ge [sflag:s13], $0x2800  }
0x49: {  	[sflag:s13] =	ssyncset.done $0x0  }
0x4a: {  	[sflag:s13] =	ssyncadd.s32 $0xFFFFD800  }
0x4b: {  	_ =	swait.ge [sflag:s13], $0x2800  }
0x4c: {  	[sflag:s13] =	ssyncset.done $0x0  }
0x4d: {  	[sflag:s13] =	ssyncadd.s32 $0xFFFFD800  }
0x4e: {  	s14 =	sadd.s32 $0x1, s14;
	_ =	swait.ge [sflag:s13], $0x2800  }
0x4f: {  	p0 =	sne.s32 s14, s5;
	[sflag:s13] =	ssyncset.done $0x0  }
.Ltmp1:
0x50: {  	s15 =	sadd.s32 s15, s6;
	[sflag:s13] =	ssyncadd.s32 $0xFFFFD800;
	(pc) =	sbr.rel @p0 .LBB2_1-.Ltmp1, $4  }
0x51: {  	[hbm4b:s15+s2] =	stream.linear.scatter [tilespmem:s9], [sflag:$0x2], $0xA000, $0x38;
	[tilespmem:$0xC000] =	vst v63  }
0x52: {  	_ =	swait.ge [sflag:s7], $0xA000  }
0x53: {  	[sflag:s7] =	ssyncset.done $0x0  }
0x54: {  	[sflag:s7] =	ssyncadd.s32 $0xFFFF6000  }
0x55: {  	_ =	sfence.sel $0x180000  }
0x56: {  	[bflag:$0x0] =	sbarrier.arrive $0xFFFF  }
0x57: {  	p0 =	sne.s32 s1, $0x0;
	_ =	strace $0x90000050  }
0x58: {  	s0 =	sadd.s32 @!p0 $0x100000, s0;
	[bflag:$0x2] =	sbarrier.arrive $0xFFFF  }
0x59: {  	[sflag:s0] =	ssyncadd.tile.s32 @!p0 $0x1;
	_ =	shalt  }
.Lfunc_end2:
_tile_overlayer_lowered:
.L_overlay_start_2:
0x5a: {  	(tag) =	ssettag $0x2  }
0x5b: {  	s0 =	rddreg [dreg:$0x0];
	s2 =	stileid.u32  }
0x5c: {  	s1 =	rddreg [dreg:$0x1];
	p0 =	sne.s32 s2, $0x0  }
0x5d: {  	s3 =	rddreg [dreg:$0x2];
	[bflag:$0x3] =	sbarrier.arrive $0xFFFF;
	s2 =	simm.s32 @!p0 $0x1C02  }
0x5e: {  	[timem:s3], [sflag:s2] =	dma.local @!p0 [hbm:s0], s1  }
0x5f: {  	s0 =	simm.s32 @!p0 $0x2  }
0x60: {  	_ =	swait.ge @!p0 [sflag:s0], s1  }
0x61: {  	s1 =	ssub.s32 @!p0 $0x0, s1;
	[sflag:s0] =	ssyncset.done @!p0 $0x0  }
0x62: {  	[sflag:s0] =	ssyncadd.s32 @!p0 s1  }
0x63: {  	[bflag:$0x3] =	sbarrier.arrive $0xFFFF  }
0x64: {  	_ =	shalt  }

</sc_bundles>
